<compile_context>
chip_gen: v7x
topology: tpu7x:2x2x1
jax: 0.10.2.dev20260603
libtpu: 0.0.44.dev20260713+nightly
codegen_flags: <defaults>
</compile_context>

<pallas_src>
import functools

import jax
import jax.numpy as jnp
from jax import lax
from jax.experimental import pallas as pl
from jax.experimental.pallas import tpu as pltpu
from jax.experimental.pallas import tpu_sc as plsc

_INFO = plsc.get_sparse_core_info()
_NC = _INFO.num_cores
_NS = _INFO.num_subcores
_NW = _NC * _NS
_L = _INFO.num_lanes

_CHUNK = 2048
_HALF = _CHUNK // 2
_IBUF = 3
_PITCH = _HALF + 1


@functools.partial(jax.jit, static_argnums=(2, 3))
def _gather_t(idx_t, table, batch, hist):
    D = table.shape[1]
    n_hgrp = 8
    n_bq = _NW // n_hgrp
    h_per_grp = hist // n_hgrp
    b_per_q = batch // n_bq
    nchunks = h_per_grp * (b_per_q // _CHUNK)
    mesh = plsc.VectorSubcoreMesh(core_axis_name="c", subcore_axis_name="s")

    @functools.partial(
        pl.kernel,
        mesh=mesh,
        out_type=jax.ShapeDtypeStruct((hist, D, batch), jnp.float32),
        scratch_types=[
            pltpu.VMEM((_IBUF, _CHUNK), jnp.int32),
            pltpu.VMEM((2, _CHUNK, D), jnp.float32),
            pltpu.VMEM((2, D, _PITCH), jnp.float32),
            pltpu.SemaphoreType.DMA((_IBUF,)),
            pltpu.SemaphoreType.DMA((2,)),
            pltpu.SemaphoreType.DMA((2,)),
        ],
        compiler_params=pltpu.CompilerParams(
            use_tc_tiling_on_sc=False, needs_layout_passes=False),
    )
    def k(idx_hbm, table_hbm, out_hbm, idx_v, rows_v, cols_v,
          isem, gsem, osem):
        wid = lax.axis_index("s") * _NC + lax.axis_index("c")
        h_base = (wid // n_bq) * h_per_grp
        b_base = (wid % n_bq) * b_per_q
        last = nchunks - 1

        def idx_cp(c):
            s = lax.rem(c, _IBUF)
            off = (h_base + c // 2) * batch + b_base + lax.rem(c, 2) * _CHUNK
            return pltpu.make_async_copy(
                idx_hbm.at[pl.ds(off, _CHUNK)], idx_v.at[s], isem.at[s])

        def gather(c):
            s = lax.rem(c, 2)
            return pltpu.make_async_copy(
                table_hbm.at[idx_v.at[lax.rem(c, _IBUF)]], rows_v.at[s],
                gsem.at[s])

        def out(c, sub):
            h = h_base + c // 2
            b0 = b_base + lax.rem(c, 2) * _CHUNK + sub * _HALF
            return pltpu.make_async_copy(
                cols_v.at[sub, :, pl.ds(0, _HALF)],
                out_hbm.at[h, :, pl.ds(b0, _HALF)], osem.at[sub])

        def out_start(c, sub):
            out(c, sub).start()

        def out_wait(c, sub):
            out(c, sub).wait()

        lane = lax.iota(jnp.int32, _L)
        _UNROLL = 8

        def transpose(rs, sub):
            base = sub * _HALF

            def body(u, carry):
                i0 = u * _UNROLL
                for du in range(_UNROLL):
                    v = rows_v[rs, base + i0 + du, :]
                    ii = jnp.full((_L,), i0 + du, jnp.int32)
                    plsc.store_scatter(cols_v.at[sub], [lane, ii], v)
                return carry
            lax.fori_loop(0, _HALF // _UNROLL, body, 0)

        def finish(c, osem_wait):
            rs = lax.rem(c, 2)
            for sub in range(2):
                if osem_wait:
                    out_wait(c - 1, sub)
                transpose(rs, sub)
                out_start(c, sub)

        for c in range(_IBUF):
            idx_cp(c).start()
        idx_cp(0).wait()
        gather(0).start()
        idx_cp(1).wait()
        gather(1).start()
        gather(0).wait()
        idx_cp(_IBUF).start()
        finish(0, False)

        def step(c, carry):
            idx_cp(c).wait()
            gather(c).start()
            gather(c - 1).wait()
            @pl.when(c + _IBUF - 1 <= last)
            def _():
                idx_cp(c + _IBUF - 1).start()
            finish(c - 1, True)
            return carry

        lax.fori_loop(2, nchunks, step, 0)

        gather(last).wait()
        finish(last, True)
        for sub in range(2):
            out_wait(last, sub)

    return k(idx_t, table)


def kernel(input_ids, table):
    Bt, H = input_ids.shape
    D = table.shape[1]
    idx_t = input_ids.T.reshape(-1).astype(jnp.int32)
    out_t = _gather_t(idx_t, table, Bt, H)
    return out_t.transpose(2, 0, 1)

# --- scband reference (transcript-rebuilt; emitter-appended) ---
"""Pipeline reference for scband-basic-embedding-layer-87660282511434 (READ-ONLY COPY).

The authoritative reference and input builder live on the scoring server;
editing this copy changes nothing except your own understanding.
"""

import jax, jax.numpy as jnp
import numpy as np

VOCAB = 1000000
EMBED_DIM = 16
BATCH = 16384
HIST = 200

def setup_inputs(seed: int = 0) -> dict:
    key = jax.random.key(seed)
    k_idx, k_tab = jax.random.split(key)
    input_ids = jax.random.randint(k_idx, (BATCH, HIST), 0, VOCAB, dtype=jnp.int64 if jax.config.jax_enable_x64 else jnp.int32)
    table = jax.random.normal(k_tab, (VOCAB, EMBED_DIM), dtype=jnp.float32)
    return {"input_ids": input_ids, "table": table}

def reference(input_ids, table):
    # BasicEmbeddingLayer.forward: nn.Embedding lookup -> gather rows from table
    return jnp.take(table, input_ids, axis=0)

if __name__ == "__main__":
    import jax
    _d = setup_inputs()
    print(jax.jit(kernel)(*tuple(_d.values())))

</pallas_src>

<mosaic_0001>
#map = affine_map<(d0, d1) -> (0)>
#map1 = affine_map<(d0, d1) -> (0, 0)>
#map2 = affine_map<(d0, d1) -> (0, 0, 0)>
module attributes {stable_mosaic.version = 14 : i64} {
  func.func @k(%arg0: i32, %arg1: i32, %arg2: memref<3276800xi32, #tpu.memory_space<hbm>>, %arg3: memref<1000000x16xf32, #tpu.memory_space<hbm>>, %arg4: memref<200x16x16384xf32, #tpu.memory_space<hbm>>, %arg5: memref<3x2048xi32, #tpu.memory_space<vmem>>, %arg6: memref<2x2048x16xf32, #tpu.memory_space<vmem>>, %arg7: memref<2x16x1025xf32, #tpu.memory_space<vmem>>, %arg8: memref<3x!tpu.dma_semaphore, #tpu.memory_space<semaphore_mem>>, %arg9: memref<2x!tpu.dma_semaphore, #tpu.memory_space<semaphore_mem>>, %arg10: memref<2x!tpu.dma_semaphore, #tpu.memory_space<semaphore_mem>>) attributes {dimension_semantics = [#tpu.dimension_semantics<core_parallel>, #tpu.dimension_semantics<subcore_parallel>], iteration_bounds = array<i64: 2, 16>, scalar_prefetch = 0 : i64, scratch_operands = 6 : i64, tpu.core_type = #tpu.core_type<sc_vector_subcore>, window_params = [{transform_indices = #map}, {transform_indices = #map1}, {transform_indices = #map2}]} {
    %mul3A = arith.constant 2 : i32
    %mul3A_0 = arith.muli %arg1, %mul3A : i32
    %add3A = arith.addi %mul3A_0, %arg0 : i32
    %jit3A = arith.constant 4 : i32
    %div3A = arith.divsi %add3A, %jit3A : i32
    %sign3A = arith.constant 0 : i32
    %sign3A_1 = arith.cmpi sgt, %add3A, %sign3A : i32
    %sign3A_2 = arith.extui %sign3A_1 : i1 to i32
    %sign3A_3 = arith.constant 0 : i32
    %sign3A_4 = arith.cmpi slt, %add3A, %sign3A_3 : i32
    %sign3A_5 = arith.extui %sign3A_4 : i1 to i32
    %sign3A_6 = arith.subi %sign3A_2, %sign3A_5 : i32
    %sign3A_7 = arith.constant 0 : i32
    %sign3A_8 = arith.cmpi sgt, %jit3A, %sign3A_7 : i32
    %sign3A_9 = arith.extui %sign3A_8 : i1 to i32
    %sign3A_10 = arith.constant 0 : i32
    %sign3A_11 = arith.cmpi slt, %jit3A, %sign3A_10 : i32
    %sign3A_12 = arith.extui %sign3A_11 : i1 to i32
    %sign3A_13 = arith.subi %sign3A_9, %sign3A_12 : i32
    %ne3A = arith.cmpi ne, %sign3A_6, %sign3A_13 : i32
    %rem3A = arith.remsi %add3A, %jit3A : i32
    %ne3A_14 = arith.constant 0 : i32
    %ne3A_15 = arith.cmpi ne, %rem3A, %ne3A_14 : i32
    %and3A = arith.andi %ne3A, %ne3A_15 : i1
    %sub3A = arith.constant 1 : i32
    %sub3A_16 = arith.subi %div3A, %sub3A : i32
    %select_n3A = arith.select %and3A, %sub3A_16, %div3A : i32
    %mul3A_17 = arith.constant 25 : i32
    %mul3A_18 = arith.muli %select_n3A, %mul3A_17 : i32
    %jit3A_19 = arith.constant 4 : i32
    %eq3A = arith.constant 0 : i32
    %eq3A_20 = arith.cmpi eq, %jit3A_19, %eq3A : i32
    %jit3A_21 = arith.constant 1 : i32
    %select_n3A_22 = arith.select %eq3A_20, %jit3A_21, %jit3A_19 : i32
    %rem3A_23 = arith.remsi %add3A, %select_n3A_22 : i32
    %ne3A_24 = arith.constant 0 : i32
    %ne3A_25 = arith.cmpi ne, %rem3A_23, %ne3A_24 : i32
    %lt3A = arith.constant 0 : i32
    %lt3A_26 = arith.cmpi slt, %rem3A_23, %lt3A : i32
    %lt3A_27 = arith.constant 0 : i32
    %lt3A_28 = arith.cmpi slt, %select_n3A_22, %lt3A_27 : i32
    %ne3A_29 = arith.xori %lt3A_26, %lt3A_28 : i1
    %and3A_30 = arith.andi %ne3A_29, %ne3A_25 : i1
    %add3A_31 = arith.addi %rem3A_23, %select_n3A_22 : i32
    %select_n3A_32 = arith.select %and3A_30, %add3A_31, %rem3A_23 : i32
    %mul3A_33 = arith.constant 4096 : i32
    %mul3A_34 = arith.muli %select_n3A_32, %mul3A_33 : i32
    %iota3A = tpu.iota {dimensions = array<i32: 0>} : vector<16xi32>
    %rem3A_35 = arith.constant 0 : i32
    %rem3A_36 = arith.constant 3 : i32
    %rem3A_37 = arith.remsi %rem3A_35, %rem3A_36 : i32
    %add3A_38 = arith.constant 0 : i32
    %add3A_39 = arith.addi %mul3A_18, %add3A_38 : i32
    %mul3A_40 = arith.constant 16384 : i32
    %mul3A_41 = arith.muli %add3A_39, %mul3A_40 : i32
    %add3A_42 = arith.addi %mul3A_41, %mul3A_34 : i32
    %rem3A_43 = arith.constant 0 : i32
    %rem3A_44 = arith.constant 2 : i32
    %rem3A_45 = arith.remsi %rem3A_43, %rem3A_44 : i32
    %mul3A_46 = arith.constant 2048 : i32
    %mul3A_47 = arith.muli %rem3A_45, %mul3A_46 : i32
    %add3A_48 = arith.addi %add3A_42, %mul3A_47 : i32
    %dma_start3A = arith.constant 0 : i32
    %dma_start3A_49 = tpu.memref_slice %arg5[%rem3A_37, %dma_start3A] : memref<3x2048xi32, #tpu.memory_space<vmem>> -> memref<1x2048xi32, #tpu.memory_space<vmem>>
    %dma_start3A_50 = tpu.memref_squeeze %dma_start3A_49 : memref<1x2048xi32, #tpu.memory_space<vmem>> -> memref<2048xi32, #tpu.memory_space<vmem>>
    %dma_start3A_51 = tpu.memref_slice %arg2[%add3A_48] : memref<3276800xi32, #tpu.memory_space<hbm>> -> memref<2048xi32, #tpu.memory_space<hbm>>
    %dma_start3A_52 = tpu.memref_slice %arg8[%rem3A_37] : memref<3x!tpu.dma_semaphore, #tpu.memory_space<semaphore_mem>> -> memref<1x!tpu.dma_semaphore, #tpu.memory_space<semaphore_mem>>
    %dma_start3A_53 = tpu.memref_squeeze %dma_start3A_52 : memref<1x!tpu.dma_semaphore, #tpu.memory_space<semaphore_mem>> -> memref<!tpu.dma_semaphore, #tpu.memory_space<semaphore_mem>>
    %dma_start3A_54 = arith.constant 0 : i32
    %dma_start3A_55 = tpu.memref_slice %arg5[%rem3A_37, %dma_start3A_54] : memref<3x2048xi32, #tpu.memory_space<vmem>> -> memref<1x2048xi32, #tpu.memory_space<vmem>>
    %dma_start3A_56 = tpu.memref_squeeze %dma_start3A_55 : memref<1x2048xi32, #tpu.memory_space<vmem>> -> memref<2048xi32, #tpu.memory_space<vmem>>
    %dma_start3A_57 = tpu.memref_slice %arg2[%add3A_48] : memref<3276800xi32, #tpu.memory_space<hbm>> -> memref<2048xi32, #tpu.memory_space<hbm>>
    tpu.enqueue_dma source(%dma_start3A_57 : memref<2048xi32, #tpu.memory_space<hbm>>) target(%dma_start3A_56 : memref<2048xi32, #tpu.memory_space<vmem>>) target_semaphore(%dma_start3A_53 : memref<!tpu.dma_semaphore, #tpu.memory_space<semaphore_mem>>)
    %rem3A_58 = arith.constant 1 : i32
    %rem3A_59 = arith.constant 3 : i32
    %rem3A_60 = arith.remsi %rem3A_58, %rem3A_59 : i32
    %add3A_61 = arith.constant 0 : i32
    %add3A_62 = arith.addi %mul3A_18, %add3A_61 : i32
    %mul3A_63 = arith.constant 16384 : i32
    %mul3A_64 = arith.muli %add3A_62, %mul3A_63 : i32
    %add3A_65 = arith.addi %mul3A_64, %mul3A_34 : i32
    %rem3A_66 = arith.constant 1 : i32
    %rem3A_67 = arith.constant 2 : i32
    %rem3A_68 = arith.remsi %rem3A_66, %rem3A_67 : i32
    %mul3A_69 = arith.constant 2048 : i32
    %mul3A_70 = arith.muli %rem3A_68, %mul3A_69 : i32
    %add3A_71 = arith.addi %add3A_65, %mul3A_70 : i32
    %dma_start3A_72 = arith.constant 0 : i32
    %dma_start3A_73 = tpu.memref_slice %arg5[%rem3A_60, %dma_start3A_72] : memref<3x2048xi32, #tpu.memory_space<vmem>> -> memref<1x2048xi32, #tpu.memory_space<vmem>>
    %dma_start3A_74 = tpu.memref_squeeze %dma_start3A_73 : memref<1x2048xi32, #tpu.memory_space<vmem>> -> memref<2048xi32, #tpu.memory_space<vmem>>
    %dma_start3A_75 = tpu.memref_slice %arg2[%add3A_71] : memref<3276800xi32, #tpu.memory_space<hbm>> -> memref<2048xi32, #tpu.memory_space<hbm>>
    %dma_start3A_76 = tpu.memref_slice %arg8[%rem3A_60] : memref<3x!tpu.dma_semaphore, #tpu.memory_space<semaphore_mem>> -> memref<1x!tpu.dma_semaphore, #tpu.memory_space<semaphore_mem>>
    %dma_start3A_77 = tpu.memref_squeeze %dma_start3A_76 : memref<1x!tpu.dma_semaphore, #tpu.memory_space<semaphore_mem>> -> memref<!tpu.dma_semaphore, #tpu.memory_space<semaphore_mem>>
    %dma_start3A_78 = arith.constant 0 : i32
    %dma_start3A_79 = tpu.memref_slice %arg5[%rem3A_60, %dma_start3A_78] : memref<3x2048xi32, #tpu.memory_space<vmem>> -> memref<1x2048xi32, #tpu.memory_space<vmem>>
    %dma_start3A_80 = tpu.memref_squeeze %dma_start3A_79 : memref<1x2048xi32, #tpu.memory_space<vmem>> -> memref<2048xi32, #tpu.memory_space<vmem>>
    %dma_start3A_81 = tpu.memref_slice %arg2[%add3A_71] : memref<3276800xi32, #tpu.memory_space<hbm>> -> memref<2048xi32, #tpu.memory_space<hbm>>
    tpu.enqueue_dma source(%dma_start3A_81 : memref<2048xi32, #tpu.memory_space<hbm>>) target(%dma_start3A_80 : memref<2048xi32, #tpu.memory_space<vmem>>) target_semaphore(%dma_start3A_77 : memref<!tpu.dma_semaphore, #tpu.memory_space<semaphore_mem>>)
    %rem3A_82 = arith.constant 2 : i32
    %rem3A_83 = arith.constant 3 : i32
    %rem3A_84 = arith.remsi %rem3A_82, %rem3A_83 : i32
    %add3A_85 = arith.constant 1 : i32
    %add3A_86 = arith.addi %mul3A_18, %add3A_85 : i32
    %mul3A_87 = arith.constant 16384 : i32
    %mul3A_88 = arith.muli %add3A_86, %mul3A_87 : i32
    %add3A_89 = arith.addi %mul3A_88, %mul3A_34 : i32
    %rem3A_90 = arith.constant 2 : i32
    %rem3A_91 = arith.constant 2 : i32
    %rem3A_92 = arith.remsi %rem3A_90, %rem3A_91 : i32
    %mul3A_93 = arith.constant 2048 : i32
    %mul3A_94 = arith.muli %rem3A_92, %mul3A_93 : i32
    %add3A_95 = arith.addi %add3A_89, %mul3A_94 : i32
    %dma_start3A_96 = arith.constant 0 : i32
    %dma_start3A_97 = tpu.memref_slice %arg5[%rem3A_84, %dma_start3A_96] : memref<3x2048xi32, #tpu.memory_space<vmem>> -> memref<1x2048xi32, #tpu.memory_space<vmem>>
    %dma_start3A_98 = tpu.memref_squeeze %dma_start3A_97 : memref<1x2048xi32, #tpu.memory_space<vmem>> -> memref<2048xi32, #tpu.memory_space<vmem>>
    %dma_start3A_99 = tpu.memref_slice %arg2[%add3A_95] : memref<3276800xi32, #tpu.memory_space<hbm>> -> memref<2048xi32, #tpu.memory_space<hbm>>
    %dma_start3A_100 = tpu.memref_slice %arg8[%rem3A_84] : memref<3x!tpu.dma_semaphore, #tpu.memory_space<semaphore_mem>> -> memref<1x!tpu.dma_semaphore, #tpu.memory_space<semaphore_mem>>
    %dma_start3A_101 = tpu.memref_squeeze %dma_start3A_100 : memref<1x!tpu.dma_semaphore, #tpu.memory_space<semaphore_mem>> -> memref<!tpu.dma_semaphore, #tpu.memory_space<semaphore_mem>>
    %dma_start3A_102 = arith.constant 0 : i32
    %dma_start3A_103 = tpu.memref_slice %arg5[%rem3A_84, %dma_start3A_102] : memref<3x2048xi32, #tpu.memory_space<vmem>> -> memref<1x2048xi32, #tpu.memory_space<vmem>>
    %dma_start3A_104 = tpu.memref_squeeze %dma_start3A_103 : memref<1x2048xi32, #tpu.memory_space<vmem>> -> memref<2048xi32, #tpu.memory_space<vmem>>
    %dma_start3A_105 = tpu.memref_slice %arg2[%add3A_95] : memref<3276800xi32, #tpu.memory_space<hbm>> -> memref<2048xi32, #tpu.memory_space<hbm>>
    tpu.enqueue_dma source(%dma_start3A_105 : memref<2048xi32, #tpu.memory_space<hbm>>) target(%dma_start3A_104 : memref<2048xi32, #tpu.memory_space<vmem>>) target_semaphore(%dma_start3A_101 : memref<!tpu.dma_semaphore, #tpu.memory_space<semaphore_mem>>)
    %rem3A_106 = arith.constant 0 : i32
    %rem3A_107 = arith.constant 3 : i32
    %rem3A_108 = arith.remsi %rem3A_106, %rem3A_107 : i32
    %add3A_109 = arith.constant 0 : i32
    %add3A_110 = arith.addi %mul3A_18, %add3A_109 : i32
    %mul3A_111 = arith.constant 16384 : i32
    %mul3A_112 = arith.muli %add3A_110, %mul3A_111 : i32
    %add3A_113 = arith.addi %mul3A_112, %mul3A_34 : i32
    %rem3A_114 = arith.constant 0 : i32
    %rem3A_115 = arith.constant 2 : i32
    %rem3A_116 = arith.remsi %rem3A_114, %rem3A_115 : i32
    %mul3A_117 = arith.constant 2048 : i32
    %mul3A_118 = arith.muli %rem3A_116, %mul3A_117 : i32
    %add3A_119 = arith.addi %add3A_113, %mul3A_118 : i32
    %dma_wait3A = arith.constant 0 : i32
    %dma_wait3A_120 = tpu.memref_slice %arg5[%rem3A_108, %dma_wait3A] : memref<3x2048xi32, #tpu.memory_space<vmem>> -> memref<1x2048xi32, #tpu.memory_space<vmem>>
    %dma_wait3A_121 = tpu.memref_squeeze %dma_wait3A_120 : memref<1x2048xi32, #tpu.memory_space<vmem>> -> memref<2048xi32, #tpu.memory_space<vmem>>
    %dma_wait3A_122 = tpu.memref_slice %arg2[%add3A_119] : memref<3276800xi32, #tpu.memory_space<hbm>> -> memref<2048xi32, #tpu.memory_space<hbm>>
    %dma_wait3A_123 = tpu.memref_slice %arg8[%rem3A_108] : memref<3x!tpu.dma_semaphore, #tpu.memory_space<semaphore_mem>> -> memref<1x!tpu.dma_semaphore, #tpu.memory_space<semaphore_mem>>
    %dma_wait3A_124 = tpu.memref_squeeze %dma_wait3A_123 : memref<1x!tpu.dma_semaphore, #tpu.memory_space<semaphore_mem>> -> memref<!tpu.dma_semaphore, #tpu.memory_space<semaphore_mem>>
    %dma_wait3A_125 = arith.constant 0 : i32
    %dma_wait3A_126 = tpu.memref_slice %arg5[%rem3A_108, %dma_wait3A_125] : memref<3x2048xi32, #tpu.memory_space<vmem>> -> memref<1x2048xi32, #tpu.memory_space<vmem>>
    %dma_wait3A_127 = tpu.memref_squeeze %dma_wait3A_126 : memref<1x2048xi32, #tpu.memory_space<vmem>> -> memref<2048xi32, #tpu.memory_space<vmem>>
    %dma_wait3A_128 = tpu.memref_slice %arg2[%add3A_119] : memref<3276800xi32, #tpu.memory_space<hbm>> -> memref<2048xi32, #tpu.memory_space<hbm>>
    tpu.wait_dma2 semaphore(%dma_wait3A_124 : memref<!tpu.dma_semaphore, #tpu.memory_space<semaphore_mem>>) src(%dma_wait3A_128 : memref<2048xi32, #tpu.memory_space<hbm>>) dst(%dma_wait3A_127 : memref<2048xi32, #tpu.memory_space<vmem>>)
    %rem3A_129 = arith.constant 0 : i32
    %rem3A_130 = arith.constant 2 : i32
    %rem3A_131 = arith.remsi %rem3A_129, %rem3A_130 : i32
    %rem3A_132 = arith.constant 0 : i32
    %rem3A_133 = arith.constant 3 : i32
    %rem3A_134 = arith.remsi %rem3A_132, %rem3A_133 : i32
    %dma_start3A_135 = arith.constant 0 : i32
    %dma_start3A_136 = arith.constant 0 : i32
    %dma_start3A_137 = tpu.memref_slice %arg6[%rem3A_131, %dma_start3A_135, %dma_start3A_136] : memref<2x2048x16xf32, #tpu.memory_space<vmem>> -> memref<1x2048x16xf32, #tpu.memory_space<vmem>>
    %dma_start3A_138 = tpu.memref_squeeze %dma_start3A_137 : memref<1x2048x16xf32, #tpu.memory_space<vmem>> -> memref<2048x16xf32, #tpu.memory_space<vmem>>
    %dma_start3A_139 = arith.constant 0 : i32
    %dma_start3A_140 = tpu.memref_slice %arg5[%rem3A_134, %dma_start3A_139] : memref<3x2048xi32, #tpu.memory_space<vmem>> -> memref<1x2048xi32, #tpu.memory_space<vmem>>
    %dma_start3A_141 = tpu.memref_squeeze %dma_start3A_140 : memref<1x2048xi32, #tpu.memory_space<vmem>> -> memref<2048xi32, #tpu.memory_space<vmem>>
    %dma_start3A_142 = arith.constant 0 : i32
    %dma_start3A_143 = arith.constant 0 : i32
    %dma_start3A_144 = tpu.memref_slice %arg3[%dma_start3A_142, %dma_start3A_143] : memref<1000000x16xf32, #tpu.memory_space<hbm>> -> memref<1000000x16xf32, #tpu.memory_space<hbm>>
    %dma_start3A_145 = tpu.memref_slice %arg9[%rem3A_131] : memref<2x!tpu.dma_semaphore, #tpu.memory_space<semaphore_mem>> -> memref<1x!tpu.dma_semaphore, #tpu.memory_space<semaphore_mem>>
    %dma_start3A_146 = tpu.memref_squeeze %dma_start3A_145 : memref<1x!tpu.dma_semaphore, #tpu.memory_space<semaphore_mem>> -> memref<!tpu.dma_semaphore, #tpu.memory_space<semaphore_mem>>
    tpu.enqueue_indirect_dma source(%dma_start3A_144 : memref<1000000x16xf32, #tpu.memory_space<hbm>>) target(%dma_start3A_138 : memref<2048x16xf32, #tpu.memory_space<vmem>>) offsets(%dma_start3A_141 : memref<2048xi32, #tpu.memory_space<vmem>>) semaphore(%dma_start3A_146 : memref<!tpu.dma_semaphore, #tpu.memory_space<semaphore_mem>>)
    %rem3A_147 = arith.constant 1 : i32
    %rem3A_148 = arith.constant 3 : i32
    %rem3A_149 = arith.remsi %rem3A_147, %rem3A_148 : i32
    %add3A_150 = arith.constant 0 : i32
    %add3A_151 = arith.addi %mul3A_18, %add3A_150 : i32
    %mul3A_152 = arith.constant 16384 : i32
    %mul3A_153 = arith.muli %add3A_151, %mul3A_152 : i32
    %add3A_154 = arith.addi %mul3A_153, %mul3A_34 : i32
    %rem3A_155 = arith.constant 1 : i32
    %rem3A_156 = arith.constant 2 : i32
    %rem3A_157 = arith.remsi %rem3A_155, %rem3A_156 : i32
    %mul3A_158 = arith.constant 2048 : i32
    %mul3A_159 = arith.muli %rem3A_157, %mul3A_158 : i32
    %add3A_160 = arith.addi %add3A_154, %mul3A_159 : i32
    %dma_wait3A_161 = arith.constant 0 : i32
    %dma_wait3A_162 = tpu.memref_slice %arg5[%rem3A_149, %dma_wait3A_161] : memref<3x2048xi32, #tpu.memory_space<vmem>> -> memref<1x2048xi32, #tpu.memory_space<vmem>>
    %dma_wait3A_163 = tpu.memref_squeeze %dma_wait3A_162 : memref<1x2048xi32, #tpu.memory_space<vmem>> -> memref<2048xi32, #tpu.memory_space<vmem>>
    %dma_wait3A_164 = tpu.memref_slice %arg2[%add3A_160] : memref<3276800xi32, #tpu.memory_space<hbm>> -> memref<2048xi32, #tpu.memory_space<hbm>>
    %dma_wait3A_165 = tpu.memref_slice %arg8[%rem3A_149] : memref<3x!tpu.dma_semaphore, #tpu.memory_space<semaphore_mem>> -> memref<1x!tpu.dma_semaphore, #tpu.memory_space<semaphore_mem>>
    %dma_wait3A_166 = tpu.memref_squeeze %dma_wait3A_165 : memref<1x!tpu.dma_semaphore, #tpu.memory_space<semaphore_mem>> -> memref<!tpu.dma_semaphore, #tpu.memory_space<semaphore_mem>>
    %dma_wait3A_167 = arith.constant 0 : i32
    %dma_wait3A_168 = tpu.memref_slice %arg5[%rem3A_149, %dma_wait3A_167] : memref<3x2048xi32, #tpu.memory_space<vmem>> -> memref<1x2048xi32, #tpu.memory_space<vmem>>
    %dma_wait3A_169 = tpu.memref_squeeze %dma_wait3A_168 : memref<1x2048xi32, #tpu.memory_space<vmem>> -> memref<2048xi32, #tpu.memory_space<vmem>>
    %dma_wait3A_170 = tpu.memref_slice %arg2[%add3A_160] : memref<3276800xi32, #tpu.memory_space<hbm>> -> memref<2048xi32, #tpu.memory_space<hbm>>
    tpu.wait_dma2 semaphore(%dma_wait3A_166 : memref<!tpu.dma_semaphore, #tpu.memory_space<semaphore_mem>>) src(%dma_wait3A_170 : memref<2048xi32, #tpu.memory_space<hbm>>) dst(%dma_wait3A_169 : memref<2048xi32, #tpu.memory_space<vmem>>)
    %rem3A_171 = arith.constant 1 : i32
    %rem3A_172 = arith.constant 2 : i32
    %rem3A_173 = arith.remsi %rem3A_171, %rem3A_172 : i32
    %rem3A_174 = arith.constant 1 : i32
    %rem3A_175 = arith.constant 3 : i32
    %rem3A_176 = arith.remsi %rem3A_174, %rem3A_175 : i32
    %dma_start3A_177 = arith.constant 0 : i32
    %dma_start3A_178 = arith.constant 0 : i32
    %dma_start3A_179 = tpu.memref_slice %arg6[%rem3A_173, %dma_start3A_177, %dma_start3A_178] : memref<2x2048x16xf32, #tpu.memory_space<vmem>> -> memref<1x2048x16xf32, #tpu.memory_space<vmem>>
    %dma_start3A_180 = tpu.memref_squeeze %dma_start3A_179 : memref<1x2048x16xf32, #tpu.memory_space<vmem>> -> memref<2048x16xf32, #tpu.memory_space<vmem>>
    %dma_start3A_181 = arith.constant 0 : i32
    %dma_start3A_182 = tpu.memref_slice %arg5[%rem3A_176, %dma_start3A_181] : memref<3x2048xi32, #tpu.memory_space<vmem>> -> memref<1x2048xi32, #tpu.memory_space<vmem>>
    %dma_start3A_183 = tpu.memref_squeeze %dma_start3A_182 : memref<1x2048xi32, #tpu.memory_space<vmem>> -> memref<2048xi32, #tpu.memory_space<vmem>>
    %dma_start3A_184 = arith.constant 0 : i32
    %dma_start3A_185 = arith.constant 0 : i32
    %dma_start3A_186 = tpu.memref_slice %arg3[%dma_start3A_184, %dma_start3A_185] : memref<1000000x16xf32, #tpu.memory_space<hbm>> -> memref<1000000x16xf32, #tpu.memory_space<hbm>>
    %dma_start3A_187 = tpu.memref_slice %arg9[%rem3A_173] : memref<2x!tpu.dma_semaphore, #tpu.memory_space<semaphore_mem>> -> memref<1x!tpu.dma_semaphore, #tpu.memory_space<semaphore_mem>>
    %dma_start3A_188 = tpu.memref_squeeze %dma_start3A_187 : memref<1x!tpu.dma_semaphore, #tpu.memory_space<semaphore_mem>> -> memref<!tpu.dma_semaphore, #tpu.memory_space<semaphore_mem>>
    tpu.enqueue_indirect_dma source(%dma_start3A_186 : memref<1000000x16xf32, #tpu.memory_space<hbm>>) target(%dma_start3A_180 : memref<2048x16xf32, #tpu.memory_space<vmem>>) offsets(%dma_start3A_183 : memref<2048xi32, #tpu.memory_space<vmem>>) semaphore(%dma_start3A_188 : memref<!tpu.dma_semaphore, #tpu.memory_space<semaphore_mem>>)
    %rem3A_189 = arith.constant 0 : i32
    %rem3A_190 = arith.constant 2 : i32
    %rem3A_191 = arith.remsi %rem3A_189, %rem3A_190 : i32
    %rem3A_192 = arith.constant 0 : i32
    %rem3A_193 = arith.constant 3 : i32
    %rem3A_194 = arith.remsi %rem3A_192, %rem3A_193 : i32
    %dma_wait3A_195 = arith.constant 0 : i32
    %dma_wait3A_196 = arith.constant 0 : i32
    %dma_wait3A_197 = tpu.memref_slice %arg6[%rem3A_191, %dma_wait3A_195, %dma_wait3A_196] : memref<2x2048x16xf32, #tpu.memory_space<vmem>> -> memref<1x2048x16xf32, #tpu.memory_space<vmem>>
    %dma_wait3A_198 = tpu.memref_squeeze %dma_wait3A_197 : memref<1x2048x16xf32, #tpu.memory_space<vmem>> -> memref<2048x16xf32, #tpu.memory_space<vmem>>
    %dma_wait3A_199 = arith.constant 0 : i32
    %dma_wait3A_200 = tpu.memref_slice %arg5[%rem3A_194, %dma_wait3A_199] : memref<3x2048xi32, #tpu.memory_space<vmem>> -> memref<1x2048xi32, #tpu.memory_space<vmem>>
    %dma_wait3A_201 = tpu.memref_squeeze %dma_wait3A_200 : memref<1x2048xi32, #tpu.memory_space<vmem>> -> memref<2048xi32, #tpu.memory_space<vmem>>
    %dma_wait3A_202 = arith.constant 0 : i32
    %dma_wait3A_203 = arith.constant 0 : i32
    %dma_wait3A_204 = tpu.memref_slice %arg3[%dma_wait3A_202, %dma_wait3A_203] : memref<1000000x16xf32, #tpu.memory_space<hbm>> -> memref<1000000x16xf32, #tpu.memory_space<hbm>>
    %dma_wait3A_205 = tpu.memref_slice %arg9[%rem3A_191] : memref<2x!tpu.dma_semaphore, #tpu.memory_space<semaphore_mem>> -> memref<1x!tpu.dma_semaphore, #tpu.memory_space<semaphore_mem>>
    %dma_wait3A_206 = tpu.memref_squeeze %dma_wait3A_205 : memref<1x!tpu.dma_semaphore, #tpu.memory_space<semaphore_mem>> -> memref<!tpu.dma_semaphore, #tpu.memory_space<semaphore_mem>>
    tpu.wait_indirect_dma semaphore(%dma_wait3A_206 : memref<!tpu.dma_semaphore, #tpu.memory_space<semaphore_mem>>) src(%dma_wait3A_204 : memref<1000000x16xf32, #tpu.memory_space<hbm>>) dst(%dma_wait3A_198 : memref<2048x16xf32, #tpu.memory_space<vmem>>)
    %rem3A_207 = arith.constant 3 : i32
    %rem3A_208 = arith.constant 3 : i32
    %rem3A_209 = arith.remsi %rem3A_207, %rem3A_208 : i32
    %add3A_210 = arith.constant 1 : i32
    %add3A_211 = arith.addi %mul3A_18, %add3A_210 : i32
    %mul3A_212 = arith.constant 16384 : i32
    %mul3A_213 = arith.muli %add3A_211, %mul3A_212 : i32
    %add3A_214 = arith.addi %mul3A_213, %mul3A_34 : i32
    %rem3A_215 = arith.constant 3 : i32
    %rem3A_216 = arith.constant 2 : i32
    %rem3A_217 = arith.remsi %rem3A_215, %rem3A_216 : i32
    %mul3A_218 = arith.constant 2048 : i32
    %mul3A_219 = arith.muli %rem3A_217, %mul3A_218 : i32
    %add3A_220 = arith.addi %add3A_214, %mul3A_219 : i32
    %dma_start3A_221 = arith.constant 0 : i32
    %dma_start3A_222 = tpu.memref_slice %arg5[%rem3A_209, %dma_start3A_221] : memref<3x2048xi32, #tpu.memory_space<vmem>> -> memref<1x2048xi32, #tpu.memory_space<vmem>>
    %dma_start3A_223 = tpu.memref_squeeze %dma_start3A_222 : memref<1x2048xi32, #tpu.memory_space<vmem>> -> memref<2048xi32, #tpu.memory_space<vmem>>
    %dma_start3A_224 = tpu.memref_slice %arg2[%add3A_220] : memref<3276800xi32, #tpu.memory_space<hbm>> -> memref<2048xi32, #tpu.memory_space<hbm>>
    %dma_start3A_225 = tpu.memref_slice %arg8[%rem3A_209] : memref<3x!tpu.dma_semaphore, #tpu.memory_space<semaphore_mem>> -> memref<1x!tpu.dma_semaphore, #tpu.memory_space<semaphore_mem>>
    %dma_start3A_226 = tpu.memref_squeeze %dma_start3A_225 : memref<1x!tpu.dma_semaphore, #tpu.memory_space<semaphore_mem>> -> memref<!tpu.dma_semaphore, #tpu.memory_space<semaphore_mem>>
    %dma_start3A_227 = arith.constant 0 : i32
    %dma_start3A_228 = tpu.memref_slice %arg5[%rem3A_209, %dma_start3A_227] : memref<3x2048xi32, #tpu.memory_space<vmem>> -> memref<1x2048xi32, #tpu.memory_space<vmem>>
    %dma_start3A_229 = tpu.memref_squeeze %dma_start3A_228 : memref<1x2048xi32, #tpu.memory_space<vmem>> -> memref<2048xi32, #tpu.memory_space<vmem>>
    %dma_start3A_230 = tpu.memref_slice %arg2[%add3A_220] : memref<3276800xi32, #tpu.memory_space<hbm>> -> memref<2048xi32, #tpu.memory_space<hbm>>
    tpu.enqueue_dma source(%dma_start3A_230 : memref<2048xi32, #tpu.memory_space<hbm>>) target(%dma_start3A_229 : memref<2048xi32, #tpu.memory_space<vmem>>) target_semaphore(%dma_start3A_226 : memref<!tpu.dma_semaphore, #tpu.memory_space<semaphore_mem>>)
    %rem3A_231 = arith.constant 0 : i32
    %rem3A_232 = arith.constant 2 : i32
    %rem3A_233 = arith.remsi %rem3A_231, %rem3A_232 : i32
    %scan3A = arith.constant 0 : i32
    %scan3A_234 = arith.constant 0 : i32
    %scan3A_235 = arith.constant 128 : i32
    %scan3A_236 = arith.addi %scan3A_234, %scan3A_235 : i32
    %scan3A_237 = arith.constant 1 : i32
    scf.for %scan3A_508 = %scan3A_234 to %scan3A_236 step %scan3A_237  : i32 {
      %mul3A_509 = arith.constant 8 : i32
      %mul3A_510 = arith.muli %scan3A_508, %mul3A_509 : i32
      %add3A_511 = arith.constant 0 : i32
      %add3A_512 = arith.addi %add3A_511, %mul3A_510 : i32
      %add3A_513 = arith.constant 0 : i32
      %add3A_514 = arith.addi %add3A_512, %add3A_513 : i32
      %get3A = arith.index_cast %rem3A_233 : i32 to index
      %get3A_515 = arith.index_cast %add3A_514 : i32 to index
      %get3A_516 = arith.constant 0 : index
      %get3A_517 = tpu.vector_load %arg6[%get3A, %get3A_515, %get3A_516] {strides = array<i32>} : memref<2x2048x16xf32, #tpu.memory_space<vmem>>, vector<16xf32>,
      %add3A_518 = arith.constant 0 : i32
      %add3A_519 = arith.addi %mul3A_510, %add3A_518 : i32
      %broadcast_in_dim3A = vector.broadcast %add3A_519 : i32 to vector<16xi32>
      %scatter3A = arith.constant 0 : i32
      %scatter3A_520 = arith.constant 0 : i32
      %scatter3A_521 = arith.constant 0 : i32
      %scatter3A_522 = tpu.memref_slice %arg7[%scatter3A, %scatter3A_520, %scatter3A_521] : memref<2x16x1025xf32, #tpu.memory_space<vmem>> -> memref<1x16x1025xf32, #tpu.memory_space<vmem>>
      %scatter3A_523 = tpu.memref_squeeze %scatter3A_522 : memref<1x16x1025xf32, #tpu.memory_space<vmem>> -> memref<16x1025xf32, #tpu.memory_space<vmem>>
      tpu.vector_store_idx %scatter3A_523[%iota3A, %broadcast_in_dim3A], %get3A_517 : memref<16x1025xf32, #tpu.memory_space<vmem>>[vector<16xi32>, vector<16xi32>], vector<16xf32>,
      %add3A_524 = arith.constant 0 : i32
      %add3A_525 = arith.addi %add3A_524, %mul3A_510 : i32
      %add3A_526 = arith.constant 1 : i32
      %add3A_527 = arith.addi %add3A_525, %add3A_526 : i32
      %get3A_528 = arith.index_cast %rem3A_233 : i32 to index
      %get3A_529 = arith.index_cast %add3A_527 : i32 to index
      %get3A_530 = arith.constant 0 : index
      %get3A_531 = tpu.vector_load %arg6[%get3A_528, %get3A_529, %get3A_530] {strides = array<i32>} : memref<2x2048x16xf32, #tpu.memory_space<vmem>>, vector<16xf32>,
      %add3A_532 = arith.constant 1 : i32
      %add3A_533 = arith.addi %mul3A_510, %add3A_532 : i32
      %broadcast_in_dim3A_534 = vector.broadcast %add3A_533 : i32 to vector<16xi32>
      %scatter3A_535 = arith.constant 0 : i32
      %scatter3A_536 = arith.constant 0 : i32
      %scatter3A_537 = arith.constant 0 : i32
      %scatter3A_538 = tpu.memref_slice %arg7[%scatter3A_535, %scatter3A_536, %scatter3A_537] : memref<2x16x1025xf32, #tpu.memory_space<vmem>> -> memref<1x16x1025xf32, #tpu.memory_space<vmem>>
      %scatter3A_539 = tpu.memref_squeeze %scatter3A_538 : memref<1x16x1025xf32, #tpu.memory_space<vmem>> -> memref<16x1025xf32, #tpu.memory_space<vmem>>
      tpu.vector_store_idx %scatter3A_539[%iota3A, %broadcast_in_dim3A_534], %get3A_531 : memref<16x1025xf32, #tpu.memory_space<vmem>>[vector<16xi32>, vector<16xi32>], vector<16xf32>,
      %add3A_540 = arith.constant 0 : i32
      %add3A_541 = arith.addi %add3A_540, %mul3A_510 : i32
      %add3A_542 = arith.constant 2 : i32
      %add3A_543 = arith.addi %add3A_541, %add3A_542 : i32
      %get3A_544 = arith.index_cast %rem3A_233 : i32 to index
      %get3A_545 = arith.index_cast %add3A_543 : i32 to index
      %get3A_546 = arith.constant 0 : index
      %get3A_547 = tpu.vector_load %arg6[%get3A_544, %get3A_545, %get3A_546] {strides = array<i32>} : memref<2x2048x16xf32, #tpu.memory_space<vmem>>, vector<16xf32>,
      %add3A_548 = arith.constant 2 : i32
      %add3A_549 = arith.addi %mul3A_510, %add3A_548 : i32
      %broadcast_in_dim3A_550 = vector.broadcast %add3A_549 : i32 to vector<16xi32>
      %scatter3A_551 = arith.constant 0 : i32
      %scatter3A_552 = arith.constant 0 : i32
      %scatter3A_553 = arith.constant 0 : i32
      %scatter3A_554 = tpu.memref_slice %arg7[%scatter3A_551, %scatter3A_552, %scatter3A_553] : memref<2x16x1025xf32, #tpu.memory_space<vmem>> -> memref<1x16x1025xf32, #tpu.memory_space<vmem>>
      %scatter3A_555 = tpu.memref_squeeze %scatter3A_554 : memref<1x16x1025xf32, #tpu.memory_space<vmem>> -> memref<16x1025xf32, #tpu.memory_space<vmem>>
      tpu.vector_store_idx %scatter3A_555[%iota3A, %broadcast_in_dim3A_550], %get3A_547 : memref<16x1025xf32, #tpu.memory_space<vmem>>[vector<16xi32>, vector<16xi32>], vector<16xf32>,
      %add3A_556 = arith.constant 0 : i32
      %add3A_557 = arith.addi %add3A_556, %mul3A_510 : i32
      %add3A_558 = arith.constant 3 : i32
      %add3A_559 = arith.addi %add3A_557, %add3A_558 : i32
      %get3A_560 = arith.index_cast %rem3A_233 : i32 to index
      %get3A_561 = arith.index_cast %add3A_559 : i32 to index
      %get3A_562 = arith.constant 0 : index
      %get3A_563 = tpu.vector_load %arg6[%get3A_560, %get3A_561, %get3A_562] {strides = array<i32>} : memref<2x2048x16xf32, #tpu.memory_space<vmem>>, vector<16xf32>,
      %add3A_564 = arith.constant 3 : i32
      %add3A_565 = arith.addi %mul3A_510, %add3A_564 : i32
      %broadcast_in_dim3A_566 = vector.broadcast %add3A_565 : i32 to vector<16xi32>
      %scatter3A_567 = arith.constant 0 : i32
      %scatter3A_568 = arith.constant 0 : i32
      %scatter3A_569 = arith.constant 0 : i32
      %scatter3A_570 = tpu.memref_slice %arg7[%scatter3A_567, %scatter3A_568, %scatter3A_569] : memref<2x16x1025xf32, #tpu.memory_space<vmem>> -> memref<1x16x1025xf32, #tpu.memory_space<vmem>>
      %scatter3A_571 = tpu.memref_squeeze %scatter3A_570 : memref<1x16x1025xf32, #tpu.memory_space<vmem>> -> memref<16x1025xf32, #tpu.memory_space<vmem>>
      tpu.vector_store_idx %scatter3A_571[%iota3A, %broadcast_in_dim3A_566], %get3A_563 : memref<16x1025xf32, #tpu.memory_space<vmem>>[vector<16xi32>, vector<16xi32>], vector<16xf32>,
      %add3A_572 = arith.constant 0 : i32
      %add3A_573 = arith.addi %add3A_572, %mul3A_510 : i32
      %add3A_574 = arith.constant 4 : i32
      %add3A_575 = arith.addi %add3A_573, %add3A_574 : i32
      %get3A_576 = arith.index_cast %rem3A_233 : i32 to index
      %get3A_577 = arith.index_cast %add3A_575 : i32 to index
      %get3A_578 = arith.constant 0 : index
      %get3A_579 = tpu.vector_load %arg6[%get3A_576, %get3A_577, %get3A_578] {strides = array<i32>} : memref<2x2048x16xf32, #tpu.memory_space<vmem>>, vector<16xf32>,
      %add3A_580 = arith.constant 4 : i32
      %add3A_581 = arith.addi %mul3A_510, %add3A_580 : i32
      %broadcast_in_dim3A_582 = vector.broadcast %add3A_581 : i32 to vector<16xi32>
      %scatter3A_583 = arith.constant 0 : i32
      %scatter3A_584 = arith.constant 0 : i32
      %scatter3A_585 = arith.constant 0 : i32
      %scatter3A_586 = tpu.memref_slice %arg7[%scatter3A_583, %scatter3A_584, %scatter3A_585] : memref<2x16x1025xf32, #tpu.memory_space<vmem>> -> memref<1x16x1025xf32, #tpu.memory_space<vmem>>
      %scatter3A_587 = tpu.memref_squeeze %scatter3A_586 : memref<1x16x1025xf32, #tpu.memory_space<vmem>> -> memref<16x1025xf32, #tpu.memory_space<vmem>>
      tpu.vector_store_idx %scatter3A_587[%iota3A, %broadcast_in_dim3A_582], %get3A_579 : memref<16x1025xf32, #tpu.memory_space<vmem>>[vector<16xi32>, vector<16xi32>], vector<16xf32>,
      %add3A_588 = arith.constant 0 : i32
      %add3A_589 = arith.addi %add3A_588, %mul3A_510 : i32
      %add3A_590 = arith.constant 5 : i32
      %add3A_591 = arith.addi %add3A_589, %add3A_590 : i32
      %get3A_592 = arith.index_cast %rem3A_233 : i32 to index
      %get3A_593 = arith.index_cast %add3A_591 : i32 to index
      %get3A_594 = arith.constant 0 : index
      %get3A_595 = tpu.vector_load %arg6[%get3A_592, %get3A_593, %get3A_594] {strides = array<i32>} : memref<2x2048x16xf32, #tpu.memory_space<vmem>>, vector<16xf32>,
      %add3A_596 = arith.constant 5 : i32
      %add3A_597 = arith.addi %mul3A_510, %add3A_596 : i32
      %broadcast_in_dim3A_598 = vector.broadcast %add3A_597 : i32 to vector<16xi32>
      %scatter3A_599 = arith.constant 0 : i32
      %scatter3A_600 = arith.constant 0 : i32
      %scatter3A_601 = arith.constant 0 : i32
      %scatter3A_602 = tpu.memref_slice %arg7[%scatter3A_599, %scatter3A_600, %scatter3A_601] : memref<2x16x1025xf32, #tpu.memory_space<vmem>> -> memref<1x16x1025xf32, #tpu.memory_space<vmem>>
      %scatter3A_603 = tpu.memref_squeeze %scatter3A_602 : memref<1x16x1025xf32, #tpu.memory_space<vmem>> -> memref<16x1025xf32, #tpu.memory_space<vmem>>
      tpu.vector_store_idx %scatter3A_603[%iota3A, %broadcast_in_dim3A_598], %get3A_595 : memref<16x1025xf32, #tpu.memory_space<vmem>>[vector<16xi32>, vector<16xi32>], vector<16xf32>,
      %add3A_604 = arith.constant 0 : i32
      %add3A_605 = arith.addi %add3A_604, %mul3A_510 : i32
      %add3A_606 = arith.constant 6 : i32
      %add3A_607 = arith.addi %add3A_605, %add3A_606 : i32
      %get3A_608 = arith.index_cast %rem3A_233 : i32 to index
      %get3A_609 = arith.index_cast %add3A_607 : i32 to index
      %get3A_610 = arith.constant 0 : index
      %get3A_611 = tpu.vector_load %arg6[%get3A_608, %get3A_609, %get3A_610] {strides = array<i32>} : memref<2x2048x16xf32, #tpu.memory_space<vmem>>, vector<16xf32>,
      %add3A_612 = arith.constant 6 : i32
      %add3A_613 = arith.addi %mul3A_510, %add3A_612 : i32
      %broadcast_in_dim3A_614 = vector.broadcast %add3A_613 : i32 to vector<16xi32>
      %scatter3A_615 = arith.constant 0 : i32
      %scatter3A_616 = arith.constant 0 : i32
      %scatter3A_617 = arith.constant 0 : i32
      %scatter3A_618 = tpu.memref_slice %arg7[%scatter3A_615, %scatter3A_616, %scatter3A_617] : memref<2x16x1025xf32, #tpu.memory_space<vmem>> -> memref<1x16x1025xf32, #tpu.memory_space<vmem>>
      %scatter3A_619 = tpu.memref_squeeze %scatter3A_618 : memref<1x16x1025xf32, #tpu.memory_space<vmem>> -> memref<16x1025xf32, #tpu.memory_space<vmem>>
      tpu.vector_store_idx %scatter3A_619[%iota3A, %broadcast_in_dim3A_614], %get3A_611 : memref<16x1025xf32, #tpu.memory_space<vmem>>[vector<16xi32>, vector<16xi32>], vector<16xf32>,
      %add3A_620 = arith.constant 0 : i32
      %add3A_621 = arith.addi %add3A_620, %mul3A_510 : i32
      %add3A_622 = arith.constant 7 : i32
      %add3A_623 = arith.addi %add3A_621, %add3A_622 : i32
      %get3A_624 = arith.index_cast %rem3A_233 : i32 to index
      %get3A_625 = arith.index_cast %add3A_623 : i32 to index
      %get3A_626 = arith.constant 0 : index
      %get3A_627 = tpu.vector_load %arg6[%get3A_624, %get3A_625, %get3A_626] {strides = array<i32>} : memref<2x2048x16xf32, #tpu.memory_space<vmem>>, vector<16xf32>,
      %add3A_628 = arith.constant 7 : i32
      %add3A_629 = arith.addi %mul3A_510, %add3A_628 : i32
      %broadcast_in_dim3A_630 = vector.broadcast %add3A_629 : i32 to vector<16xi32>
      %scatter3A_631 = arith.constant 0 : i32
      %scatter3A_632 = arith.constant 0 : i32
      %scatter3A_633 = arith.constant 0 : i32
      %scatter3A_634 = tpu.memref_slice %arg7[%scatter3A_631, %scatter3A_632, %scatter3A_633] : memref<2x16x1025xf32, #tpu.memory_space<vmem>> -> memref<1x16x1025xf32, #tpu.memory_space<vmem>>
      %scatter3A_635 = tpu.memref_squeeze %scatter3A_634 : memref<1x16x1025xf32, #tpu.memory_space<vmem>> -> memref<16x1025xf32, #tpu.memory_space<vmem>>
      tpu.vector_store_idx %scatter3A_635[%iota3A, %broadcast_in_dim3A_630], %get3A_627 : memref<16x1025xf32, #tpu.memory_space<vmem>>[vector<16xi32>, vector<16xi32>], vector<16xf32>,
    }
    %scan3A_238 = arith.constant 128 : i32
    %add3A_239 = arith.constant 0 : i32
    %add3A_240 = arith.addi %mul3A_18, %add3A_239 : i32
    %rem3A_241 = arith.constant 0 : i32
    %rem3A_242 = arith.constant 2 : i32
    %rem3A_243 = arith.remsi %rem3A_241, %rem3A_242 : i32
    %mul3A_244 = arith.constant 2048 : i32
    %mul3A_245 = arith.muli %rem3A_243, %mul3A_244 : i32
    %add3A_246 = arith.addi %mul3A_34, %mul3A_245 : i32
    %add3A_247 = arith.constant 0 : i32
    %add3A_248 = arith.addi %add3A_246, %add3A_247 : i32
    %dma_start3A_249 = arith.constant 0 : i32
    %dma_start3A_250 = arith.constant 0 : i32
    %dma_start3A_251 = arith.constant 0 : i32
    %dma_start3A_252 = arith.constant 0 : i32
    %dma_start3A_253 = tpu.memref_slice %arg7[%dma_start3A_249, %dma_start3A_251, %dma_start3A_252] : memref<2x16x1025xf32, #tpu.memory_space<vmem>> -> memref<1x16x1024xf32, #tpu.memory_space<vmem>>
    %dma_start3A_254 = tpu.memref_squeeze %dma_start3A_253 : memref<1x16x1024xf32, #tpu.memory_space<vmem>> -> memref<16x1024xf32, #tpu.memory_space<vmem>>
    %dma_start3A_255 = arith.constant 0 : i32
    %dma_start3A_256 = tpu.memref_slice %arg4[%add3A_240, %dma_start3A_255, %add3A_248] : memref<200x16x16384xf32, #tpu.memory_space<hbm>> -> memref<1x16x1024xf32, #tpu.memory_space<hbm>>
    %dma_start3A_257 = tpu.memref_squeeze %dma_start3A_256 : memref<1x16x1024xf32, #tpu.memory_space<hbm>> -> memref<16x1024xf32, #tpu.memory_space<hbm>>
    %dma_start3A_258 = tpu.memref_slice %arg10[%dma_start3A_250] : memref<2x!tpu.dma_semaphore, #tpu.memory_space<semaphore_mem>> -> memref<1x!tpu.dma_semaphore, #tpu.memory_space<semaphore_mem>>
    %dma_start3A_259 = tpu.memref_squeeze %dma_start3A_258 : memref<1x!tpu.dma_semaphore, #tpu.memory_space<semaphore_mem>> -> memref<!tpu.dma_semaphore, #tpu.memory_space<semaphore_mem>>
    %dma_start3A_260 = arith.constant 0 : i32
    %dma_start3A_261 = tpu.memref_slice %arg4[%add3A_240, %dma_start3A_260, %add3A_248] : memref<200x16x16384xf32, #tpu.memory_space<hbm>> -> memref<1x16x1024xf32, #tpu.memory_space<hbm>>
    %dma_start3A_262 = tpu.memref_squeeze %dma_start3A_261 : memref<1x16x1024xf32, #tpu.memory_space<hbm>> -> memref<16x1024xf32, #tpu.memory_space<hbm>>
    %dma_start3A_263 = arith.constant 0 : i32
    %dma_start3A_264 = arith.constant 0 : i32
    %dma_start3A_265 = tpu.memref_slice %arg7[%dma_start3A_249, %dma_start3A_263, %dma_start3A_264] : memref<2x16x1025xf32, #tpu.memory_space<vmem>> -> memref<1x16x1024xf32, #tpu.memory_space<vmem>>
    %dma_start3A_266 = tpu.memref_squeeze %dma_start3A_265 : memref<1x16x1024xf32, #tpu.memory_space<vmem>> -> memref<16x1024xf32, #tpu.memory_space<vmem>>
    tpu.enqueue_dma source(%dma_start3A_266 : memref<16x1024xf32, #tpu.memory_space<vmem>>) target(%dma_start3A_262 : memref<16x1024xf32, #tpu.memory_space<hbm>>) target_semaphore(%dma_start3A_259 : memref<!tpu.dma_semaphore, #tpu.memory_space<semaphore_mem>>)
    %scan3A_267 = arith.constant 0 : i32
    %scan3A_268 = arith.constant 0 : i32
    %scan3A_269 = arith.constant 128 : i32
    %scan3A_270 = arith.addi %scan3A_268, %scan3A_269 : i32
    %scan3A_271 = arith.constant 1 : i32
    scf.for %scan3A_508 = %scan3A_268 to %scan3A_270 step %scan3A_271  : i32 {
      %mul3A_509 = arith.constant 8 : i32
      %mul3A_510 = arith.muli %scan3A_508, %mul3A_509 : i32
      %add3A_511 = arith.constant 1024 : i32
      %add3A_512 = arith.addi %add3A_511, %mul3A_510 : i32
      %add3A_513 = arith.constant 0 : i32
      %add3A_514 = arith.addi %add3A_512, %add3A_513 : i32
      %get3A = arith.index_cast %rem3A_233 : i32 to index
      %get3A_515 = arith.index_cast %add3A_514 : i32 to index
      %get3A_516 = arith.constant 0 : index
      %get3A_517 = tpu.vector_load %arg6[%get3A, %get3A_515, %get3A_516] {strides = array<i32>} : memref<2x2048x16xf32, #tpu.memory_space<vmem>>, vector<16xf32>,
      %add3A_518 = arith.constant 0 : i32
      %add3A_519 = arith.addi %mul3A_510, %add3A_518 : i32
      %broadcast_in_dim3A = vector.broadcast %add3A_519 : i32 to vector<16xi32>
      %scatter3A = arith.constant 1 : i32
      %scatter3A_520 = arith.constant 0 : i32
      %scatter3A_521 = arith.constant 0 : i32
      %scatter3A_522 = tpu.memref_slice %arg7[%scatter3A, %scatter3A_520, %scatter3A_521] : memref<2x16x1025xf32, #tpu.memory_space<vmem>> -> memref<1x16x1025xf32, #tpu.memory_space<vmem>>
      %scatter3A_523 = tpu.memref_squeeze %scatter3A_522 : memref<1x16x1025xf32, #tpu.memory_space<vmem>> -> memref<16x1025xf32, #tpu.memory_space<vmem>>
      tpu.vector_store_idx %scatter3A_523[%iota3A, %broadcast_in_dim3A], %get3A_517 : memref<16x1025xf32, #tpu.memory_space<vmem>>[vector<16xi32>, vector<16xi32>], vector<16xf32>,
      %add3A_524 = arith.constant 1024 : i32
      %add3A_525 = arith.addi %add3A_524, %mul3A_510 : i32
      %add3A_526 = arith.constant 1 : i32
      %add3A_527 = arith.addi %add3A_525, %add3A_526 : i32
      %get3A_528 = arith.index_cast %rem3A_233 : i32 to index
      %get3A_529 = arith.index_cast %add3A_527 : i32 to index
      %get3A_530 = arith.constant 0 : index
      %get3A_531 = tpu.vector_load %arg6[%get3A_528, %get3A_529, %get3A_530] {strides = array<i32>} : memref<2x2048x16xf32, #tpu.memory_space<vmem>>, vector<16xf32>,
      %add3A_532 = arith.constant 1 : i32
      %add3A_533 = arith.addi %mul3A_510, %add3A_532 : i32
      %broadcast_in_dim3A_534 = vector.broadcast %add3A_533 : i32 to vector<16xi32>
      %scatter3A_535 = arith.constant 1 : i32
      %scatter3A_536 = arith.constant 0 : i32
      %scatter3A_537 = arith.constant 0 : i32
      %scatter3A_538 = tpu.memref_slice %arg7[%scatter3A_535, %scatter3A_536, %scatter3A_537] : memref<2x16x1025xf32, #tpu.memory_space<vmem>> -> memref<1x16x1025xf32, #tpu.memory_space<vmem>>
      %scatter3A_539 = tpu.memref_squeeze %scatter3A_538 : memref<1x16x1025xf32, #tpu.memory_space<vmem>> -> memref<16x1025xf32, #tpu.memory_space<vmem>>
      tpu.vector_store_idx %scatter3A_539[%iota3A, %broadcast_in_dim3A_534], %get3A_531 : memref<16x1025xf32, #tpu.memory_space<vmem>>[vector<16xi32>, vector<16xi32>], vector<16xf32>,
      %add3A_540 = arith.constant 1024 : i32
      %add3A_541 = arith.addi %add3A_540, %mul3A_510 : i32
      %add3A_542 = arith.constant 2 : i32
      %add3A_543 = arith.addi %add3A_541, %add3A_542 : i32
      %get3A_544 = arith.index_cast %rem3A_233 : i32 to index
      %get3A_545 = arith.index_cast %add3A_543 : i32 to index
      %get3A_546 = arith.constant 0 : index
      %get3A_547 = tpu.vector_load %arg6[%get3A_544, %get3A_545, %get3A_546] {strides = array<i32>} : memref<2x2048x16xf32, #tpu.memory_space<vmem>>, vector<16xf32>,
      %add3A_548 = arith.constant 2 : i32
      %add3A_549 = arith.addi %mul3A_510, %add3A_548 : i32
      %broadcast_in_dim3A_550 = vector.broadcast %add3A_549 : i32 to vector<16xi32>
      %scatter3A_551 = arith.constant 1 : i32
      %scatter3A_552 = arith.constant 0 : i32
      %scatter3A_553 = arith.constant 0 : i32
      %scatter3A_554 = tpu.memref_slice %arg7[%scatter3A_551, %scatter3A_552, %scatter3A_553] : memref<2x16x1025xf32, #tpu.memory_space<vmem>> -> memref<1x16x1025xf32, #tpu.memory_space<vmem>>
      %scatter3A_555 = tpu.memref_squeeze %scatter3A_554 : memref<1x16x1025xf32, #tpu.memory_space<vmem>> -> memref<16x1025xf32, #tpu.memory_space<vmem>>
      tpu.vector_store_idx %scatter3A_555[%iota3A, %broadcast_in_dim3A_550], %get3A_547 : memref<16x1025xf32, #tpu.memory_space<vmem>>[vector<16xi32>, vector<16xi32>], vector<16xf32>,
      %add3A_556 = arith.constant 1024 : i32
      %add3A_557 = arith.addi %add3A_556, %mul3A_510 : i32
      %add3A_558 = arith.constant 3 : i32
      %add3A_559 = arith.addi %add3A_557, %add3A_558 : i32
      %get3A_560 = arith.index_cast %rem3A_233 : i32 to index
      %get3A_561 = arith.index_cast %add3A_559 : i32 to index
      %get3A_562 = arith.constant 0 : index
      %get3A_563 = tpu.vector_load %arg6[%get3A_560, %get3A_561, %get3A_562] {strides = array<i32>} : memref<2x2048x16xf32, #tpu.memory_space<vmem>>, vector<16xf32>,
      %add3A_564 = arith.constant 3 : i32
      %add3A_565 = arith.addi %mul3A_510, %add3A_564 : i32
      %broadcast_in_dim3A_566 = vector.broadcast %add3A_565 : i32 to vector<16xi32>
      %scatter3A_567 = arith.constant 1 : i32
      %scatter3A_568 = arith.constant 0 : i32
      %scatter3A_569 = arith.constant 0 : i32
      %scatter3A_570 = tpu.memref_slice %arg7[%scatter3A_567, %scatter3A_568, %scatter3A_569] : memref<2x16x1025xf32, #tpu.memory_space<vmem>> -> memref<1x16x1025xf32, #tpu.memory_space<vmem>>
      %scatter3A_571 = tpu.memref_squeeze %scatter3A_570 : memref<1x16x1025xf32, #tpu.memory_space<vmem>> -> memref<16x1025xf32, #tpu.memory_space<vmem>>
      tpu.vector_store_idx %scatter3A_571[%iota3A, %broadcast_in_dim3A_566], %get3A_563 : memref<16x1025xf32, #tpu.memory_space<vmem>>[vector<16xi32>, vector<16xi32>], vector<16xf32>,
      %add3A_572 = arith.constant 1024 : i32
      %add3A_573 = arith.addi %add3A_572, %mul3A_510 : i32
      %add3A_574 = arith.constant 4 : i32
      %add3A_575 = arith.addi %add3A_573, %add3A_574 : i32
      %get3A_576 = arith.index_cast %rem3A_233 : i32 to index
      %get3A_577 = arith.index_cast %add3A_575 : i32 to index
      %get3A_578 = arith.constant 0 : index
      %get3A_579 = tpu.vector_load %arg6[%get3A_576, %get3A_577, %get3A_578] {strides = array<i32>} : memref<2x2048x16xf32, #tpu.memory_space<vmem>>, vector<16xf32>,
      %add3A_580 = arith.constant 4 : i32
      %add3A_581 = arith.addi %mul3A_510, %add3A_580 : i32
      %broadcast_in_dim3A_582 = vector.broadcast %add3A_581 : i32 to vector<16xi32>
      %scatter3A_583 = arith.constant 1 : i32
      %scatter3A_584 = arith.constant 0 : i32
      %scatter3A_585 = arith.constant 0 : i32
      %scatter3A_586 = tpu.memref_slice %arg7[%scatter3A_583, %scatter3A_584, %scatter3A_585] : memref<2x16x1025xf32, #tpu.memory_space<vmem>> -> memref<1x16x1025xf32, #tpu.memory_space<vmem>>
      %scatter3A_587 = tpu.memref_squeeze %scatter3A_586 : memref<1x16x1025xf32, #tpu.memory_space<vmem>> -> memref<16x1025xf32, #tpu.memory_space<vmem>>
      tpu.vector_store_idx %scatter3A_587[%iota3A, %broadcast_in_dim3A_582], %get3A_579 : memref<16x1025xf32, #tpu.memory_space<vmem>>[vector<16xi32>, vector<16xi32>], vector<16xf32>,
      %add3A_588 = arith.constant 1024 : i32
      %add3A_589 = arith.addi %add3A_588, %mul3A_510 : i32
      %add3A_590 = arith.constant 5 : i32
      %add3A_591 = arith.addi %add3A_589, %add3A_590 : i32
      %get3A_592 = arith.index_cast %rem3A_233 : i32 to index
      %get3A_593 = arith.index_cast %add3A_591 : i32 to index
      %get3A_594 = arith.constant 0 : index
      %get3A_595 = tpu.vector_load %arg6[%get3A_592, %get3A_593, %get3A_594] {strides = array<i32>} : memref<2x2048x16xf32, #tpu.memory_space<vmem>>, vector<16xf32>,
      %add3A_596 = arith.constant 5 : i32
      %add3A_597 = arith.addi %mul3A_510, %add3A_596 : i32
      %broadcast_in_dim3A_598 = vector.broadcast %add3A_597 : i32 to vector<16xi32>
      %scatter3A_599 = arith.constant 1 : i32
      %scatter3A_600 = arith.constant 0 : i32
      %scatter3A_601 = arith.constant 0 : i32
      %scatter3A_602 = tpu.memref_slice %arg7[%scatter3A_599, %scatter3A_600, %scatter3A_601] : memref<2x16x1025xf32, #tpu.memory_space<vmem>> -> memref<1x16x1025xf32, #tpu.memory_space<vmem>>
      %scatter3A_603 = tpu.memref_squeeze %scatter3A_602 : memref<1x16x1025xf32, #tpu.memory_space<vmem>> -> memref<16x1025xf32, #tpu.memory_space<vmem>>
      tpu.vector_store_idx %scatter3A_603[%iota3A, %broadcast_in_dim3A_598], %get3A_595 : memref<16x1025xf32, #tpu.memory_space<vmem>>[vector<16xi32>, vector<16xi32>], vector<16xf32>,
      %add3A_604 = arith.constant 1024 : i32
      %add3A_605 = arith.addi %add3A_604, %mul3A_510 : i32
      %add3A_606 = arith.constant 6 : i32
      %add3A_607 = arith.addi %add3A_605, %add3A_606 : i32
      %get3A_608 = arith.index_cast %rem3A_233 : i32 to index
      %get3A_609 = arith.index_cast %add3A_607 : i32 to index
      %get3A_610 = arith.constant 0 : index
      %get3A_611 = tpu.vector_load %arg6[%get3A_608, %get3A_609, %get3A_610] {strides = array<i32>} : memref<2x2048x16xf32, #tpu.memory_space<vmem>>, vector<16xf32>,
      %add3A_612 = arith.constant 6 : i32
      %add3A_613 = arith.addi %mul3A_510, %add3A_612 : i32
      %broadcast_in_dim3A_614 = vector.broadcast %add3A_613 : i32 to vector<16xi32>
      %scatter3A_615 = arith.constant 1 : i32
      %scatter3A_616 = arith.constant 0 : i32
      %scatter3A_617 = arith.constant 0 : i32
      %scatter3A_618 = tpu.memref_slice %arg7[%scatter3A_615, %scatter3A_616, %scatter3A_617] : memref<2x16x1025xf32, #tpu.memory_space<vmem>> -> memref<1x16x1025xf32, #tpu.memory_space<vmem>>
      %scatter3A_619 = tpu.memref_squeeze %scatter3A_618 : memref<1x16x1025xf32, #tpu.memory_space<vmem>> -> memref<16x1025xf32, #tpu.memory_space<vmem>>
      tpu.vector_store_idx %scatter3A_619[%iota3A, %broadcast_in_dim3A_614], %get3A_611 : memref<16x1025xf32, #tpu.memory_space<vmem>>[vector<16xi32>, vector<16xi32>], vector<16xf32>,
      %add3A_620 = arith.constant 1024 : i32
      %add3A_621 = arith.addi %add3A_620, %mul3A_510 : i32
      %add3A_622 = arith.constant 7 : i32
      %add3A_623 = arith.addi %add3A_621, %add3A_622 : i32
      %get3A_624 = arith.index_cast %rem3A_233 : i32 to index
      %get3A_625 = arith.index_cast %add3A_623 : i32 to index
      %get3A_626 = arith.constant 0 : index
      %get3A_627 = tpu.vector_load %arg6[%get3A_624, %get3A_625, %get3A_626] {strides = array<i32>} : memref<2x2048x16xf32, #tpu.memory_space<vmem>>, vector<16xf32>,
      %add3A_628 = arith.constant 7 : i32
      %add3A_629 = arith.addi %mul3A_510, %add3A_628 : i32
      %broadcast_in_dim3A_630 = vector.broadcast %add3A_629 : i32 to vector<16xi32>
      %scatter3A_631 = arith.constant 1 : i32
      %scatter3A_632 = arith.constant 0 : i32
      %scatter3A_633 = arith.constant 0 : i32
      %scatter3A_634 = tpu.memref_slice %arg7[%scatter3A_631, %scatter3A_632, %scatter3A_633] : memref<2x16x1025xf32, #tpu.memory_space<vmem>> -> memref<1x16x1025xf32, #tpu.memory_space<vmem>>
      %scatter3A_635 = tpu.memref_squeeze %scatter3A_634 : memref<1x16x1025xf32, #tpu.memory_space<vmem>> -> memref<16x1025xf32, #tpu.memory_space<vmem>>
      tpu.vector_store_idx %scatter3A_635[%iota3A, %broadcast_in_dim3A_630], %get3A_627 : memref<16x1025xf32, #tpu.memory_space<vmem>>[vector<16xi32>, vector<16xi32>], vector<16xf32>,
    }
    %scan3A_272 = arith.constant 128 : i32
    %add3A_273 = arith.constant 0 : i32
    %add3A_274 = arith.addi %mul3A_18, %add3A_273 : i32
    %rem3A_275 = arith.constant 0 : i32
    %rem3A_276 = arith.constant 2 : i32
    %rem3A_277 = arith.remsi %rem3A_275, %rem3A_276 : i32
    %mul3A_278 = arith.constant 2048 : i32
    %mul3A_279 = arith.muli %rem3A_277, %mul3A_278 : i32
    %add3A_280 = arith.addi %mul3A_34, %mul3A_279 : i32
    %add3A_281 = arith.constant 1024 : i32
    %add3A_282 = arith.addi %add3A_280, %add3A_281 : i32
    %dma_start3A_283 = arith.constant 1 : i32
    %dma_start3A_284 = arith.constant 1 : i32
    %dma_start3A_285 = arith.constant 0 : i32
    %dma_start3A_286 = arith.constant 0 : i32
    %dma_start3A_287 = tpu.memref_slice %arg7[%dma_start3A_283, %dma_start3A_285, %dma_start3A_286] : memref<2x16x1025xf32, #tpu.memory_space<vmem>> -> memref<1x16x1024xf32, #tpu.memory_space<vmem>>
    %dma_start3A_288 = tpu.memref_squeeze %dma_start3A_287 : memref<1x16x1024xf32, #tpu.memory_space<vmem>> -> memref<16x1024xf32, #tpu.memory_space<vmem>>
    %dma_start3A_289 = arith.constant 0 : i32
    %dma_start3A_290 = tpu.memref_slice %arg4[%add3A_274, %dma_start3A_289, %add3A_282] : memref<200x16x16384xf32, #tpu.memory_space<hbm>> -> memref<1x16x1024xf32, #tpu.memory_space<hbm>>
    %dma_start3A_291 = tpu.memref_squeeze %dma_start3A_290 : memref<1x16x1024xf32, #tpu.memory_space<hbm>> -> memref<16x1024xf32, #tpu.memory_space<hbm>>
    %dma_start3A_292 = tpu.memref_slice %arg10[%dma_start3A_284] : memref<2x!tpu.dma_semaphore, #tpu.memory_space<semaphore_mem>> -> memref<1x!tpu.dma_semaphore, #tpu.memory_space<semaphore_mem>>
    %dma_start3A_293 = tpu.memref_squeeze %dma_start3A_292 : memref<1x!tpu.dma_semaphore, #tpu.memory_space<semaphore_mem>> -> memref<!tpu.dma_semaphore, #tpu.memory_space<semaphore_mem>>
    %dma_start3A_294 = arith.constant 0 : i32
    %dma_start3A_295 = tpu.memref_slice %arg4[%add3A_274, %dma_start3A_294, %add3A_282] : memref<200x16x16384xf32, #tpu.memory_space<hbm>> -> memref<1x16x1024xf32, #tpu.memory_space<hbm>>
    %dma_start3A_296 = tpu.memref_squeeze %dma_start3A_295 : memref<1x16x1024xf32, #tpu.memory_space<hbm>> -> memref<16x1024xf32, #tpu.memory_space<hbm>>
    %dma_start3A_297 = arith.constant 0 : i32
    %dma_start3A_298 = arith.constant 0 : i32
    %dma_start3A_299 = tpu.memref_slice %arg7[%dma_start3A_283, %dma_start3A_297, %dma_start3A_298] : memref<2x16x1025xf32, #tpu.memory_space<vmem>> -> memref<1x16x1024xf32, #tpu.memory_space<vmem>>
    %dma_start3A_300 = tpu.memref_squeeze %dma_start3A_299 : memref<1x16x1024xf32, #tpu.memory_space<vmem>> -> memref<16x1024xf32, #tpu.memory_space<vmem>>
    tpu.enqueue_dma source(%dma_start3A_300 : memref<16x1024xf32, #tpu.memory_space<vmem>>) target(%dma_start3A_296 : memref<16x1024xf32, #tpu.memory_space<hbm>>) target_semaphore(%dma_start3A_293 : memref<!tpu.dma_semaphore, #tpu.memory_space<semaphore_mem>>)
    %scan3A_301 = arith.constant 0 : i32
    %scan3A_302 = arith.constant 2 : i32
    %scan3A_303 = arith.constant 48 : i32
    %scan3A_304 = arith.addi %scan3A_302, %scan3A_303 : i32
    %scan3A_305 = arith.constant 1 : i32
    scf.for %scan3A_508 = %scan3A_302 to %scan3A_304 step %scan3A_305  : i32 {
      %rem3A_509 = arith.constant 3 : i32
      %rem3A_510 = arith.remsi %scan3A_508, %rem3A_509 : i32
      %jit3A_511 = arith.constant 2 : i32
      %div3A_512 = arith.divsi %scan3A_508, %jit3A_511 : i32
      %sign3A_513 = arith.constant 0 : i32
      %sign3A_514 = arith.cmpi sgt, %scan3A_508, %sign3A_513 : i32
      %sign3A_515 = arith.extui %sign3A_514 : i1 to i32
      %sign3A_516 = arith.constant 0 : i32
      %sign3A_517 = arith.cmpi slt, %scan3A_508, %sign3A_516 : i32
      %sign3A_518 = arith.extui %sign3A_517 : i1 to i32
      %sign3A_519 = arith.subi %sign3A_515, %sign3A_518 : i32
      %sign3A_520 = arith.constant 0 : i32
      %sign3A_521 = arith.cmpi sgt, %jit3A_511, %sign3A_520 : i32
      %sign3A_522 = arith.extui %sign3A_521 : i1 to i32
      %sign3A_523 = arith.constant 0 : i32
      %sign3A_524 = arith.cmpi slt, %jit3A_511, %sign3A_523 : i32
      %sign3A_525 = arith.extui %sign3A_524 : i1 to i32
      %sign3A_526 = arith.subi %sign3A_522, %sign3A_525 : i32
      %ne3A_527 = arith.cmpi ne, %sign3A_519, %sign3A_526 : i32
      %rem3A_528 = arith.remsi %scan3A_508, %jit3A_511 : i32
      %ne3A_529 = arith.constant 0 : i32
      %ne3A_530 = arith.cmpi ne, %rem3A_528, %ne3A_529 : i32
      %and3A_531 = arith.andi %ne3A_527, %ne3A_530 : i1
      %sub3A_532 = arith.constant 1 : i32
      %sub3A_533 = arith.subi %div3A_512, %sub3A_532 : i32
      %select_n3A_534 = arith.select %and3A_531, %sub3A_533, %div3A_512 : i32
      %add3A_535 = arith.addi %mul3A_18, %select_n3A_534 : i32
      %mul3A_536 = arith.constant 16384 : i32
      %mul3A_537 = arith.muli %add3A_535, %mul3A_536 : i32
      %add3A_538 = arith.addi %mul3A_537, %mul3A_34 : i32
      %rem3A_539 = arith.constant 2 : i32
      %rem3A_540 = arith.remsi %scan3A_508, %rem3A_539 : i32
      %mul3A_541 = arith.constant 2048 : i32
      %mul3A_542 = arith.muli %rem3A_540, %mul3A_541 : i32
      %add3A_543 = arith.addi %add3A_538, %mul3A_542 : i32
      %dma_wait3A_544 = arith.constant 0 : i32
      %dma_wait3A_545 = tpu.memref_slice %arg5[%rem3A_510, %dma_wait3A_544] : memref<3x2048xi32, #tpu.memory_space<vmem>> -> memref<1x2048xi32, #tpu.memory_space<vmem>>
      %dma_wait3A_546 = tpu.memref_squeeze %dma_wait3A_545 : memref<1x2048xi32, #tpu.memory_space<vmem>> -> memref<2048xi32, #tpu.memory_space<vmem>>
      %dma_wait3A_547 = tpu.memref_slice %arg2[%add3A_543] : memref<3276800xi32, #tpu.memory_space<hbm>> -> memref<2048xi32, #tpu.memory_space<hbm>>
      %dma_wait3A_548 = tpu.memref_slice %arg8[%rem3A_510] : memref<3x!tpu.dma_semaphore, #tpu.memory_space<semaphore_mem>> -> memref<1x!tpu.dma_semaphore, #tpu.memory_space<semaphore_mem>>
      %dma_wait3A_549 = tpu.memref_squeeze %dma_wait3A_548 : memref<1x!tpu.dma_semaphore, #tpu.memory_space<semaphore_mem>> -> memref<!tpu.dma_semaphore, #tpu.memory_space<semaphore_mem>>
      %dma_wait3A_550 = arith.constant 0 : i32
      %dma_wait3A_551 = tpu.memref_slice %arg5[%rem3A_510, %dma_wait3A_550] : memref<3x2048xi32, #tpu.memory_space<vmem>> -> memref<1x2048xi32, #tpu.memory_space<vmem>>
      %dma_wait3A_552 = tpu.memref_squeeze %dma_wait3A_551 : memref<1x2048xi32, #tpu.memory_space<vmem>> -> memref<2048xi32, #tpu.memory_space<vmem>>
      %dma_wait3A_553 = tpu.memref_slice %arg2[%add3A_543] : memref<3276800xi32, #tpu.memory_space<hbm>> -> memref<2048xi32, #tpu.memory_space<hbm>>
      tpu.wait_dma2 semaphore(%dma_wait3A_549 : memref<!tpu.dma_semaphore, #tpu.memory_space<semaphore_mem>>) src(%dma_wait3A_553 : memref<2048xi32, #tpu.memory_space<hbm>>) dst(%dma_wait3A_552 : memref<2048xi32, #tpu.memory_space<vmem>>)
      %rem3A_554 = arith.constant 2 : i32
      %rem3A_555 = arith.remsi %scan3A_508, %rem3A_554 : i32
      %rem3A_556 = arith.constant 3 : i32
      %rem3A_557 = arith.remsi %scan3A_508, %rem3A_556 : i32
      %dma_start3A_558 = arith.constant 0 : i32
      %dma_start3A_559 = arith.constant 0 : i32
      %dma_start3A_560 = tpu.memref_slice %arg6[%rem3A_555, %dma_start3A_558, %dma_start3A_559] : memref<2x2048x16xf32, #tpu.memory_space<vmem>> -> memref<1x2048x16xf32, #tpu.memory_space<vmem>>
      %dma_start3A_561 = tpu.memref_squeeze %dma_start3A_560 : memref<1x2048x16xf32, #tpu.memory_space<vmem>> -> memref<2048x16xf32, #tpu.memory_space<vmem>>
      %dma_start3A_562 = arith.constant 0 : i32
      %dma_start3A_563 = tpu.memref_slice %arg5[%rem3A_557, %dma_start3A_562] : memref<3x2048xi32, #tpu.memory_space<vmem>> -> memref<1x2048xi32, #tpu.memory_space<vmem>>
      %dma_start3A_564 = tpu.memref_squeeze %dma_start3A_563 : memref<1x2048xi32, #tpu.memory_space<vmem>> -> memref<2048xi32, #tpu.memory_space<vmem>>
      %dma_start3A_565 = arith.constant 0 : i32
      %dma_start3A_566 = arith.constant 0 : i32
      %dma_start3A_567 = tpu.memref_slice %arg3[%dma_start3A_565, %dma_start3A_566] : memref<1000000x16xf32, #tpu.memory_space<hbm>> -> memref<1000000x16xf32, #tpu.memory_space<hbm>>
      %dma_start3A_568 = tpu.memref_slice %arg9[%rem3A_555] : memref<2x!tpu.dma_semaphore, #tpu.memory_space<semaphore_mem>> -> memref<1x!tpu.dma_semaphore, #tpu.memory_space<semaphore_mem>>
      %dma_start3A_569 = tpu.memref_squeeze %dma_start3A_568 : memref<1x!tpu.dma_semaphore, #tpu.memory_space<semaphore_mem>> -> memref<!tpu.dma_semaphore, #tpu.memory_space<semaphore_mem>>
      tpu.enqueue_indirect_dma source(%dma_start3A_567 : memref<1000000x16xf32, #tpu.memory_space<hbm>>) target(%dma_start3A_561 : memref<2048x16xf32, #tpu.memory_space<vmem>>) offsets(%dma_start3A_564 : memref<2048xi32, #tpu.memory_space<vmem>>) semaphore(%dma_start3A_569 : memref<!tpu.dma_semaphore, #tpu.memory_space<semaphore_mem>>)
      %sub3A_570 = arith.constant 1 : i32
      %sub3A_571 = arith.subi %scan3A_508, %sub3A_570 : i32
      %rem3A_572 = arith.constant 2 : i32
      %rem3A_573 = arith.remsi %sub3A_571, %rem3A_572 : i32
      %rem3A_574 = arith.constant 3 : i32
      %rem3A_575 = arith.remsi %sub3A_571, %rem3A_574 : i32
      %dma_wait3A_576 = arith.constant 0 : i32
      %dma_wait3A_577 = arith.constant 0 : i32
      %dma_wait3A_578 = tpu.memref_slice %arg6[%rem3A_573, %dma_wait3A_576, %dma_wait3A_577] : memref<2x2048x16xf32, #tpu.memory_space<vmem>> -> memref<1x2048x16xf32, #tpu.memory_space<vmem>>
      %dma_wait3A_579 = tpu.memref_squeeze %dma_wait3A_578 : memref<1x2048x16xf32, #tpu.memory_space<vmem>> -> memref<2048x16xf32, #tpu.memory_space<vmem>>
      %dma_wait3A_580 = arith.constant 0 : i32
      %dma_wait3A_581 = tpu.memref_slice %arg5[%rem3A_575, %dma_wait3A_580] : memref<3x2048xi32, #tpu.memory_space<vmem>> -> memref<1x2048xi32, #tpu.memory_space<vmem>>
      %dma_wait3A_582 = tpu.memref_squeeze %dma_wait3A_581 : memref<1x2048xi32, #tpu.memory_space<vmem>> -> memref<2048xi32, #tpu.memory_space<vmem>>
      %dma_wait3A_583 = arith.constant 0 : i32
      %dma_wait3A_584 = arith.constant 0 : i32
      %dma_wait3A_585 = tpu.memref_slice %arg3[%dma_wait3A_583, %dma_wait3A_584] : memref<1000000x16xf32, #tpu.memory_space<hbm>> -> memref<1000000x16xf32, #tpu.memory_space<hbm>>
      %dma_wait3A_586 = tpu.memref_slice %arg9[%rem3A_573] : memref<2x!tpu.dma_semaphore, #tpu.memory_space<semaphore_mem>> -> memref<1x!tpu.dma_semaphore, #tpu.memory_space<semaphore_mem>>
      %dma_wait3A_587 = tpu.memref_squeeze %dma_wait3A_586 : memref<1x!tpu.dma_semaphore, #tpu.memory_space<semaphore_mem>> -> memref<!tpu.dma_semaphore, #tpu.memory_space<semaphore_mem>>
      tpu.wait_indirect_dma semaphore(%dma_wait3A_587 : memref<!tpu.dma_semaphore, #tpu.memory_space<semaphore_mem>>) src(%dma_wait3A_585 : memref<1000000x16xf32, #tpu.memory_space<hbm>>) dst(%dma_wait3A_579 : memref<2048x16xf32, #tpu.memory_space<vmem>>)
      %add3A_588 = arith.constant 3 : i32
      %add3A_589 = arith.addi %scan3A_508, %add3A_588 : i32
      %sub3A_590 = arith.constant 1 : i32
      %sub3A_591 = arith.subi %add3A_589, %sub3A_590 : i32
      %le3A = arith.constant 49 : i32
      %le3A_592 = arith.cmpi sle, %sub3A_591, %le3A : i32
      %convert_element_type3A = arith.extui %le3A_592 : i1 to i32
      %cond3A = arith.constant 0 : i32
      %cond3A_593 = arith.cmpi ne, %convert_element_type3A, %cond3A : i32
      scf.if %cond3A_593 {
        %add3A_814 = arith.constant 3 : i32
        %add3A_815 = arith.addi %scan3A_508, %add3A_814 : i32
        %sub3A_816 = arith.constant 1 : i32
        %sub3A_817 = arith.subi %add3A_815, %sub3A_816 : i32
        %rem3A_818 = arith.constant 3 : i32
        %rem3A_819 = arith.remsi %sub3A_817, %rem3A_818 : i32
        %jit3A_820 = arith.constant 2 : i32
        %div3A_821 = arith.divsi %sub3A_817, %jit3A_820 : i32
        %sign3A_822 = arith.constant 0 : i32
        %sign3A_823 = arith.cmpi sgt, %sub3A_817, %sign3A_822 : i32
        %sign3A_824 = arith.extui %sign3A_823 : i1 to i32
        %sign3A_825 = arith.constant 0 : i32
        %sign3A_826 = arith.cmpi slt, %sub3A_817, %sign3A_825 : i32
        %sign3A_827 = arith.extui %sign3A_826 : i1 to i32
        %sign3A_828 = arith.subi %sign3A_824, %sign3A_827 : i32
        %sign3A_829 = arith.constant 0 : i32
        %sign3A_830 = arith.cmpi sgt, %jit3A_820, %sign3A_829 : i32
        %sign3A_831 = arith.extui %sign3A_830 : i1 to i32
        %sign3A_832 = arith.constant 0 : i32
        %sign3A_833 = arith.cmpi slt, %jit3A_820, %sign3A_832 : i32
        %sign3A_834 = arith.extui %sign3A_833 : i1 to i32
        %sign3A_835 = arith.subi %sign3A_831, %sign3A_834 : i32
        %ne3A_836 = arith.cmpi ne, %sign3A_828, %sign3A_835 : i32
        %rem3A_837 = arith.remsi %sub3A_817, %jit3A_820 : i32
        %ne3A_838 = arith.constant 0 : i32
        %ne3A_839 = arith.cmpi ne, %rem3A_837, %ne3A_838 : i32
        %and3A_840 = arith.andi %ne3A_836, %ne3A_839 : i1
        %sub3A_841 = arith.constant 1 : i32
        %sub3A_842 = arith.subi %div3A_821, %sub3A_841 : i32
        %select_n3A_843 = arith.select %and3A_840, %sub3A_842, %div3A_821 : i32
        %add3A_844 = arith.addi %mul3A_18, %select_n3A_843 : i32
        %mul3A_845 = arith.constant 16384 : i32
        %mul3A_846 = arith.muli %add3A_844, %mul3A_845 : i32
        %add3A_847 = arith.addi %mul3A_846, %mul3A_34 : i32
        %rem3A_848 = arith.constant 2 : i32
        %rem3A_849 = arith.remsi %sub3A_817, %rem3A_848 : i32
        %mul3A_850 = arith.constant 2048 : i32
        %mul3A_851 = arith.muli %rem3A_849, %mul3A_850 : i32
        %add3A_852 = arith.addi %add3A_847, %mul3A_851 : i32
        %dma_start3A_853 = arith.constant 0 : i32
        %dma_start3A_854 = tpu.memref_slice %arg5[%rem3A_819, %dma_start3A_853] : memref<3x2048xi32, #tpu.memory_space<vmem>> -> memref<1x2048xi32, #tpu.memory_space<vmem>>
        %dma_start3A_855 = tpu.memref_squeeze %dma_start3A_854 : memref<1x2048xi32, #tpu.memory_space<vmem>> -> memref<2048xi32, #tpu.memory_space<vmem>>
        %dma_start3A_856 = tpu.memref_slice %arg2[%add3A_852] : memref<3276800xi32, #tpu.memory_space<hbm>> -> memref<2048xi32, #tpu.memory_space<hbm>>
        %dma_start3A_857 = tpu.memref_slice %arg8[%rem3A_819] : memref<3x!tpu.dma_semaphore, #tpu.memory_space<semaphore_mem>> -> memref<1x!tpu.dma_semaphore, #tpu.memory_space<semaphore_mem>>
        %dma_start3A_858 = tpu.memref_squeeze %dma_start3A_857 : memref<1x!tpu.dma_semaphore, #tpu.memory_space<semaphore_mem>> -> memref<!tpu.dma_semaphore, #tpu.memory_space<semaphore_mem>>
        %dma_start3A_859 = arith.constant 0 : i32
        %dma_start3A_860 = tpu.memref_slice %arg5[%rem3A_819, %dma_start3A_859] : memref<3x2048xi32, #tpu.memory_space<vmem>> -> memref<1x2048xi32, #tpu.memory_space<vmem>>
        %dma_start3A_861 = tpu.memref_squeeze %dma_start3A_860 : memref<1x2048xi32, #tpu.memory_space<vmem>> -> memref<2048xi32, #tpu.memory_space<vmem>>
        %dma_start3A_862 = tpu.memref_slice %arg2[%add3A_852] : memref<3276800xi32, #tpu.memory_space<hbm>> -> memref<2048xi32, #tpu.memory_space<hbm>>
        tpu.enqueue_dma source(%dma_start3A_862 : memref<2048xi32, #tpu.memory_space<hbm>>) target(%dma_start3A_861 : memref<2048xi32, #tpu.memory_space<vmem>>) target_semaphore(%dma_start3A_858 : memref<!tpu.dma_semaphore, #tpu.memory_space<semaphore_mem>>)
      } else {
      }
      %sub3A_594 = arith.constant 1 : i32
      %sub3A_595 = arith.subi %scan3A_508, %sub3A_594 : i32
      %rem3A_596 = arith.constant 2 : i32
      %rem3A_597 = arith.remsi %sub3A_595, %rem3A_596 : i32
      %sub3A_598 = arith.constant 1 : i32
      %sub3A_599 = arith.subi %sub3A_595, %sub3A_598 : i32
      %jit3A_600 = arith.constant 2 : i32
      %div3A_601 = arith.divsi %sub3A_599, %jit3A_600 : i32
      %sign3A_602 = arith.constant 0 : i32
      %sign3A_603 = arith.cmpi sgt, %sub3A_599, %sign3A_602 : i32
      %sign3A_604 = arith.extui %sign3A_603 : i1 to i32
      %sign3A_605 = arith.constant 0 : i32
      %sign3A_606 = arith.cmpi slt, %sub3A_599, %sign3A_605 : i32
      %sign3A_607 = arith.extui %sign3A_606 : i1 to i32
      %sign3A_608 = arith.subi %sign3A_604, %sign3A_607 : i32
      %sign3A_609 = arith.constant 0 : i32
      %sign3A_610 = arith.cmpi sgt, %jit3A_600, %sign3A_609 : i32
      %sign3A_611 = arith.extui %sign3A_610 : i1 to i32
      %sign3A_612 = arith.constant 0 : i32
      %sign3A_613 = arith.cmpi slt, %jit3A_600, %sign3A_612 : i32
      %sign3A_614 = arith.extui %sign3A_613 : i1 to i32
      %sign3A_615 = arith.subi %sign3A_611, %sign3A_614 : i32
      %ne3A_616 = arith.cmpi ne, %sign3A_608, %sign3A_615 : i32
      %rem3A_617 = arith.remsi %sub3A_599, %jit3A_600 : i32
      %ne3A_618 = arith.constant 0 : i32
      %ne3A_619 = arith.cmpi ne, %rem3A_617, %ne3A_618 : i32
      %and3A_620 = arith.andi %ne3A_616, %ne3A_619 : i1
      %sub3A_621 = arith.constant 1 : i32
      %sub3A_622 = arith.subi %div3A_601, %sub3A_621 : i32
      %select_n3A_623 = arith.select %and3A_620, %sub3A_622, %div3A_601 : i32
      %add3A_624 = arith.addi %mul3A_18, %select_n3A_623 : i32
      %rem3A_625 = arith.constant 2 : i32
      %rem3A_626 = arith.remsi %sub3A_599, %rem3A_625 : i32
      %mul3A_627 = arith.constant 2048 : i32
      %mul3A_628 = arith.muli %rem3A_626, %mul3A_627 : i32
      %add3A_629 = arith.addi %mul3A_34, %mul3A_628 : i32
      %add3A_630 = arith.constant 0 : i32
      %add3A_631 = arith.addi %add3A_629, %add3A_630 : i32
      %dma_wait3A_632 = arith.constant 0 : i32
      %dma_wait3A_633 = arith.constant 0 : i32
      %dma_wait3A_634 = arith.constant 0 : i32
      %dma_wait3A_635 = arith.constant 0 : i32
      %dma_wait3A_636 = tpu.memref_slice %arg7[%dma_wait3A_632, %dma_wait3A_634, %dma_wait3A_635] : memref<2x16x1025xf32, #tpu.memory_space<vmem>> -> memref<1x16x1024xf32, #tpu.memory_space<vmem>>
      %dma_wait3A_637 = tpu.memref_squeeze %dma_wait3A_636 : memref<1x16x1024xf32, #tpu.memory_space<vmem>> -> memref<16x1024xf32, #tpu.memory_space<vmem>>
      %dma_wait3A_638 = arith.constant 0 : i32
      %dma_wait3A_639 = tpu.memref_slice %arg4[%add3A_624, %dma_wait3A_638, %add3A_631] : memref<200x16x16384xf32, #tpu.memory_space<hbm>> -> memref<1x16x1024xf32, #tpu.memory_space<hbm>>
      %dma_wait3A_640 = tpu.memref_squeeze %dma_wait3A_639 : memref<1x16x1024xf32, #tpu.memory_space<hbm>> -> memref<16x1024xf32, #tpu.memory_space<hbm>>
      %dma_wait3A_641 = tpu.memref_slice %arg10[%dma_wait3A_633] : memref<2x!tpu.dma_semaphore, #tpu.memory_space<semaphore_mem>> -> memref<1x!tpu.dma_semaphore, #tpu.memory_space<semaphore_mem>>
      %dma_wait3A_642 = tpu.memref_squeeze %dma_wait3A_641 : memref<1x!tpu.dma_semaphore, #tpu.memory_space<semaphore_mem>> -> memref<!tpu.dma_semaphore, #tpu.memory_space<semaphore_mem>>
      %dma_wait3A_643 = arith.constant 0 : i32
      %dma_wait3A_644 = tpu.memref_slice %arg4[%add3A_624, %dma_wait3A_643, %add3A_631] : memref<200x16x16384xf32, #tpu.memory_space<hbm>> -> memref<1x16x1024xf32, #tpu.memory_space<hbm>>
      %dma_wait3A_645 = tpu.memref_squeeze %dma_wait3A_644 : memref<1x16x1024xf32, #tpu.memory_space<hbm>> -> memref<16x1024xf32, #tpu.memory_space<hbm>>
      %dma_wait3A_646 = arith.constant 0 : i32
      %dma_wait3A_647 = arith.constant 0 : i32
      %dma_wait3A_648 = tpu.memref_slice %arg7[%dma_wait3A_632, %dma_wait3A_646, %dma_wait3A_647] : memref<2x16x1025xf32, #tpu.memory_space<vmem>> -> memref<1x16x1024xf32, #tpu.memory_space<vmem>>
      %dma_wait3A_649 = tpu.memref_squeeze %dma_wait3A_648 : memref<1x16x1024xf32, #tpu.memory_space<vmem>> -> memref<16x1024xf32, #tpu.memory_space<vmem>>
      tpu.wait_dma2 semaphore(%dma_wait3A_642 : memref<!tpu.dma_semaphore, #tpu.memory_space<semaphore_mem>>) src(%dma_wait3A_649 : memref<16x1024xf32, #tpu.memory_space<vmem>>) dst(%dma_wait3A_645 : memref<16x1024xf32, #tpu.memory_space<hbm>>)
      %scan3A_650 = arith.constant 0 : i32
      %scan3A_651 = arith.constant 0 : i32
      %scan3A_652 = arith.constant 128 : i32
      %scan3A_653 = arith.addi %scan3A_651, %scan3A_652 : i32
      %scan3A_654 = arith.constant 1 : i32
      scf.for %scan3A_814 = %scan3A_651 to %scan3A_653 step %scan3A_654  : i32 {
        %mul3A_815 = arith.constant 8 : i32
        %mul3A_816 = arith.muli %scan3A_814, %mul3A_815 : i32
        %add3A_817 = arith.constant 0 : i32
        %add3A_818 = arith.addi %add3A_817, %mul3A_816 : i32
        %add3A_819 = arith.constant 0 : i32
        %add3A_820 = arith.addi %add3A_818, %add3A_819 : i32
        %get3A = arith.index_cast %rem3A_597 : i32 to index
        %get3A_821 = arith.index_cast %add3A_820 : i32 to index
        %get3A_822 = arith.constant 0 : index
        %get3A_823 = tpu.vector_load %arg6[%get3A, %get3A_821, %get3A_822] {strides = array<i32>} : memref<2x2048x16xf32, #tpu.memory_space<vmem>>, vector<16xf32>,
        %add3A_824 = arith.constant 0 : i32
        %add3A_825 = arith.addi %mul3A_816, %add3A_824 : i32
        %broadcast_in_dim3A = vector.broadcast %add3A_825 : i32 to vector<16xi32>
        %scatter3A = arith.constant 0 : i32
        %scatter3A_826 = arith.constant 0 : i32
        %scatter3A_827 = arith.constant 0 : i32
        %scatter3A_828 = tpu.memref_slice %arg7[%scatter3A, %scatter3A_826, %scatter3A_827] : memref<2x16x1025xf32, #tpu.memory_space<vmem>> -> memref<1x16x1025xf32, #tpu.memory_space<vmem>>
        %scatter3A_829 = tpu.memref_squeeze %scatter3A_828 : memref<1x16x1025xf32, #tpu.memory_space<vmem>> -> memref<16x1025xf32, #tpu.memory_space<vmem>>
        tpu.vector_store_idx %scatter3A_829[%iota3A, %broadcast_in_dim3A], %get3A_823 : memref<16x1025xf32, #tpu.memory_space<vmem>>[vector<16xi32>, vector<16xi32>], vector<16xf32>,
        %add3A_830 = arith.constant 0 : i32
        %add3A_831 = arith.addi %add3A_830, %mul3A_816 : i32
        %add3A_832 = arith.constant 1 : i32
        %add3A_833 = arith.addi %add3A_831, %add3A_832 : i32
        %get3A_834 = arith.index_cast %rem3A_597 : i32 to index
        %get3A_835 = arith.index_cast %add3A_833 : i32 to index
        %get3A_836 = arith.constant 0 : index
        %get3A_837 = tpu.vector_load %arg6[%get3A_834, %get3A_835, %get3A_836] {strides = array<i32>} : memref<2x2048x16xf32, #tpu.memory_space<vmem>>, vector<16xf32>,
        %add3A_838 = arith.constant 1 : i32
        %add3A_839 = arith.addi %mul3A_816, %add3A_838 : i32
        %broadcast_in_dim3A_840 = vector.broadcast %add3A_839 : i32 to vector<16xi32>
        %scatter3A_841 = arith.constant 0 : i32
        %scatter3A_842 = arith.constant 0 : i32
        %scatter3A_843 = arith.constant 0 : i32
        %scatter3A_844 = tpu.memref_slice %arg7[%scatter3A_841, %scatter3A_842, %scatter3A_843] : memref<2x16x1025xf32, #tpu.memory_space<vmem>> -> memref<1x16x1025xf32, #tpu.memory_space<vmem>>
        %scatter3A_845 = tpu.memref_squeeze %scatter3A_844 : memref<1x16x1025xf32, #tpu.memory_space<vmem>> -> memref<16x1025xf32, #tpu.memory_space<vmem>>
        tpu.vector_store_idx %scatter3A_845[%iota3A, %broadcast_in_dim3A_840], %get3A_837 : memref<16x1025xf32, #tpu.memory_space<vmem>>[vector<16xi32>, vector<16xi32>], vector<16xf32>,
        %add3A_846 = arith.constant 0 : i32
        %add3A_847 = arith.addi %add3A_846, %mul3A_816 : i32
        %add3A_848 = arith.constant 2 : i32
        %add3A_849 = arith.addi %add3A_847, %add3A_848 : i32
        %get3A_850 = arith.index_cast %rem3A_597 : i32 to index
        %get3A_851 = arith.index_cast %add3A_849 : i32 to index
        %get3A_852 = arith.constant 0 : index
        %get3A_853 = tpu.vector_load %arg6[%get3A_850, %get3A_851, %get3A_852] {strides = array<i32>} : memref<2x2048x16xf32, #tpu.memory_space<vmem>>, vector<16xf32>,
        %add3A_854 = arith.constant 2 : i32
        %add3A_855 = arith.addi %mul3A_816, %add3A_854 : i32
        %broadcast_in_dim3A_856 = vector.broadcast %add3A_855 : i32 to vector<16xi32>
        %scatter3A_857 = arith.constant 0 : i32
        %scatter3A_858 = arith.constant 0 : i32
        %scatter3A_859 = arith.constant 0 : i32
        %scatter3A_860 = tpu.memref_slice %arg7[%scatter3A_857, %scatter3A_858, %scatter3A_859] : memref<2x16x1025xf32, #tpu.memory_space<vmem>> -> memref<1x16x1025xf32, #tpu.memory_space<vmem>>
        %scatter3A_861 = tpu.memref_squeeze %scatter3A_860 : memref<1x16x1025xf32, #tpu.memory_space<vmem>> -> memref<16x1025xf32, #tpu.memory_space<vmem>>
        tpu.vector_store_idx %scatter3A_861[%iota3A, %broadcast_in_dim3A_856], %get3A_853 : memref<16x1025xf32, #tpu.memory_space<vmem>>[vector<16xi32>, vector<16xi32>], vector<16xf32>,
        %add3A_862 = arith.constant 0 : i32
        %add3A_863 = arith.addi %add3A_862, %mul3A_816 : i32
        %add3A_864 = arith.constant 3 : i32
        %add3A_865 = arith.addi %add3A_863, %add3A_864 : i32
        %get3A_866 = arith.index_cast %rem3A_597 : i32 to index
        %get3A_867 = arith.index_cast %add3A_865 : i32 to index
        %get3A_868 = arith.constant 0 : index
        %get3A_869 = tpu.vector_load %arg6[%get3A_866, %get3A_867, %get3A_868] {strides = array<i32>} : memref<2x2048x16xf32, #tpu.memory_space<vmem>>, vector<16xf32>,
        %add3A_870 = arith.constant 3 : i32
        %add3A_871 = arith.addi %mul3A_816, %add3A_870 : i32
        %broadcast_in_dim3A_872 = vector.broadcast %add3A_871 : i32 to vector<16xi32>
        %scatter3A_873 = arith.constant 0 : i32
        %scatter3A_874 = arith.constant 0 : i32
        %scatter3A_875 = arith.constant 0 : i32
        %scatter3A_876 = tpu.memref_slice %arg7[%scatter3A_873, %scatter3A_874, %scatter3A_875] : memref<2x16x1025xf32, #tpu.memory_space<vmem>> -> memref<1x16x1025xf32, #tpu.memory_space<vmem>>
        %scatter3A_877 = tpu.memref_squeeze %scatter3A_876 : memref<1x16x1025xf32, #tpu.memory_space<vmem>> -> memref<16x1025xf32, #tpu.memory_space<vmem>>
        tpu.vector_store_idx %scatter3A_877[%iota3A, %broadcast_in_dim3A_872], %get3A_869 : memref<16x1025xf32, #tpu.memory_space<vmem>>[vector<16xi32>, vector<16xi32>], vector<16xf32>,
        %add3A_878 = arith.constant 0 : i32
        %add3A_879 = arith.addi %add3A_878, %mul3A_816 : i32
        %add3A_880 = arith.constant 4 : i32
        %add3A_881 = arith.addi %add3A_879, %add3A_880 : i32
        %get3A_882 = arith.index_cast %rem3A_597 : i32 to index
        %get3A_883 = arith.index_cast %add3A_881 : i32 to index
        %get3A_884 = arith.constant 0 : index
        %get3A_885 = tpu.vector_load %arg6[%get3A_882, %get3A_883, %get3A_884] {strides = array<i32>} : memref<2x2048x16xf32, #tpu.memory_space<vmem>>, vector<16xf32>,
        %add3A_886 = arith.constant 4 : i32
        %add3A_887 = arith.addi %mul3A_816, %add3A_886 : i32
        %broadcast_in_dim3A_888 = vector.broadcast %add3A_887 : i32 to vector<16xi32>
        %scatter3A_889 = arith.constant 0 : i32
        %scatter3A_890 = arith.constant 0 : i32
        %scatter3A_891 = arith.constant 0 : i32
        %scatter3A_892 = tpu.memref_slice %arg7[%scatter3A_889, %scatter3A_890, %scatter3A_891] : memref<2x16x1025xf32, #tpu.memory_space<vmem>> -> memref<1x16x1025xf32, #tpu.memory_space<vmem>>
        %scatter3A_893 = tpu.memref_squeeze %scatter3A_892 : memref<1x16x1025xf32, #tpu.memory_space<vmem>> -> memref<16x1025xf32, #tpu.memory_space<vmem>>
        tpu.vector_store_idx %scatter3A_893[%iota3A, %broadcast_in_dim3A_888], %get3A_885 : memref<16x1025xf32, #tpu.memory_space<vmem>>[vector<16xi32>, vector<16xi32>], vector<16xf32>,
        %add3A_894 = arith.constant 0 : i32
        %add3A_895 = arith.addi %add3A_894, %mul3A_816 : i32
        %add3A_896 = arith.constant 5 : i32
        %add3A_897 = arith.addi %add3A_895, %add3A_896 : i32
        %get3A_898 = arith.index_cast %rem3A_597 : i32 to index
        %get3A_899 = arith.index_cast %add3A_897 : i32 to index
        %get3A_900 = arith.constant 0 : index
        %get3A_901 = tpu.vector_load %arg6[%get3A_898, %get3A_899, %get3A_900] {strides = array<i32>} : memref<2x2048x16xf32, #tpu.memory_space<vmem>>, vector<16xf32>,
        %add3A_902 = arith.constant 5 : i32
        %add3A_903 = arith.addi %mul3A_816, %add3A_902 : i32
        %broadcast_in_dim3A_904 = vector.broadcast %add3A_903 : i32 to vector<16xi32>
        %scatter3A_905 = arith.constant 0 : i32
        %scatter3A_906 = arith.constant 0 : i32
        %scatter3A_907 = arith.constant 0 : i32
        %scatter3A_908 = tpu.memref_slice %arg7[%scatter3A_905, %scatter3A_906, %scatter3A_907] : memref<2x16x1025xf32, #tpu.memory_space<vmem>> -> memref<1x16x1025xf32, #tpu.memory_space<vmem>>
        %scatter3A_909 = tpu.memref_squeeze %scatter3A_908 : memref<1x16x1025xf32, #tpu.memory_space<vmem>> -> memref<16x1025xf32, #tpu.memory_space<vmem>>
        tpu.vector_store_idx %scatter3A_909[%iota3A, %broadcast_in_dim3A_904], %get3A_901 : memref<16x1025xf32, #tpu.memory_space<vmem>>[vector<16xi32>, vector<16xi32>], vector<16xf32>,
        %add3A_910 = arith.constant 0 : i32
        %add3A_911 = arith.addi %add3A_910, %mul3A_816 : i32
        %add3A_912 = arith.constant 6 : i32
        %add3A_913 = arith.addi %add3A_911, %add3A_912 : i32
        %get3A_914 = arith.index_cast %rem3A_597 : i32 to index
        %get3A_915 = arith.index_cast %add3A_913 : i32 to index
        %get3A_916 = arith.constant 0 : index
        %get3A_917 = tpu.vector_load %arg6[%get3A_914, %get3A_915, %get3A_916] {strides = array<i32>} : memref<2x2048x16xf32, #tpu.memory_space<vmem>>, vector<16xf32>,
        %add3A_918 = arith.constant 6 : i32
        %add3A_919 = arith.addi %mul3A_816, %add3A_918 : i32
        %broadcast_in_dim3A_920 = vector.broadcast %add3A_919 : i32 to vector<16xi32>
        %scatter3A_921 = arith.constant 0 : i32
        %scatter3A_922 = arith.constant 0 : i32
        %scatter3A_923 = arith.constant 0 : i32
        %scatter3A_924 = tpu.memref_slice %arg7[%scatter3A_921, %scatter3A_922, %scatter3A_923] : memref<2x16x1025xf32, #tpu.memory_space<vmem>> -> memref<1x16x1025xf32, #tpu.memory_space<vmem>>
        %scatter3A_925 = tpu.memref_squeeze %scatter3A_924 : memref<1x16x1025xf32, #tpu.memory_space<vmem>> -> memref<16x1025xf32, #tpu.memory_space<vmem>>
        tpu.vector_store_idx %scatter3A_925[%iota3A, %broadcast_in_dim3A_920], %get3A_917 : memref<16x1025xf32, #tpu.memory_space<vmem>>[vector<16xi32>, vector<16xi32>], vector<16xf32>,
        %add3A_926 = arith.constant 0 : i32
        %add3A_927 = arith.addi %add3A_926, %mul3A_816 : i32
        %add3A_928 = arith.constant 7 : i32
        %add3A_929 = arith.addi %add3A_927, %add3A_928 : i32
        %get3A_930 = arith.index_cast %rem3A_597 : i32 to index
        %get3A_931 = arith.index_cast %add3A_929 : i32 to index
        %get3A_932 = arith.constant 0 : index
        %get3A_933 = tpu.vector_load %arg6[%get3A_930, %get3A_931, %get3A_932] {strides = array<i32>} : memref<2x2048x16xf32, #tpu.memory_space<vmem>>, vector<16xf32>,
        %add3A_934 = arith.constant 7 : i32
        %add3A_935 = arith.addi %mul3A_816, %add3A_934 : i32
        %broadcast_in_dim3A_936 = vector.broadcast %add3A_935 : i32 to vector<16xi32>
        %scatter3A_937 = arith.constant 0 : i32
        %scatter3A_938 = arith.constant 0 : i32
        %scatter3A_939 = arith.constant 0 : i32
        %scatter3A_940 = tpu.memref_slice %arg7[%scatter3A_937, %scatter3A_938, %scatter3A_939] : memref<2x16x1025xf32, #tpu.memory_space<vmem>> -> memref<1x16x1025xf32, #tpu.memory_space<vmem>>
        %scatter3A_941 = tpu.memref_squeeze %scatter3A_940 : memref<1x16x1025xf32, #tpu.memory_space<vmem>> -> memref<16x1025xf32, #tpu.memory_space<vmem>>
        tpu.vector_store_idx %scatter3A_941[%iota3A, %broadcast_in_dim3A_936], %get3A_933 : memref<16x1025xf32, #tpu.memory_space<vmem>>[vector<16xi32>, vector<16xi32>], vector<16xf32>,
      }
      %scan3A_655 = arith.constant 128 : i32
      %jit3A_656 = arith.constant 2 : i32
      %div3A_657 = arith.divsi %sub3A_595, %jit3A_656 : i32
      %sign3A_658 = arith.constant 0 : i32
      %sign3A_659 = arith.cmpi sgt, %sub3A_595, %sign3A_658 : i32
      %sign3A_660 = arith.extui %sign3A_659 : i1 to i32
      %sign3A_661 = arith.constant 0 : i32
      %sign3A_662 = arith.cmpi slt, %sub3A_595, %sign3A_661 : i32
      %sign3A_663 = arith.extui %sign3A_662 : i1 to i32
      %sign3A_664 = arith.subi %sign3A_660, %sign3A_663 : i32
      %sign3A_665 = arith.constant 0 : i32
      %sign3A_666 = arith.cmpi sgt, %jit3A_656, %sign3A_665 : i32
      %sign3A_667 = arith.extui %sign3A_666 : i1 to i32
      %sign3A_668 = arith.constant 0 : i32
      %sign3A_669 = arith.cmpi slt, %jit3A_656, %sign3A_668 : i32
      %sign3A_670 = arith.extui %sign3A_669 : i1 to i32
      %sign3A_671 = arith.subi %sign3A_667, %sign3A_670 : i32
      %ne3A_672 = arith.cmpi ne, %sign3A_664, %sign3A_671 : i32
      %rem3A_673 = arith.remsi %sub3A_595, %jit3A_656 : i32
      %ne3A_674 = arith.constant 0 : i32
      %ne3A_675 = arith.cmpi ne, %rem3A_673, %ne3A_674 : i32
      %and3A_676 = arith.andi %ne3A_672, %ne3A_675 : i1
      %sub3A_677 = arith.constant 1 : i32
      %sub3A_678 = arith.subi %div3A_657, %sub3A_677 : i32
      %select_n3A_679 = arith.select %and3A_676, %sub3A_678, %div3A_657 : i32
      %add3A_680 = arith.addi %mul3A_18, %select_n3A_679 : i32
      %rem3A_681 = arith.constant 2 : i32
      %rem3A_682 = arith.remsi %sub3A_595, %rem3A_681 : i32
      %mul3A_683 = arith.constant 2048 : i32
      %mul3A_684 = arith.muli %rem3A_682, %mul3A_683 : i32
      %add3A_685 = arith.addi %mul3A_34, %mul3A_684 : i32
      %add3A_686 = arith.constant 0 : i32
      %add3A_687 = arith.addi %add3A_685, %add3A_686 : i32
      %dma_start3A_688 = arith.constant 0 : i32
      %dma_start3A_689 = arith.constant 0 : i32
      %dma_start3A_690 = arith.constant 0 : i32
      %dma_start3A_691 = arith.constant 0 : i32
      %dma_start3A_692 = tpu.memref_slice %arg7[%dma_start3A_688, %dma_start3A_690, %dma_start3A_691] : memref<2x16x1025xf32, #tpu.memory_space<vmem>> -> memref<1x16x1024xf32, #tpu.memory_space<vmem>>
      %dma_start3A_693 = tpu.memref_squeeze %dma_start3A_692 : memref<1x16x1024xf32, #tpu.memory_space<vmem>> -> memref<16x1024xf32, #tpu.memory_space<vmem>>
      %dma_start3A_694 = arith.constant 0 : i32
      %dma_start3A_695 = tpu.memref_slice %arg4[%add3A_680, %dma_start3A_694, %add3A_687] : memref<200x16x16384xf32, #tpu.memory_space<hbm>> -> memref<1x16x1024xf32, #tpu.memory_space<hbm>>
      %dma_start3A_696 = tpu.memref_squeeze %dma_start3A_695 : memref<1x16x1024xf32, #tpu.memory_space<hbm>> -> memref<16x1024xf32, #tpu.memory_space<hbm>>
      %dma_start3A_697 = tpu.memref_slice %arg10[%dma_start3A_689] : memref<2x!tpu.dma_semaphore, #tpu.memory_space<semaphore_mem>> -> memref<1x!tpu.dma_semaphore, #tpu.memory_space<semaphore_mem>>
      %dma_start3A_698 = tpu.memref_squeeze %dma_start3A_697 : memref<1x!tpu.dma_semaphore, #tpu.memory_space<semaphore_mem>> -> memref<!tpu.dma_semaphore, #tpu.memory_space<semaphore_mem>>
      %dma_start3A_699 = arith.constant 0 : i32
      %dma_start3A_700 = tpu.memref_slice %arg4[%add3A_680, %dma_start3A_699, %add3A_687] : memref<200x16x16384xf32, #tpu.memory_space<hbm>> -> memref<1x16x1024xf32, #tpu.memory_space<hbm>>
      %dma_start3A_701 = tpu.memref_squeeze %dma_start3A_700 : memref<1x16x1024xf32, #tpu.memory_space<hbm>> -> memref<16x1024xf32, #tpu.memory_space<hbm>>
      %dma_start3A_702 = arith.constant 0 : i32
      %dma_start3A_703 = arith.constant 0 : i32
      %dma_start3A_704 = tpu.memref_slice %arg7[%dma_start3A_688, %dma_start3A_702, %dma_start3A_703] : memref<2x16x1025xf32, #tpu.memory_space<vmem>> -> memref<1x16x1024xf32, #tpu.memory_space<vmem>>
      %dma_start3A_705 = tpu.memref_squeeze %dma_start3A_704 : memref<1x16x1024xf32, #tpu.memory_space<vmem>> -> memref<16x1024xf32, #tpu.memory_space<vmem>>
      tpu.enqueue_dma source(%dma_start3A_705 : memref<16x1024xf32, #tpu.memory_space<vmem>>) target(%dma_start3A_701 : memref<16x1024xf32, #tpu.memory_space<hbm>>) target_semaphore(%dma_start3A_698 : memref<!tpu.dma_semaphore, #tpu.memory_space<semaphore_mem>>)
      %sub3A_706 = arith.constant 1 : i32
      %sub3A_707 = arith.subi %sub3A_595, %sub3A_706 : i32
      %jit3A_708 = arith.constant 2 : i32
      %div3A_709 = arith.divsi %sub3A_707, %jit3A_708 : i32
      %sign3A_710 = arith.constant 0 : i32
      %sign3A_711 = arith.cmpi sgt, %sub3A_707, %sign3A_710 : i32
      %sign3A_712 = arith.extui %sign3A_711 : i1 to i32
      %sign3A_713 = arith.constant 0 : i32
      %sign3A_714 = arith.cmpi slt, %sub3A_707, %sign3A_713 : i32
      %sign3A_715 = arith.extui %sign3A_714 : i1 to i32
      %sign3A_716 = arith.subi %sign3A_712, %sign3A_715 : i32
      %sign3A_717 = arith.constant 0 : i32
      %sign3A_718 = arith.cmpi sgt, %jit3A_708, %sign3A_717 : i32
      %sign3A_719 = arith.extui %sign3A_718 : i1 to i32
      %sign3A_720 = arith.constant 0 : i32
      %sign3A_721 = arith.cmpi slt, %jit3A_708, %sign3A_720 : i32
      %sign3A_722 = arith.extui %sign3A_721 : i1 to i32
      %sign3A_723 = arith.subi %sign3A_719, %sign3A_722 : i32
      %ne3A_724 = arith.cmpi ne, %sign3A_716, %sign3A_723 : i32
      %rem3A_725 = arith.remsi %sub3A_707, %jit3A_708 : i32
      %ne3A_726 = arith.constant 0 : i32
      %ne3A_727 = arith.cmpi ne, %rem3A_725, %ne3A_726 : i32
      %and3A_728 = arith.andi %ne3A_724, %ne3A_727 : i1
      %sub3A_729 = arith.constant 1 : i32
      %sub3A_730 = arith.subi %div3A_709, %sub3A_729 : i32
      %select_n3A_731 = arith.select %and3A_728, %sub3A_730, %div3A_709 : i32
      %add3A_732 = arith.addi %mul3A_18, %select_n3A_731 : i32
      %rem3A_733 = arith.constant 2 : i32
      %rem3A_734 = arith.remsi %sub3A_707, %rem3A_733 : i32
      %mul3A_735 = arith.constant 2048 : i32
      %mul3A_736 = arith.muli %rem3A_734, %mul3A_735 : i32
      %add3A_737 = arith.addi %mul3A_34, %mul3A_736 : i32
      %add3A_738 = arith.constant 1024 : i32
      %add3A_739 = arith.addi %add3A_737, %add3A_738 : i32
      %dma_wait3A_740 = arith.constant 1 : i32
      %dma_wait3A_741 = arith.constant 1 : i32
      %dma_wait3A_742 = arith.constant 0 : i32
      %dma_wait3A_743 = arith.constant 0 : i32
      %dma_wait3A_744 = tpu.memref_slice %arg7[%dma_wait3A_740, %dma_wait3A_742, %dma_wait3A_743] : memref<2x16x1025xf32, #tpu.memory_space<vmem>> -> memref<1x16x1024xf32, #tpu.memory_space<vmem>>
      %dma_wait3A_745 = tpu.memref_squeeze %dma_wait3A_744 : memref<1x16x1024xf32, #tpu.memory_space<vmem>> -> memref<16x1024xf32, #tpu.memory_space<vmem>>
      %dma_wait3A_746 = arith.constant 0 : i32
      %dma_wait3A_747 = tpu.memref_slice %arg4[%add3A_732, %dma_wait3A_746, %add3A_739] : memref<200x16x16384xf32, #tpu.memory_space<hbm>> -> memref<1x16x1024xf32, #tpu.memory_space<hbm>>
      %dma_wait3A_748 = tpu.memref_squeeze %dma_wait3A_747 : memref<1x16x1024xf32, #tpu.memory_space<hbm>> -> memref<16x1024xf32, #tpu.memory_space<hbm>>
      %dma_wait3A_749 = tpu.memref_slice %arg10[%dma_wait3A_741] : memref<2x!tpu.dma_semaphore, #tpu.memory_space<semaphore_mem>> -> memref<1x!tpu.dma_semaphore, #tpu.memory_space<semaphore_mem>>
      %dma_wait3A_750 = tpu.memref_squeeze %dma_wait3A_749 : memref<1x!tpu.dma_semaphore, #tpu.memory_space<semaphore_mem>> -> memref<!tpu.dma_semaphore, #tpu.memory_space<semaphore_mem>>
      %dma_wait3A_751 = arith.constant 0 : i32
      %dma_wait3A_752 = tpu.memref_slice %arg4[%add3A_732, %dma_wait3A_751, %add3A_739] : memref<200x16x16384xf32, #tpu.memory_space<hbm>> -> memref<1x16x1024xf32, #tpu.memory_space<hbm>>
      %dma_wait3A_753 = tpu.memref_squeeze %dma_wait3A_752 : memref<1x16x1024xf32, #tpu.memory_space<hbm>> -> memref<16x1024xf32, #tpu.memory_space<hbm>>
      %dma_wait3A_754 = arith.constant 0 : i32
      %dma_wait3A_755 = arith.constant 0 : i32
      %dma_wait3A_756 = tpu.memref_slice %arg7[%dma_wait3A_740, %dma_wait3A_754, %dma_wait3A_755] : memref<2x16x1025xf32, #tpu.memory_space<vmem>> -> memref<1x16x1024xf32, #tpu.memory_space<vmem>>
      %dma_wait3A_757 = tpu.memref_squeeze %dma_wait3A_756 : memref<1x16x1024xf32, #tpu.memory_space<vmem>> -> memref<16x1024xf32, #tpu.memory_space<vmem>>
      tpu.wait_dma2 semaphore(%dma_wait3A_750 : memref<!tpu.dma_semaphore, #tpu.memory_space<semaphore_mem>>) src(%dma_wait3A_757 : memref<16x1024xf32, #tpu.memory_space<vmem>>) dst(%dma_wait3A_753 : memref<16x1024xf32, #tpu.memory_space<hbm>>)
      %scan3A_758 = arith.constant 0 : i32
      %scan3A_759 = arith.constant 0 : i32
      %scan3A_760 = arith.constant 128 : i32
      %scan3A_761 = arith.addi %scan3A_759, %scan3A_760 : i32
      %scan3A_762 = arith.constant 1 : i32
      scf.for %scan3A_814 = %scan3A_759 to %scan3A_761 step %scan3A_762  : i32 {
        %mul3A_815 = arith.constant 8 : i32
        %mul3A_816 = arith.muli %scan3A_814, %mul3A_815 : i32
        %add3A_817 = arith.constant 1024 : i32
        %add3A_818 = arith.addi %add3A_817, %mul3A_816 : i32
        %add3A_819 = arith.constant 0 : i32
        %add3A_820 = arith.addi %add3A_818, %add3A_819 : i32
        %get3A = arith.index_cast %rem3A_597 : i32 to index
        %get3A_821 = arith.index_cast %add3A_820 : i32 to index
        %get3A_822 = arith.constant 0 : index
        %get3A_823 = tpu.vector_load %arg6[%get3A, %get3A_821, %get3A_822] {strides = array<i32>} : memref<2x2048x16xf32, #tpu.memory_space<vmem>>, vector<16xf32>,
        %add3A_824 = arith.constant 0 : i32
        %add3A_825 = arith.addi %mul3A_816, %add3A_824 : i32
        %broadcast_in_dim3A = vector.broadcast %add3A_825 : i32 to vector<16xi32>
        %scatter3A = arith.constant 1 : i32
        %scatter3A_826 = arith.constant 0 : i32
        %scatter3A_827 = arith.constant 0 : i32
        %scatter3A_828 = tpu.memref_slice %arg7[%scatter3A, %scatter3A_826, %scatter3A_827] : memref<2x16x1025xf32, #tpu.memory_space<vmem>> -> memref<1x16x1025xf32, #tpu.memory_space<vmem>>
        %scatter3A_829 = tpu.memref_squeeze %scatter3A_828 : memref<1x16x1025xf32, #tpu.memory_space<vmem>> -> memref<16x1025xf32, #tpu.memory_space<vmem>>
        tpu.vector_store_idx %scatter3A_829[%iota3A, %broadcast_in_dim3A], %get3A_823 : memref<16x1025xf32, #tpu.memory_space<vmem>>[vector<16xi32>, vector<16xi32>], vector<16xf32>,
        %add3A_830 = arith.constant 1024 : i32
        %add3A_831 = arith.addi %add3A_830, %mul3A_816 : i32
        %add3A_832 = arith.constant 1 : i32
        %add3A_833 = arith.addi %add3A_831, %add3A_832 : i32
        %get3A_834 = arith.index_cast %rem3A_597 : i32 to index
        %get3A_835 = arith.index_cast %add3A_833 : i32 to index
        %get3A_836 = arith.constant 0 : index
        %get3A_837 = tpu.vector_load %arg6[%get3A_834, %get3A_835, %get3A_836] {strides = array<i32>} : memref<2x2048x16xf32, #tpu.memory_space<vmem>>, vector<16xf32>,
        %add3A_838 = arith.constant 1 : i32
        %add3A_839 = arith.addi %mul3A_816, %add3A_838 : i32
        %broadcast_in_dim3A_840 = vector.broadcast %add3A_839 : i32 to vector<16xi32>
        %scatter3A_841 = arith.constant 1 : i32
        %scatter3A_842 = arith.constant 0 : i32
        %scatter3A_843 = arith.constant 0 : i32
        %scatter3A_844 = tpu.memref_slice %arg7[%scatter3A_841, %scatter3A_842, %scatter3A_843] : memref<2x16x1025xf32, #tpu.memory_space<vmem>> -> memref<1x16x1025xf32, #tpu.memory_space<vmem>>
        %scatter3A_845 = tpu.memref_squeeze %scatter3A_844 : memref<1x16x1025xf32, #tpu.memory_space<vmem>> -> memref<16x1025xf32, #tpu.memory_space<vmem>>
        tpu.vector_store_idx %scatter3A_845[%iota3A, %broadcast_in_dim3A_840], %get3A_837 : memref<16x1025xf32, #tpu.memory_space<vmem>>[vector<16xi32>, vector<16xi32>], vector<16xf32>,
        %add3A_846 = arith.constant 1024 : i32
        %add3A_847 = arith.addi %add3A_846, %mul3A_816 : i32
        %add3A_848 = arith.constant 2 : i32
        %add3A_849 = arith.addi %add3A_847, %add3A_848 : i32
        %get3A_850 = arith.index_cast %rem3A_597 : i32 to index
        %get3A_851 = arith.index_cast %add3A_849 : i32 to index
        %get3A_852 = arith.constant 0 : index
        %get3A_853 = tpu.vector_load %arg6[%get3A_850, %get3A_851, %get3A_852] {strides = array<i32>} : memref<2x2048x16xf32, #tpu.memory_space<vmem>>, vector<16xf32>,
        %add3A_854 = arith.constant 2 : i32
        %add3A_855 = arith.addi %mul3A_816, %add3A_854 : i32
        %broadcast_in_dim3A_856 = vector.broadcast %add3A_855 : i32 to vector<16xi32>
        %scatter3A_857 = arith.constant 1 : i32
        %scatter3A_858 = arith.constant 0 : i32
        %scatter3A_859 = arith.constant 0 : i32
        %scatter3A_860 = tpu.memref_slice %arg7[%scatter3A_857, %scatter3A_858, %scatter3A_859] : memref<2x16x1025xf32, #tpu.memory_space<vmem>> -> memref<1x16x1025xf32, #tpu.memory_space<vmem>>
        %scatter3A_861 = tpu.memref_squeeze %scatter3A_860 : memref<1x16x1025xf32, #tpu.memory_space<vmem>> -> memref<16x1025xf32, #tpu.memory_space<vmem>>
        tpu.vector_store_idx %scatter3A_861[%iota3A, %broadcast_in_dim3A_856], %get3A_853 : memref<16x1025xf32, #tpu.memory_space<vmem>>[vector<16xi32>, vector<16xi32>], vector<16xf32>,
        %add3A_862 = arith.constant 1024 : i32
        %add3A_863 = arith.addi %add3A_862, %mul3A_816 : i32
        %add3A_864 = arith.constant 3 : i32
        %add3A_865 = arith.addi %add3A_863, %add3A_864 : i32
        %get3A_866 = arith.index_cast %rem3A_597 : i32 to index
        %get3A_867 = arith.index_cast %add3A_865 : i32 to index
        %get3A_868 = arith.constant 0 : index
        %get3A_869 = tpu.vector_load %arg6[%get3A_866, %get3A_867, %get3A_868] {strides = array<i32>} : memref<2x2048x16xf32, #tpu.memory_space<vmem>>, vector<16xf32>,
        %add3A_870 = arith.constant 3 : i32
        %add3A_871 = arith.addi %mul3A_816, %add3A_870 : i32
        %broadcast_in_dim3A_872 = vector.broadcast %add3A_871 : i32 to vector<16xi32>
        %scatter3A_873 = arith.constant 1 : i32
        %scatter3A_874 = arith.constant 0 : i32
        %scatter3A_875 = arith.constant 0 : i32
        %scatter3A_876 = tpu.memref_slice %arg7[%scatter3A_873, %scatter3A_874, %scatter3A_875] : memref<2x16x1025xf32, #tpu.memory_space<vmem>> -> memref<1x16x1025xf32, #tpu.memory_space<vmem>>
        %scatter3A_877 = tpu.memref_squeeze %scatter3A_876 : memref<1x16x1025xf32, #tpu.memory_space<vmem>> -> memref<16x1025xf32, #tpu.memory_space<vmem>>
        tpu.vector_store_idx %scatter3A_877[%iota3A, %broadcast_in_dim3A_872], %get3A_869 : memref<16x1025xf32, #tpu.memory_space<vmem>>[vector<16xi32>, vector<16xi32>], vector<16xf32>,
        %add3A_878 = arith.constant 1024 : i32
        %add3A_879 = arith.addi %add3A_878, %mul3A_816 : i32
        %add3A_880 = arith.constant 4 : i32
        %add3A_881 = arith.addi %add3A_879, %add3A_880 : i32
        %get3A_882 = arith.index_cast %rem3A_597 : i32 to index
        %get3A_883 = arith.index_cast %add3A_881 : i32 to index
        %get3A_884 = arith.constant 0 : index
        %get3A_885 = tpu.vector_load %arg6[%get3A_882, %get3A_883, %get3A_884] {strides = array<i32>} : memref<2x2048x16xf32, #tpu.memory_space<vmem>>, vector<16xf32>,
        %add3A_886 = arith.constant 4 : i32
        %add3A_887 = arith.addi %mul3A_816, %add3A_886 : i32
        %broadcast_in_dim3A_888 = vector.broadcast %add3A_887 : i32 to vector<16xi32>
        %scatter3A_889 = arith.constant 1 : i32
        %scatter3A_890 = arith.constant 0 : i32
        %scatter3A_891 = arith.constant 0 : i32
        %scatter3A_892 = tpu.memref_slice %arg7[%scatter3A_889, %scatter3A_890, %scatter3A_891] : memref<2x16x1025xf32, #tpu.memory_space<vmem>> -> memref<1x16x1025xf32, #tpu.memory_space<vmem>>
        %scatter3A_893 = tpu.memref_squeeze %scatter3A_892 : memref<1x16x1025xf32, #tpu.memory_space<vmem>> -> memref<16x1025xf32, #tpu.memory_space<vmem>>
        tpu.vector_store_idx %scatter3A_893[%iota3A, %broadcast_in_dim3A_888], %get3A_885 : memref<16x1025xf32, #tpu.memory_space<vmem>>[vector<16xi32>, vector<16xi32>], vector<16xf32>,
        %add3A_894 = arith.constant 1024 : i32
        %add3A_895 = arith.addi %add3A_894, %mul3A_816 : i32
        %add3A_896 = arith.constant 5 : i32
        %add3A_897 = arith.addi %add3A_895, %add3A_896 : i32
        %get3A_898 = arith.index_cast %rem3A_597 : i32 to index
        %get3A_899 = arith.index_cast %add3A_897 : i32 to index
        %get3A_900 = arith.constant 0 : index
        %get3A_901 = tpu.vector_load %arg6[%get3A_898, %get3A_899, %get3A_900] {strides = array<i32>} : memref<2x2048x16xf32, #tpu.memory_space<vmem>>, vector<16xf32>,
        %add3A_902 = arith.constant 5 : i32
        %add3A_903 = arith.addi %mul3A_816, %add3A_902 : i32
        %broadcast_in_dim3A_904 = vector.broadcast %add3A_903 : i32 to vector<16xi32>
        %scatter3A_905 = arith.constant 1 : i32
        %scatter3A_906 = arith.constant 0 : i32
        %scatter3A_907 = arith.constant 0 : i32
        %scatter3A_908 = tpu.memref_slice %arg7[%scatter3A_905, %scatter3A_906, %scatter3A_907] : memref<2x16x1025xf32, #tpu.memory_space<vmem>> -> memref<1x16x1025xf32, #tpu.memory_space<vmem>>
        %scatter3A_909 = tpu.memref_squeeze %scatter3A_908 : memref<1x16x1025xf32, #tpu.memory_space<vmem>> -> memref<16x1025xf32, #tpu.memory_space<vmem>>
        tpu.vector_store_idx %scatter3A_909[%iota3A, %broadcast_in_dim3A_904], %get3A_901 : memref<16x1025xf32, #tpu.memory_space<vmem>>[vector<16xi32>, vector<16xi32>], vector<16xf32>,
        %add3A_910 = arith.constant 1024 : i32
        %add3A_911 = arith.addi %add3A_910, %mul3A_816 : i32
        %add3A_912 = arith.constant 6 : i32
        %add3A_913 = arith.addi %add3A_911, %add3A_912 : i32
        %get3A_914 = arith.index_cast %rem3A_597 : i32 to index
        %get3A_915 = arith.index_cast %add3A_913 : i32 to index
        %get3A_916 = arith.constant 0 : index
        %get3A_917 = tpu.vector_load %arg6[%get3A_914, %get3A_915, %get3A_916] {strides = array<i32>} : memref<2x2048x16xf32, #tpu.memory_space<vmem>>, vector<16xf32>,
        %add3A_918 = arith.constant 6 : i32
        %add3A_919 = arith.addi %mul3A_816, %add3A_918 : i32
        %broadcast_in_dim3A_920 = vector.broadcast %add3A_919 : i32 to vector<16xi32>
        %scatter3A_921 = arith.constant 1 : i32
        %scatter3A_922 = arith.constant 0 : i32
        %scatter3A_923 = arith.constant 0 : i32
        %scatter3A_924 = tpu.memref_slice %arg7[%scatter3A_921, %scatter3A_922, %scatter3A_923] : memref<2x16x1025xf32, #tpu.memory_space<vmem>> -> memref<1x16x1025xf32, #tpu.memory_space<vmem>>
        %scatter3A_925 = tpu.memref_squeeze %scatter3A_924 : memref<1x16x1025xf32, #tpu.memory_space<vmem>> -> memref<16x1025xf32, #tpu.memory_space<vmem>>
        tpu.vector_store_idx %scatter3A_925[%iota3A, %broadcast_in_dim3A_920], %get3A_917 : memref<16x1025xf32, #tpu.memory_space<vmem>>[vector<16xi32>, vector<16xi32>], vector<16xf32>,
        %add3A_926 = arith.constant 1024 : i32
        %add3A_927 = arith.addi %add3A_926, %mul3A_816 : i32
        %add3A_928 = arith.constant 7 : i32
        %add3A_929 = arith.addi %add3A_927, %add3A_928 : i32
        %get3A_930 = arith.index_cast %rem3A_597 : i32 to index
        %get3A_931 = arith.index_cast %add3A_929 : i32 to index
        %get3A_932 = arith.constant 0 : index
        %get3A_933 = tpu.vector_load %arg6[%get3A_930, %get3A_931, %get3A_932] {strides = array<i32>} : memref<2x2048x16xf32, #tpu.memory_space<vmem>>, vector<16xf32>,
        %add3A_934 = arith.constant 7 : i32
        %add3A_935 = arith.addi %mul3A_816, %add3A_934 : i32
        %broadcast_in_dim3A_936 = vector.broadcast %add3A_935 : i32 to vector<16xi32>
        %scatter3A_937 = arith.constant 1 : i32
        %scatter3A_938 = arith.constant 0 : i32
        %scatter3A_939 = arith.constant 0 : i32
        %scatter3A_940 = tpu.memref_slice %arg7[%scatter3A_937, %scatter3A_938, %scatter3A_939] : memref<2x16x1025xf32, #tpu.memory_space<vmem>> -> memref<1x16x1025xf32, #tpu.memory_space<vmem>>
        %scatter3A_941 = tpu.memref_squeeze %scatter3A_940 : memref<1x16x1025xf32, #tpu.memory_space<vmem>> -> memref<16x1025xf32, #tpu.memory_space<vmem>>
        tpu.vector_store_idx %scatter3A_941[%iota3A, %broadcast_in_dim3A_936], %get3A_933 : memref<16x1025xf32, #tpu.memory_space<vmem>>[vector<16xi32>, vector<16xi32>], vector<16xf32>,
      }
      %scan3A_763 = arith.constant 128 : i32
      %jit3A_764 = arith.constant 2 : i32
      %div3A_765 = arith.divsi %sub3A_595, %jit3A_764 : i32
      %sign3A_766 = arith.constant 0 : i32
      %sign3A_767 = arith.cmpi sgt, %sub3A_595, %sign3A_766 : i32
      %sign3A_768 = arith.extui %sign3A_767 : i1 to i32
      %sign3A_769 = arith.constant 0 : i32
      %sign3A_770 = arith.cmpi slt, %sub3A_595, %sign3A_769 : i32
      %sign3A_771 = arith.extui %sign3A_770 : i1 to i32
      %sign3A_772 = arith.subi %sign3A_768, %sign3A_771 : i32
      %sign3A_773 = arith.constant 0 : i32
      %sign3A_774 = arith.cmpi sgt, %jit3A_764, %sign3A_773 : i32
      %sign3A_775 = arith.extui %sign3A_774 : i1 to i32
      %sign3A_776 = arith.constant 0 : i32
      %sign3A_777 = arith.cmpi slt, %jit3A_764, %sign3A_776 : i32
      %sign3A_778 = arith.extui %sign3A_777 : i1 to i32
      %sign3A_779 = arith.subi %sign3A_775, %sign3A_778 : i32
      %ne3A_780 = arith.cmpi ne, %sign3A_772, %sign3A_779 : i32
      %rem3A_781 = arith.remsi %sub3A_595, %jit3A_764 : i32
      %ne3A_782 = arith.constant 0 : i32
      %ne3A_783 = arith.cmpi ne, %rem3A_781, %ne3A_782 : i32
      %and3A_784 = arith.andi %ne3A_780, %ne3A_783 : i1
      %sub3A_785 = arith.constant 1 : i32
      %sub3A_786 = arith.subi %div3A_765, %sub3A_785 : i32
      %select_n3A_787 = arith.select %and3A_784, %sub3A_786, %div3A_765 : i32
      %add3A_788 = arith.addi %mul3A_18, %select_n3A_787 : i32
      %rem3A_789 = arith.constant 2 : i32
      %rem3A_790 = arith.remsi %sub3A_595, %rem3A_789 : i32
      %mul3A_791 = arith.constant 2048 : i32
      %mul3A_792 = arith.muli %rem3A_790, %mul3A_791 : i32
      %add3A_793 = arith.addi %mul3A_34, %mul3A_792 : i32
      %add3A_794 = arith.constant 1024 : i32
      %add3A_795 = arith.addi %add3A_793, %add3A_794 : i32
      %dma_start3A_796 = arith.constant 1 : i32
      %dma_start3A_797 = arith.constant 1 : i32
      %dma_start3A_798 = arith.constant 0 : i32
      %dma_start3A_799 = arith.constant 0 : i32
      %dma_start3A_800 = tpu.memref_slice %arg7[%dma_start3A_796, %dma_start3A_798, %dma_start3A_799] : memref<2x16x1025xf32, #tpu.memory_space<vmem>> -> memref<1x16x1024xf32, #tpu.memory_space<vmem>>
      %dma_start3A_801 = tpu.memref_squeeze %dma_start3A_800 : memref<1x16x1024xf32, #tpu.memory_space<vmem>> -> memref<16x1024xf32, #tpu.memory_space<vmem>>
      %dma_start3A_802 = arith.constant 0 : i32
      %dma_start3A_803 = tpu.memref_slice %arg4[%add3A_788, %dma_start3A_802, %add3A_795] : memref<200x16x16384xf32, #tpu.memory_space<hbm>> -> memref<1x16x1024xf32, #tpu.memory_space<hbm>>
      %dma_start3A_804 = tpu.memref_squeeze %dma_start3A_803 : memref<1x16x1024xf32, #tpu.memory_space<hbm>> -> memref<16x1024xf32, #tpu.memory_space<hbm>>
      %dma_start3A_805 = tpu.memref_slice %arg10[%dma_start3A_797] : memref<2x!tpu.dma_semaphore, #tpu.memory_space<semaphore_mem>> -> memref<1x!tpu.dma_semaphore, #tpu.memory_space<semaphore_mem>>
      %dma_start3A_806 = tpu.memref_squeeze %dma_start3A_805 : memref<1x!tpu.dma_semaphore, #tpu.memory_space<semaphore_mem>> -> memref<!tpu.dma_semaphore, #tpu.memory_space<semaphore_mem>>
      %dma_start3A_807 = arith.constant 0 : i32
      %dma_start3A_808 = tpu.memref_slice %arg4[%add3A_788, %dma_start3A_807, %add3A_795] : memref<200x16x16384xf32, #tpu.memory_space<hbm>> -> memref<1x16x1024xf32, #tpu.memory_space<hbm>>
      %dma_start3A_809 = tpu.memref_squeeze %dma_start3A_808 : memref<1x16x1024xf32, #tpu.memory_space<hbm>> -> memref<16x1024xf32, #tpu.memory_space<hbm>>
      %dma_start3A_810 = arith.constant 0 : i32
      %dma_start3A_811 = arith.constant 0 : i32
      %dma_start3A_812 = tpu.memref_slice %arg7[%dma_start3A_796, %dma_start3A_810, %dma_start3A_811] : memref<2x16x1025xf32, #tpu.memory_space<vmem>> -> memref<1x16x1024xf32, #tpu.memory_space<vmem>>
      %dma_start3A_813 = tpu.memref_squeeze %dma_start3A_812 : memref<1x16x1024xf32, #tpu.memory_space<vmem>> -> memref<16x1024xf32, #tpu.memory_space<vmem>>
      tpu.enqueue_dma source(%dma_start3A_813 : memref<16x1024xf32, #tpu.memory_space<vmem>>) target(%dma_start3A_809 : memref<16x1024xf32, #tpu.memory_space<hbm>>) target_semaphore(%dma_start3A_806 : memref<!tpu.dma_semaphore, #tpu.memory_space<semaphore_mem>>)
    }
    %scan3A_306 = arith.constant 48 : i32
    %rem3A_307 = arith.constant 49 : i32
    %rem3A_308 = arith.constant 2 : i32
    %rem3A_309 = arith.remsi %rem3A_307, %rem3A_308 : i32
    %rem3A_310 = arith.constant 49 : i32
    %rem3A_311 = arith.constant 3 : i32
    %rem3A_312 = arith.remsi %rem3A_310, %rem3A_311 : i32
    %dma_wait3A_313 = arith.constant 0 : i32
    %dma_wait3A_314 = arith.constant 0 : i32
    %dma_wait3A_315 = tpu.memref_slice %arg6[%rem3A_309, %dma_wait3A_313, %dma_wait3A_314] : memref<2x2048x16xf32, #tpu.memory_space<vmem>> -> memref<1x2048x16xf32, #tpu.memory_space<vmem>>
    %dma_wait3A_316 = tpu.memref_squeeze %dma_wait3A_315 : memref<1x2048x16xf32, #tpu.memory_space<vmem>> -> memref<2048x16xf32, #tpu.memory_space<vmem>>
    %dma_wait3A_317 = arith.constant 0 : i32
    %dma_wait3A_318 = tpu.memref_slice %arg5[%rem3A_312, %dma_wait3A_317] : memref<3x2048xi32, #tpu.memory_space<vmem>> -> memref<1x2048xi32, #tpu.memory_space<vmem>>
    %dma_wait3A_319 = tpu.memref_squeeze %dma_wait3A_318 : memref<1x2048xi32, #tpu.memory_space<vmem>> -> memref<2048xi32, #tpu.memory_space<vmem>>
    %dma_wait3A_320 = arith.constant 0 : i32
    %dma_wait3A_321 = arith.constant 0 : i32
    %dma_wait3A_322 = tpu.memref_slice %arg3[%dma_wait3A_320, %dma_wait3A_321] : memref<1000000x16xf32, #tpu.memory_space<hbm>> -> memref<1000000x16xf32, #tpu.memory_space<hbm>>
    %dma_wait3A_323 = tpu.memref_slice %arg9[%rem3A_309] : memref<2x!tpu.dma_semaphore, #tpu.memory_space<semaphore_mem>> -> memref<1x!tpu.dma_semaphore, #tpu.memory_space<semaphore_mem>>
    %dma_wait3A_324 = tpu.memref_squeeze %dma_wait3A_323 : memref<1x!tpu.dma_semaphore, #tpu.memory_space<semaphore_mem>> -> memref<!tpu.dma_semaphore, #tpu.memory_space<semaphore_mem>>
    tpu.wait_indirect_dma semaphore(%dma_wait3A_324 : memref<!tpu.dma_semaphore, #tpu.memory_space<semaphore_mem>>) src(%dma_wait3A_322 : memref<1000000x16xf32, #tpu.memory_space<hbm>>) dst(%dma_wait3A_316 : memref<2048x16xf32, #tpu.memory_space<vmem>>)
    %rem3A_325 = arith.constant 49 : i32
    %rem3A_326 = arith.constant 2 : i32
    %rem3A_327 = arith.remsi %rem3A_325, %rem3A_326 : i32
    %add3A_328 = arith.constant 24 : i32
    %add3A_329 = arith.addi %mul3A_18, %add3A_328 : i32
    %rem3A_330 = arith.constant 48 : i32
    %rem3A_331 = arith.constant 2 : i32
    %rem3A_332 = arith.remsi %rem3A_330, %rem3A_331 : i32
    %mul3A_333 = arith.constant 2048 : i32
    %mul3A_334 = arith.muli %rem3A_332, %mul3A_333 : i32
    %add3A_335 = arith.addi %mul3A_34, %mul3A_334 : i32
    %add3A_336 = arith.constant 0 : i32
    %add3A_337 = arith.addi %add3A_335, %add3A_336 : i32
    %dma_wait3A_338 = arith.constant 0 : i32
    %dma_wait3A_339 = arith.constant 0 : i32
    %dma_wait3A_340 = arith.constant 0 : i32
    %dma_wait3A_341 = arith.constant 0 : i32
    %dma_wait3A_342 = tpu.memref_slice %arg7[%dma_wait3A_338, %dma_wait3A_340, %dma_wait3A_341] : memref<2x16x1025xf32, #tpu.memory_space<vmem>> -> memref<1x16x1024xf32, #tpu.memory_space<vmem>>
    %dma_wait3A_343 = tpu.memref_squeeze %dma_wait3A_342 : memref<1x16x1024xf32, #tpu.memory_space<vmem>> -> memref<16x1024xf32, #tpu.memory_space<vmem>>
    %dma_wait3A_344 = arith.constant 0 : i32
    %dma_wait3A_345 = tpu.memref_slice %arg4[%add3A_329, %dma_wait3A_344, %add3A_337] : memref<200x16x16384xf32, #tpu.memory_space<hbm>> -> memref<1x16x1024xf32, #tpu.memory_space<hbm>>
    %dma_wait3A_346 = tpu.memref_squeeze %dma_wait3A_345 : memref<1x16x1024xf32, #tpu.memory_space<hbm>> -> memref<16x1024xf32, #tpu.memory_space<hbm>>
    %dma_wait3A_347 = tpu.memref_slice %arg10[%dma_wait3A_339] : memref<2x!tpu.dma_semaphore, #tpu.memory_space<semaphore_mem>> -> memref<1x!tpu.dma_semaphore, #tpu.memory_space<semaphore_mem>>
    %dma_wait3A_348 = tpu.memref_squeeze %dma_wait3A_347 : memref<1x!tpu.dma_semaphore, #tpu.memory_space<semaphore_mem>> -> memref<!tpu.dma_semaphore, #tpu.memory_space<semaphore_mem>>
    %dma_wait3A_349 = arith.constant 0 : i32
    %dma_wait3A_350 = tpu.memref_slice %arg4[%add3A_329, %dma_wait3A_349, %add3A_337] : memref<200x16x16384xf32, #tpu.memory_space<hbm>> -> memref<1x16x1024xf32, #tpu.memory_space<hbm>>
    %dma_wait3A_351 = tpu.memref_squeeze %dma_wait3A_350 : memref<1x16x1024xf32, #tpu.memory_space<hbm>> -> memref<16x1024xf32, #tpu.memory_space<hbm>>
    %dma_wait3A_352 = arith.constant 0 : i32
    %dma_wait3A_353 = arith.constant 0 : i32
    %dma_wait3A_354 = tpu.memref_slice %arg7[%dma_wait3A_338, %dma_wait3A_352, %dma_wait3A_353] : memref<2x16x1025xf32, #tpu.memory_space<vmem>> -> memref<1x16x1024xf32, #tpu.memory_space<vmem>>
    %dma_wait3A_355 = tpu.memref_squeeze %dma_wait3A_354 : memref<1x16x1024xf32, #tpu.memory_space<vmem>> -> memref<16x1024xf32, #tpu.memory_space<vmem>>
    tpu.wait_dma2 semaphore(%dma_wait3A_348 : memref<!tpu.dma_semaphore, #tpu.memory_space<semaphore_mem>>) src(%dma_wait3A_355 : memref<16x1024xf32, #tpu.memory_space<vmem>>) dst(%dma_wait3A_351 : memref<16x1024xf32, #tpu.memory_space<hbm>>)
    %scan3A_356 = arith.constant 0 : i32
    %scan3A_357 = arith.constant 0 : i32
    %scan3A_358 = arith.constant 128 : i32
    %scan3A_359 = arith.addi %scan3A_357, %scan3A_358 : i32
    %scan3A_360 = arith.constant 1 : i32
    scf.for %scan3A_508 = %scan3A_357 to %scan3A_359 step %scan3A_360  : i32 {
      %mul3A_509 = arith.constant 8 : i32
      %mul3A_510 = arith.muli %scan3A_508, %mul3A_509 : i32
      %add3A_511 = arith.constant 0 : i32
      %add3A_512 = arith.addi %add3A_511, %mul3A_510 : i32
      %add3A_513 = arith.constant 0 : i32
      %add3A_514 = arith.addi %add3A_512, %add3A_513 : i32
      %get3A = arith.index_cast %rem3A_327 : i32 to index
      %get3A_515 = arith.index_cast %add3A_514 : i32 to index
      %get3A_516 = arith.constant 0 : index
      %get3A_517 = tpu.vector_load %arg6[%get3A, %get3A_515, %get3A_516] {strides = array<i32>} : memref<2x2048x16xf32, #tpu.memory_space<vmem>>, vector<16xf32>,
      %add3A_518 = arith.constant 0 : i32
      %add3A_519 = arith.addi %mul3A_510, %add3A_518 : i32
      %broadcast_in_dim3A = vector.broadcast %add3A_519 : i32 to vector<16xi32>
      %scatter3A = arith.constant 0 : i32
      %scatter3A_520 = arith.constant 0 : i32
      %scatter3A_521 = arith.constant 0 : i32
      %scatter3A_522 = tpu.memref_slice %arg7[%scatter3A, %scatter3A_520, %scatter3A_521] : memref<2x16x1025xf32, #tpu.memory_space<vmem>> -> memref<1x16x1025xf32, #tpu.memory_space<vmem>>
      %scatter3A_523 = tpu.memref_squeeze %scatter3A_522 : memref<1x16x1025xf32, #tpu.memory_space<vmem>> -> memref<16x1025xf32, #tpu.memory_space<vmem>>
      tpu.vector_store_idx %scatter3A_523[%iota3A, %broadcast_in_dim3A], %get3A_517 : memref<16x1025xf32, #tpu.memory_space<vmem>>[vector<16xi32>, vector<16xi32>], vector<16xf32>,
      %add3A_524 = arith.constant 0 : i32
      %add3A_525 = arith.addi %add3A_524, %mul3A_510 : i32
      %add3A_526 = arith.constant 1 : i32
      %add3A_527 = arith.addi %add3A_525, %add3A_526 : i32
      %get3A_528 = arith.index_cast %rem3A_327 : i32 to index
      %get3A_529 = arith.index_cast %add3A_527 : i32 to index
      %get3A_530 = arith.constant 0 : index
      %get3A_531 = tpu.vector_load %arg6[%get3A_528, %get3A_529, %get3A_530] {strides = array<i32>} : memref<2x2048x16xf32, #tpu.memory_space<vmem>>, vector<16xf32>,
      %add3A_532 = arith.constant 1 : i32
      %add3A_533 = arith.addi %mul3A_510, %add3A_532 : i32
      %broadcast_in_dim3A_534 = vector.broadcast %add3A_533 : i32 to vector<16xi32>
      %scatter3A_535 = arith.constant 0 : i32
      %scatter3A_536 = arith.constant 0 : i32
      %scatter3A_537 = arith.constant 0 : i32
      %scatter3A_538 = tpu.memref_slice %arg7[%scatter3A_535, %scatter3A_536, %scatter3A_537] : memref<2x16x1025xf32, #tpu.memory_space<vmem>> -> memref<1x16x1025xf32, #tpu.memory_space<vmem>>
      %scatter3A_539 = tpu.memref_squeeze %scatter3A_538 : memref<1x16x1025xf32, #tpu.memory_space<vmem>> -> memref<16x1025xf32, #tpu.memory_space<vmem>>
      tpu.vector_store_idx %scatter3A_539[%iota3A, %broadcast_in_dim3A_534], %get3A_531 : memref<16x1025xf32, #tpu.memory_space<vmem>>[vector<16xi32>, vector<16xi32>], vector<16xf32>,
      %add3A_540 = arith.constant 0 : i32
      %add3A_541 = arith.addi %add3A_540, %mul3A_510 : i32
      %add3A_542 = arith.constant 2 : i32
      %add3A_543 = arith.addi %add3A_541, %add3A_542 : i32
      %get3A_544 = arith.index_cast %rem3A_327 : i32 to index
      %get3A_545 = arith.index_cast %add3A_543 : i32 to index
      %get3A_546 = arith.constant 0 : index
      %get3A_547 = tpu.vector_load %arg6[%get3A_544, %get3A_545, %get3A_546] {strides = array<i32>} : memref<2x2048x16xf32, #tpu.memory_space<vmem>>, vector<16xf32>,
      %add3A_548 = arith.constant 2 : i32
      %add3A_549 = arith.addi %mul3A_510, %add3A_548 : i32
      %broadcast_in_dim3A_550 = vector.broadcast %add3A_549 : i32 to vector<16xi32>
      %scatter3A_551 = arith.constant 0 : i32
      %scatter3A_552 = arith.constant 0 : i32
      %scatter3A_553 = arith.constant 0 : i32
      %scatter3A_554 = tpu.memref_slice %arg7[%scatter3A_551, %scatter3A_552, %scatter3A_553] : memref<2x16x1025xf32, #tpu.memory_space<vmem>> -> memref<1x16x1025xf32, #tpu.memory_space<vmem>>
      %scatter3A_555 = tpu.memref_squeeze %scatter3A_554 : memref<1x16x1025xf32, #tpu.memory_space<vmem>> -> memref<16x1025xf32, #tpu.memory_space<vmem>>
      tpu.vector_store_idx %scatter3A_555[%iota3A, %broadcast_in_dim3A_550], %get3A_547 : memref<16x1025xf32, #tpu.memory_space<vmem>>[vector<16xi32>, vector<16xi32>], vector<16xf32>,
      %add3A_556 = arith.constant 0 : i32
      %add3A_557 = arith.addi %add3A_556, %mul3A_510 : i32
      %add3A_558 = arith.constant 3 : i32
      %add3A_559 = arith.addi %add3A_557, %add3A_558 : i32
      %get3A_560 = arith.index_cast %rem3A_327 : i32 to index
      %get3A_561 = arith.index_cast %add3A_559 : i32 to index
      %get3A_562 = arith.constant 0 : index
      %get3A_563 = tpu.vector_load %arg6[%get3A_560, %get3A_561, %get3A_562] {strides = array<i32>} : memref<2x2048x16xf32, #tpu.memory_space<vmem>>, vector<16xf32>,
      %add3A_564 = arith.constant 3 : i32
      %add3A_565 = arith.addi %mul3A_510, %add3A_564 : i32
      %broadcast_in_dim3A_566 = vector.broadcast %add3A_565 : i32 to vector<16xi32>
      %scatter3A_567 = arith.constant 0 : i32
      %scatter3A_568 = arith.constant 0 : i32
      %scatter3A_569 = arith.constant 0 : i32
      %scatter3A_570 = tpu.memref_slice %arg7[%scatter3A_567, %scatter3A_568, %scatter3A_569] : memref<2x16x1025xf32, #tpu.memory_space<vmem>> -> memref<1x16x1025xf32, #tpu.memory_space<vmem>>
      %scatter3A_571 = tpu.memref_squeeze %scatter3A_570 : memref<1x16x1025xf32, #tpu.memory_space<vmem>> -> memref<16x1025xf32, #tpu.memory_space<vmem>>
      tpu.vector_store_idx %scatter3A_571[%iota3A, %broadcast_in_dim3A_566], %get3A_563 : memref<16x1025xf32, #tpu.memory_space<vmem>>[vector<16xi32>, vector<16xi32>], vector<16xf32>,
      %add3A_572 = arith.constant 0 : i32
      %add3A_573 = arith.addi %add3A_572, %mul3A_510 : i32
      %add3A_574 = arith.constant 4 : i32
      %add3A_575 = arith.addi %add3A_573, %add3A_574 : i32
      %get3A_576 = arith.index_cast %rem3A_327 : i32 to index
      %get3A_577 = arith.index_cast %add3A_575 : i32 to index
      %get3A_578 = arith.constant 0 : index
      %get3A_579 = tpu.vector_load %arg6[%get3A_576, %get3A_577, %get3A_578] {strides = array<i32>} : memref<2x2048x16xf32, #tpu.memory_space<vmem>>, vector<16xf32>,
      %add3A_580 = arith.constant 4 : i32
      %add3A_581 = arith.addi %mul3A_510, %add3A_580 : i32
      %broadcast_in_dim3A_582 = vector.broadcast %add3A_581 : i32 to vector<16xi32>
      %scatter3A_583 = arith.constant 0 : i32
      %scatter3A_584 = arith.constant 0 : i32
      %scatter3A_585 = arith.constant 0 : i32
      %scatter3A_586 = tpu.memref_slice %arg7[%scatter3A_583, %scatter3A_584, %scatter3A_585] : memref<2x16x1025xf32, #tpu.memory_space<vmem>> -> memref<1x16x1025xf32, #tpu.memory_space<vmem>>
      %scatter3A_587 = tpu.memref_squeeze %scatter3A_586 : memref<1x16x1025xf32, #tpu.memory_space<vmem>> -> memref<16x1025xf32, #tpu.memory_space<vmem>>
      tpu.vector_store_idx %scatter3A_587[%iota3A, %broadcast_in_dim3A_582], %get3A_579 : memref<16x1025xf32, #tpu.memory_space<vmem>>[vector<16xi32>, vector<16xi32>], vector<16xf32>,
      %add3A_588 = arith.constant 0 : i32
      %add3A_589 = arith.addi %add3A_588, %mul3A_510 : i32
      %add3A_590 = arith.constant 5 : i32
      %add3A_591 = arith.addi %add3A_589, %add3A_590 : i32
      %get3A_592 = arith.index_cast %rem3A_327 : i32 to index
      %get3A_593 = arith.index_cast %add3A_591 : i32 to index
      %get3A_594 = arith.constant 0 : index
      %get3A_595 = tpu.vector_load %arg6[%get3A_592, %get3A_593, %get3A_594] {strides = array<i32>} : memref<2x2048x16xf32, #tpu.memory_space<vmem>>, vector<16xf32>,
      %add3A_596 = arith.constant 5 : i32
      %add3A_597 = arith.addi %mul3A_510, %add3A_596 : i32
      %broadcast_in_dim3A_598 = vector.broadcast %add3A_597 : i32 to vector<16xi32>
      %scatter3A_599 = arith.constant 0 : i32
      %scatter3A_600 = arith.constant 0 : i32
      %scatter3A_601 = arith.constant 0 : i32
      %scatter3A_602 = tpu.memref_slice %arg7[%scatter3A_599, %scatter3A_600, %scatter3A_601] : memref<2x16x1025xf32, #tpu.memory_space<vmem>> -> memref<1x16x1025xf32, #tpu.memory_space<vmem>>
      %scatter3A_603 = tpu.memref_squeeze %scatter3A_602 : memref<1x16x1025xf32, #tpu.memory_space<vmem>> -> memref<16x1025xf32, #tpu.memory_space<vmem>>
      tpu.vector_store_idx %scatter3A_603[%iota3A, %broadcast_in_dim3A_598], %get3A_595 : memref<16x1025xf32, #tpu.memory_space<vmem>>[vector<16xi32>, vector<16xi32>], vector<16xf32>,
      %add3A_604 = arith.constant 0 : i32
      %add3A_605 = arith.addi %add3A_604, %mul3A_510 : i32
      %add3A_606 = arith.constant 6 : i32
      %add3A_607 = arith.addi %add3A_605, %add3A_606 : i32
      %get3A_608 = arith.index_cast %rem3A_327 : i32 to index
      %get3A_609 = arith.index_cast %add3A_607 : i32 to index
      %get3A_610 = arith.constant 0 : index
      %get3A_611 = tpu.vector_load %arg6[%get3A_608, %get3A_609, %get3A_610] {strides = array<i32>} : memref<2x2048x16xf32, #tpu.memory_space<vmem>>, vector<16xf32>,
      %add3A_612 = arith.constant 6 : i32
      %add3A_613 = arith.addi %mul3A_510, %add3A_612 : i32
      %broadcast_in_dim3A_614 = vector.broadcast %add3A_613 : i32 to vector<16xi32>
      %scatter3A_615 = arith.constant 0 : i32
      %scatter3A_616 = arith.constant 0 : i32
      %scatter3A_617 = arith.constant 0 : i32
      %scatter3A_618 = tpu.memref_slice %arg7[%scatter3A_615, %scatter3A_616, %scatter3A_617] : memref<2x16x1025xf32, #tpu.memory_space<vmem>> -> memref<1x16x1025xf32, #tpu.memory_space<vmem>>
      %scatter3A_619 = tpu.memref_squeeze %scatter3A_618 : memref<1x16x1025xf32, #tpu.memory_space<vmem>> -> memref<16x1025xf32, #tpu.memory_space<vmem>>
      tpu.vector_store_idx %scatter3A_619[%iota3A, %broadcast_in_dim3A_614], %get3A_611 : memref<16x1025xf32, #tpu.memory_space<vmem>>[vector<16xi32>, vector<16xi32>], vector<16xf32>,
      %add3A_620 = arith.constant 0 : i32
      %add3A_621 = arith.addi %add3A_620, %mul3A_510 : i32
      %add3A_622 = arith.constant 7 : i32
      %add3A_623 = arith.addi %add3A_621, %add3A_622 : i32
      %get3A_624 = arith.index_cast %rem3A_327 : i32 to index
      %get3A_625 = arith.index_cast %add3A_623 : i32 to index
      %get3A_626 = arith.constant 0 : index
      %get3A_627 = tpu.vector_load %arg6[%get3A_624, %get3A_625, %get3A_626] {strides = array<i32>} : memref<2x2048x16xf32, #tpu.memory_space<vmem>>, vector<16xf32>,
      %add3A_628 = arith.constant 7 : i32
      %add3A_629 = arith.addi %mul3A_510, %add3A_628 : i32
      %broadcast_in_dim3A_630 = vector.broadcast %add3A_629 : i32 to vector<16xi32>
      %scatter3A_631 = arith.constant 0 : i32
      %scatter3A_632 = arith.constant 0 : i32
      %scatter3A_633 = arith.constant 0 : i32
      %scatter3A_634 = tpu.memref_slice %arg7[%scatter3A_631, %scatter3A_632, %scatter3A_633] : memref<2x16x1025xf32, #tpu.memory_space<vmem>> -> memref<1x16x1025xf32, #tpu.memory_space<vmem>>
      %scatter3A_635 = tpu.memref_squeeze %scatter3A_634 : memref<1x16x1025xf32, #tpu.memory_space<vmem>> -> memref<16x1025xf32, #tpu.memory_space<vmem>>
      tpu.vector_store_idx %scatter3A_635[%iota3A, %broadcast_in_dim3A_630], %get3A_627 : memref<16x1025xf32, #tpu.memory_space<vmem>>[vector<16xi32>, vector<16xi32>], vector<16xf32>,
    }
    %scan3A_361 = arith.constant 128 : i32
    %add3A_362 = arith.constant 24 : i32
    %add3A_363 = arith.addi %mul3A_18, %add3A_362 : i32
    %rem3A_364 = arith.constant 49 : i32
    %rem3A_365 = arith.constant 2 : i32
    %rem3A_366 = arith.remsi %rem3A_364, %rem3A_365 : i32
    %mul3A_367 = arith.constant 2048 : i32
    %mul3A_368 = arith.muli %rem3A_366, %mul3A_367 : i32
    %add3A_369 = arith.addi %mul3A_34, %mul3A_368 : i32
    %add3A_370 = arith.constant 0 : i32
    %add3A_371 = arith.addi %add3A_369, %add3A_370 : i32
    %dma_start3A_372 = arith.constant 0 : i32
    %dma_start3A_373 = arith.constant 0 : i32
    %dma_start3A_374 = arith.constant 0 : i32
    %dma_start3A_375 = arith.constant 0 : i32
    %dma_start3A_376 = tpu.memref_slice %arg7[%dma_start3A_372, %dma_start3A_374, %dma_start3A_375] : memref<2x16x1025xf32, #tpu.memory_space<vmem>> -> memref<1x16x1024xf32, #tpu.memory_space<vmem>>
    %dma_start3A_377 = tpu.memref_squeeze %dma_start3A_376 : memref<1x16x1024xf32, #tpu.memory_space<vmem>> -> memref<16x1024xf32, #tpu.memory_space<vmem>>
    %dma_start3A_378 = arith.constant 0 : i32
    %dma_start3A_379 = tpu.memref_slice %arg4[%add3A_363, %dma_start3A_378, %add3A_371] : memref<200x16x16384xf32, #tpu.memory_space<hbm>> -> memref<1x16x1024xf32, #tpu.memory_space<hbm>>
    %dma_start3A_380 = tpu.memref_squeeze %dma_start3A_379 : memref<1x16x1024xf32, #tpu.memory_space<hbm>> -> memref<16x1024xf32, #tpu.memory_space<hbm>>
    %dma_start3A_381 = tpu.memref_slice %arg10[%dma_start3A_373] : memref<2x!tpu.dma_semaphore, #tpu.memory_space<semaphore_mem>> -> memref<1x!tpu.dma_semaphore, #tpu.memory_space<semaphore_mem>>
    %dma_start3A_382 = tpu.memref_squeeze %dma_start3A_381 : memref<1x!tpu.dma_semaphore, #tpu.memory_space<semaphore_mem>> -> memref<!tpu.dma_semaphore, #tpu.memory_space<semaphore_mem>>
    %dma_start3A_383 = arith.constant 0 : i32
    %dma_start3A_384 = tpu.memref_slice %arg4[%add3A_363, %dma_start3A_383, %add3A_371] : memref<200x16x16384xf32, #tpu.memory_space<hbm>> -> memref<1x16x1024xf32, #tpu.memory_space<hbm>>
    %dma_start3A_385 = tpu.memref_squeeze %dma_start3A_384 : memref<1x16x1024xf32, #tpu.memory_space<hbm>> -> memref<16x1024xf32, #tpu.memory_space<hbm>>
    %dma_start3A_386 = arith.constant 0 : i32
    %dma_start3A_387 = arith.constant 0 : i32
    %dma_start3A_388 = tpu.memref_slice %arg7[%dma_start3A_372, %dma_start3A_386, %dma_start3A_387] : memref<2x16x1025xf32, #tpu.memory_space<vmem>> -> memref<1x16x1024xf32, #tpu.memory_space<vmem>>
    %dma_start3A_389 = tpu.memref_squeeze %dma_start3A_388 : memref<1x16x1024xf32, #tpu.memory_space<vmem>> -> memref<16x1024xf32, #tpu.memory_space<vmem>>
    tpu.enqueue_dma source(%dma_start3A_389 : memref<16x1024xf32, #tpu.memory_space<vmem>>) target(%dma_start3A_385 : memref<16x1024xf32, #tpu.memory_space<hbm>>) target_semaphore(%dma_start3A_382 : memref<!tpu.dma_semaphore, #tpu.memory_space<semaphore_mem>>)
    %add3A_390 = arith.constant 24 : i32
    %add3A_391 = arith.addi %mul3A_18, %add3A_390 : i32
    %rem3A_392 = arith.constant 48 : i32
    %rem3A_393 = arith.constant 2 : i32
    %rem3A_394 = arith.remsi %rem3A_392, %rem3A_393 : i32
    %mul3A_395 = arith.constant 2048 : i32
    %mul3A_396 = arith.muli %rem3A_394, %mul3A_395 : i32
    %add3A_397 = arith.addi %mul3A_34, %mul3A_396 : i32
    %add3A_398 = arith.constant 1024 : i32
    %add3A_399 = arith.addi %add3A_397, %add3A_398 : i32
    %dma_wait3A_400 = arith.constant 1 : i32
    %dma_wait3A_401 = arith.constant 1 : i32
    %dma_wait3A_402 = arith.constant 0 : i32
    %dma_wait3A_403 = arith.constant 0 : i32
    %dma_wait3A_404 = tpu.memref_slice %arg7[%dma_wait3A_400, %dma_wait3A_402, %dma_wait3A_403] : memref<2x16x1025xf32, #tpu.memory_space<vmem>> -> memref<1x16x1024xf32, #tpu.memory_space<vmem>>
    %dma_wait3A_405 = tpu.memref_squeeze %dma_wait3A_404 : memref<1x16x1024xf32, #tpu.memory_space<vmem>> -> memref<16x1024xf32, #tpu.memory_space<vmem>>
    %dma_wait3A_406 = arith.constant 0 : i32
    %dma_wait3A_407 = tpu.memref_slice %arg4[%add3A_391, %dma_wait3A_406, %add3A_399] : memref<200x16x16384xf32, #tpu.memory_space<hbm>> -> memref<1x16x1024xf32, #tpu.memory_space<hbm>>
    %dma_wait3A_408 = tpu.memref_squeeze %dma_wait3A_407 : memref<1x16x1024xf32, #tpu.memory_space<hbm>> -> memref<16x1024xf32, #tpu.memory_space<hbm>>
    %dma_wait3A_409 = tpu.memref_slice %arg10[%dma_wait3A_401] : memref<2x!tpu.dma_semaphore, #tpu.memory_space<semaphore_mem>> -> memref<1x!tpu.dma_semaphore, #tpu.memory_space<semaphore_mem>>
    %dma_wait3A_410 = tpu.memref_squeeze %dma_wait3A_409 : memref<1x!tpu.dma_semaphore, #tpu.memory_space<semaphore_mem>> -> memref<!tpu.dma_semaphore, #tpu.memory_space<semaphore_mem>>
    %dma_wait3A_411 = arith.constant 0 : i32
    %dma_wait3A_412 = tpu.memref_slice %arg4[%add3A_391, %dma_wait3A_411, %add3A_399] : memref<200x16x16384xf32, #tpu.memory_space<hbm>> -> memref<1x16x1024xf32, #tpu.memory_space<hbm>>
    %dma_wait3A_413 = tpu.memref_squeeze %dma_wait3A_412 : memref<1x16x1024xf32, #tpu.memory_space<hbm>> -> memref<16x1024xf32, #tpu.memory_space<hbm>>
    %dma_wait3A_414 = arith.constant 0 : i32
    %dma_wait3A_415 = arith.constant 0 : i32
    %dma_wait3A_416 = tpu.memref_slice %arg7[%dma_wait3A_400, %dma_wait3A_414, %dma_wait3A_415] : memref<2x16x1025xf32, #tpu.memory_space<vmem>> -> memref<1x16x1024xf32, #tpu.memory_space<vmem>>
    %dma_wait3A_417 = tpu.memref_squeeze %dma_wait3A_416 : memref<1x16x1024xf32, #tpu.memory_space<vmem>> -> memref<16x1024xf32, #tpu.memory_space<vmem>>
    tpu.wait_dma2 semaphore(%dma_wait3A_410 : memref<!tpu.dma_semaphore, #tpu.memory_space<semaphore_mem>>) src(%dma_wait3A_417 : memref<16x1024xf32, #tpu.memory_space<vmem>>) dst(%dma_wait3A_413 : memref<16x1024xf32, #tpu.memory_space<hbm>>)
    %scan3A_418 = arith.constant 0 : i32
    %scan3A_419 = arith.constant 0 : i32
    %scan3A_420 = arith.constant 128 : i32
    %scan3A_421 = arith.addi %scan3A_419, %scan3A_420 : i32
    %scan3A_422 = arith.constant 1 : i32
    scf.for %scan3A_508 = %scan3A_419 to %scan3A_421 step %scan3A_422  : i32 {
      %mul3A_509 = arith.constant 8 : i32
      %mul3A_510 = arith.muli %scan3A_508, %mul3A_509 : i32
      %add3A_511 = arith.constant 1024 : i32
      %add3A_512 = arith.addi %add3A_511, %mul3A_510 : i32
      %add3A_513 = arith.constant 0 : i32
      %add3A_514 = arith.addi %add3A_512, %add3A_513 : i32
      %get3A = arith.index_cast %rem3A_327 : i32 to index
      %get3A_515 = arith.index_cast %add3A_514 : i32 to index
      %get3A_516 = arith.constant 0 : index
      %get3A_517 = tpu.vector_load %arg6[%get3A, %get3A_515, %get3A_516] {strides = array<i32>} : memref<2x2048x16xf32, #tpu.memory_space<vmem>>, vector<16xf32>,
      %add3A_518 = arith.constant 0 : i32
      %add3A_519 = arith.addi %mul3A_510, %add3A_518 : i32
      %broadcast_in_dim3A = vector.broadcast %add3A_519 : i32 to vector<16xi32>
      %scatter3A = arith.constant 1 : i32
      %scatter3A_520 = arith.constant 0 : i32
      %scatter3A_521 = arith.constant 0 : i32
      %scatter3A_522 = tpu.memref_slice %arg7[%scatter3A, %scatter3A_520, %scatter3A_521] : memref<2x16x1025xf32, #tpu.memory_space<vmem>> -> memref<1x16x1025xf32, #tpu.memory_space<vmem>>
      %scatter3A_523 = tpu.memref_squeeze %scatter3A_522 : memref<1x16x1025xf32, #tpu.memory_space<vmem>> -> memref<16x1025xf32, #tpu.memory_space<vmem>>
      tpu.vector_store_idx %scatter3A_523[%iota3A, %broadcast_in_dim3A], %get3A_517 : memref<16x1025xf32, #tpu.memory_space<vmem>>[vector<16xi32>, vector<16xi32>], vector<16xf32>,
      %add3A_524 = arith.constant 1024 : i32
      %add3A_525 = arith.addi %add3A_524, %mul3A_510 : i32
      %add3A_526 = arith.constant 1 : i32
      %add3A_527 = arith.addi %add3A_525, %add3A_526 : i32
      %get3A_528 = arith.index_cast %rem3A_327 : i32 to index
      %get3A_529 = arith.index_cast %add3A_527 : i32 to index
      %get3A_530 = arith.constant 0 : index
      %get3A_531 = tpu.vector_load %arg6[%get3A_528, %get3A_529, %get3A_530] {strides = array<i32>} : memref<2x2048x16xf32, #tpu.memory_space<vmem>>, vector<16xf32>,
      %add3A_532 = arith.constant 1 : i32
      %add3A_533 = arith.addi %mul3A_510, %add3A_532 : i32
      %broadcast_in_dim3A_534 = vector.broadcast %add3A_533 : i32 to vector<16xi32>
      %scatter3A_535 = arith.constant 1 : i32
      %scatter3A_536 = arith.constant 0 : i32
      %scatter3A_537 = arith.constant 0 : i32
      %scatter3A_538 = tpu.memref_slice %arg7[%scatter3A_535, %scatter3A_536, %scatter3A_537] : memref<2x16x1025xf32, #tpu.memory_space<vmem>> -> memref<1x16x1025xf32, #tpu.memory_space<vmem>>
      %scatter3A_539 = tpu.memref_squeeze %scatter3A_538 : memref<1x16x1025xf32, #tpu.memory_space<vmem>> -> memref<16x1025xf32, #tpu.memory_space<vmem>>
      tpu.vector_store_idx %scatter3A_539[%iota3A, %broadcast_in_dim3A_534], %get3A_531 : memref<16x1025xf32, #tpu.memory_space<vmem>>[vector<16xi32>, vector<16xi32>], vector<16xf32>,
      %add3A_540 = arith.constant 1024 : i32
      %add3A_541 = arith.addi %add3A_540, %mul3A_510 : i32
      %add3A_542 = arith.constant 2 : i32
      %add3A_543 = arith.addi %add3A_541, %add3A_542 : i32
      %get3A_544 = arith.index_cast %rem3A_327 : i32 to index
      %get3A_545 = arith.index_cast %add3A_543 : i32 to index
      %get3A_546 = arith.constant 0 : index
      %get3A_547 = tpu.vector_load %arg6[%get3A_544, %get3A_545, %get3A_546] {strides = array<i32>} : memref<2x2048x16xf32, #tpu.memory_space<vmem>>, vector<16xf32>,
      %add3A_548 = arith.constant 2 : i32
      %add3A_549 = arith.addi %mul3A_510, %add3A_548 : i32
      %broadcast_in_dim3A_550 = vector.broadcast %add3A_549 : i32 to vector<16xi32>
      %scatter3A_551 = arith.constant 1 : i32
      %scatter3A_552 = arith.constant 0 : i32
      %scatter3A_553 = arith.constant 0 : i32
      %scatter3A_554 = tpu.memref_slice %arg7[%scatter3A_551, %scatter3A_552, %scatter3A_553] : memref<2x16x1025xf32, #tpu.memory_space<vmem>> -> memref<1x16x1025xf32, #tpu.memory_space<vmem>>
      %scatter3A_555 = tpu.memref_squeeze %scatter3A_554 : memref<1x16x1025xf32, #tpu.memory_space<vmem>> -> memref<16x1025xf32, #tpu.memory_space<vmem>>
      tpu.vector_store_idx %scatter3A_555[%iota3A, %broadcast_in_dim3A_550], %get3A_547 : memref<16x1025xf32, #tpu.memory_space<vmem>>[vector<16xi32>, vector<16xi32>], vector<16xf32>,
      %add3A_556 = arith.constant 1024 : i32
      %add3A_557 = arith.addi %add3A_556, %mul3A_510 : i32
      %add3A_558 = arith.constant 3 : i32
      %add3A_559 = arith.addi %add3A_557, %add3A_558 : i32
      %get3A_560 = arith.index_cast %rem3A_327 : i32 to index
      %get3A_561 = arith.index_cast %add3A_559 : i32 to index
      %get3A_562 = arith.constant 0 : index
      %get3A_563 = tpu.vector_load %arg6[%get3A_560, %get3A_561, %get3A_562] {strides = array<i32>} : memref<2x2048x16xf32, #tpu.memory_space<vmem>>, vector<16xf32>,
      %add3A_564 = arith.constant 3 : i32
      %add3A_565 = arith.addi %mul3A_510, %add3A_564 : i32
      %broadcast_in_dim3A_566 = vector.broadcast %add3A_565 : i32 to vector<16xi32>
      %scatter3A_567 = arith.constant 1 : i32
      %scatter3A_568 = arith.constant 0 : i32
      %scatter3A_569 = arith.constant 0 : i32
      %scatter3A_570 = tpu.memref_slice %arg7[%scatter3A_567, %scatter3A_568, %scatter3A_569] : memref<2x16x1025xf32, #tpu.memory_space<vmem>> -> memref<1x16x1025xf32, #tpu.memory_space<vmem>>
      %scatter3A_571 = tpu.memref_squeeze %scatter3A_570 : memref<1x16x1025xf32, #tpu.memory_space<vmem>> -> memref<16x1025xf32, #tpu.memory_space<vmem>>
      tpu.vector_store_idx %scatter3A_571[%iota3A, %broadcast_in_dim3A_566], %get3A_563 : memref<16x1025xf32, #tpu.memory_space<vmem>>[vector<16xi32>, vector<16xi32>], vector<16xf32>,
      %add3A_572 = arith.constant 1024 : i32
      %add3A_573 = arith.addi %add3A_572, %mul3A_510 : i32
      %add3A_574 = arith.constant 4 : i32
      %add3A_575 = arith.addi %add3A_573, %add3A_574 : i32
      %get3A_576 = arith.index_cast %rem3A_327 : i32 to index
      %get3A_577 = arith.index_cast %add3A_575 : i32 to index
      %get3A_578 = arith.constant 0 : index
      %get3A_579 = tpu.vector_load %arg6[%get3A_576, %get3A_577, %get3A_578] {strides = array<i32>} : memref<2x2048x16xf32, #tpu.memory_space<vmem>>, vector<16xf32>,
      %add3A_580 = arith.constant 4 : i32
      %add3A_581 = arith.addi %mul3A_510, %add3A_580 : i32
      %broadcast_in_dim3A_582 = vector.broadcast %add3A_581 : i32 to vector<16xi32>
      %scatter3A_583 = arith.constant 1 : i32
      %scatter3A_584 = arith.constant 0 : i32
      %scatter3A_585 = arith.constant 0 : i32
      %scatter3A_586 = tpu.memref_slice %arg7[%scatter3A_583, %scatter3A_584, %scatter3A_585] : memref<2x16x1025xf32, #tpu.memory_space<vmem>> -> memref<1x16x1025xf32, #tpu.memory_space<vmem>>
      %scatter3A_587 = tpu.memref_squeeze %scatter3A_586 : memref<1x16x1025xf32, #tpu.memory_space<vmem>> -> memref<16x1025xf32, #tpu.memory_space<vmem>>
      tpu.vector_store_idx %scatter3A_587[%iota3A, %broadcast_in_dim3A_582], %get3A_579 : memref<16x1025xf32, #tpu.memory_space<vmem>>[vector<16xi32>, vector<16xi32>], vector<16xf32>,
      %add3A_588 = arith.constant 1024 : i32
      %add3A_589 = arith.addi %add3A_588, %mul3A_510 : i32
      %add3A_590 = arith.constant 5 : i32
      %add3A_591 = arith.addi %add3A_589, %add3A_590 : i32
      %get3A_592 = arith.index_cast %rem3A_327 : i32 to index
      %get3A_593 = arith.index_cast %add3A_591 : i32 to index
      %get3A_594 = arith.constant 0 : index
      %get3A_595 = tpu.vector_load %arg6[%get3A_592, %get3A_593, %get3A_594] {strides = array<i32>} : memref<2x2048x16xf32, #tpu.memory_space<vmem>>, vector<16xf32>,
      %add3A_596 = arith.constant 5 : i32
      %add3A_597 = arith.addi %mul3A_510, %add3A_596 : i32
      %broadcast_in_dim3A_598 = vector.broadcast %add3A_597 : i32 to vector<16xi32>
      %scatter3A_599 = arith.constant 1 : i32
      %scatter3A_600 = arith.constant 0 : i32
      %scatter3A_601 = arith.constant 0 : i32
      %scatter3A_602 = tpu.memref_slice %arg7[%scatter3A_599, %scatter3A_600, %scatter3A_601] : memref<2x16x1025xf32, #tpu.memory_space<vmem>> -> memref<1x16x1025xf32, #tpu.memory_space<vmem>>
      %scatter3A_603 = tpu.memref_squeeze %scatter3A_602 : memref<1x16x1025xf32, #tpu.memory_space<vmem>> -> memref<16x1025xf32, #tpu.memory_space<vmem>>
      tpu.vector_store_idx %scatter3A_603[%iota3A, %broadcast_in_dim3A_598], %get3A_595 : memref<16x1025xf32, #tpu.memory_space<vmem>>[vector<16xi32>, vector<16xi32>], vector<16xf32>,
      %add3A_604 = arith.constant 1024 : i32
      %add3A_605 = arith.addi %add3A_604, %mul3A_510 : i32
      %add3A_606 = arith.constant 6 : i32
      %add3A_607 = arith.addi %add3A_605, %add3A_606 : i32
      %get3A_608 = arith.index_cast %rem3A_327 : i32 to index
      %get3A_609 = arith.index_cast %add3A_607 : i32 to index
      %get3A_610 = arith.constant 0 : index
      %get3A_611 = tpu.vector_load %arg6[%get3A_608, %get3A_609, %get3A_610] {strides = array<i32>} : memref<2x2048x16xf32, #tpu.memory_space<vmem>>, vector<16xf32>,
      %add3A_612 = arith.constant 6 : i32
      %add3A_613 = arith.addi %mul3A_510, %add3A_612 : i32
      %broadcast_in_dim3A_614 = vector.broadcast %add3A_613 : i32 to vector<16xi32>
      %scatter3A_615 = arith.constant 1 : i32
      %scatter3A_616 = arith.constant 0 : i32
      %scatter3A_617 = arith.constant 0 : i32
      %scatter3A_618 = tpu.memref_slice %arg7[%scatter3A_615, %scatter3A_616, %scatter3A_617] : memref<2x16x1025xf32, #tpu.memory_space<vmem>> -> memref<1x16x1025xf32, #tpu.memory_space<vmem>>
      %scatter3A_619 = tpu.memref_squeeze %scatter3A_618 : memref<1x16x1025xf32, #tpu.memory_space<vmem>> -> memref<16x1025xf32, #tpu.memory_space<vmem>>
      tpu.vector_store_idx %scatter3A_619[%iota3A, %broadcast_in_dim3A_614], %get3A_611 : memref<16x1025xf32, #tpu.memory_space<vmem>>[vector<16xi32>, vector<16xi32>], vector<16xf32>,
      %add3A_620 = arith.constant 1024 : i32
      %add3A_621 = arith.addi %add3A_620, %mul3A_510 : i32
      %add3A_622 = arith.constant 7 : i32
      %add3A_623 = arith.addi %add3A_621, %add3A_622 : i32
      %get3A_624 = arith.index_cast %rem3A_327 : i32 to index
      %get3A_625 = arith.index_cast %add3A_623 : i32 to index
      %get3A_626 = arith.constant 0 : index
      %get3A_627 = tpu.vector_load %arg6[%get3A_624, %get3A_625, %get3A_626] {strides = array<i32>} : memref<2x2048x16xf32, #tpu.memory_space<vmem>>, vector<16xf32>,
      %add3A_628 = arith.constant 7 : i32
      %add3A_629 = arith.addi %mul3A_510, %add3A_628 : i32
      %broadcast_in_dim3A_630 = vector.broadcast %add3A_629 : i32 to vector<16xi32>
      %scatter3A_631 = arith.constant 1 : i32
      %scatter3A_632 = arith.constant 0 : i32
      %scatter3A_633 = arith.constant 0 : i32
      %scatter3A_634 = tpu.memref_slice %arg7[%scatter3A_631, %scatter3A_632, %scatter3A_633] : memref<2x16x1025xf32, #tpu.memory_space<vmem>> -> memref<1x16x1025xf32, #tpu.memory_space<vmem>>
      %scatter3A_635 = tpu.memref_squeeze %scatter3A_634 : memref<1x16x1025xf32, #tpu.memory_space<vmem>> -> memref<16x1025xf32, #tpu.memory_space<vmem>>
      tpu.vector_store_idx %scatter3A_635[%iota3A, %broadcast_in_dim3A_630], %get3A_627 : memref<16x1025xf32, #tpu.memory_space<vmem>>[vector<16xi32>, vector<16xi32>], vector<16xf32>,
    }
    %scan3A_423 = arith.constant 128 : i32
    %add3A_424 = arith.constant 24 : i32
    %add3A_425 = arith.addi %mul3A_18, %add3A_424 : i32
    %rem3A_426 = arith.constant 49 : i32
    %rem3A_427 = arith.constant 2 : i32
    %rem3A_428 = arith.remsi %rem3A_426, %rem3A_427 : i32
    %mul3A_429 = arith.constant 2048 : i32
    %mul3A_430 = arith.muli %rem3A_428, %mul3A_429 : i32
    %add3A_431 = arith.addi %mul3A_34, %mul3A_430 : i32
    %add3A_432 = arith.constant 1024 : i32
    %add3A_433 = arith.addi %add3A_431, %add3A_432 : i32
    %dma_start3A_434 = arith.constant 1 : i32
    %dma_start3A_435 = arith.constant 1 : i32
    %dma_start3A_436 = arith.constant 0 : i32
    %dma_start3A_437 = arith.constant 0 : i32
    %dma_start3A_438 = tpu.memref_slice %arg7[%dma_start3A_434, %dma_start3A_436, %dma_start3A_437] : memref<2x16x1025xf32, #tpu.memory_space<vmem>> -> memref<1x16x1024xf32, #tpu.memory_space<vmem>>
    %dma_start3A_439 = tpu.memref_squeeze %dma_start3A_438 : memref<1x16x1024xf32, #tpu.memory_space<vmem>> -> memref<16x1024xf32, #tpu.memory_space<vmem>>
    %dma_start3A_440 = arith.constant 0 : i32
    %dma_start3A_441 = tpu.memref_slice %arg4[%add3A_425, %dma_start3A_440, %add3A_433] : memref<200x16x16384xf32, #tpu.memory_space<hbm>> -> memref<1x16x1024xf32, #tpu.memory_space<hbm>>
    %dma_start3A_442 = tpu.memref_squeeze %dma_start3A_441 : memref<1x16x1024xf32, #tpu.memory_space<hbm>> -> memref<16x1024xf32, #tpu.memory_space<hbm>>
    %dma_start3A_443 = tpu.memref_slice %arg10[%dma_start3A_435] : memref<2x!tpu.dma_semaphore, #tpu.memory_space<semaphore_mem>> -> memref<1x!tpu.dma_semaphore, #tpu.memory_space<semaphore_mem>>
    %dma_start3A_444 = tpu.memref_squeeze %dma_start3A_443 : memref<1x!tpu.dma_semaphore, #tpu.memory_space<semaphore_mem>> -> memref<!tpu.dma_semaphore, #tpu.memory_space<semaphore_mem>>
    %dma_start3A_445 = arith.constant 0 : i32
    %dma_start3A_446 = tpu.memref_slice %arg4[%add3A_425, %dma_start3A_445, %add3A_433] : memref<200x16x16384xf32, #tpu.memory_space<hbm>> -> memref<1x16x1024xf32, #tpu.memory_space<hbm>>
    %dma_start3A_447 = tpu.memref_squeeze %dma_start3A_446 : memref<1x16x1024xf32, #tpu.memory_space<hbm>> -> memref<16x1024xf32, #tpu.memory_space<hbm>>
    %dma_start3A_448 = arith.constant 0 : i32
    %dma_start3A_449 = arith.constant 0 : i32
    %dma_start3A_450 = tpu.memref_slice %arg7[%dma_start3A_434, %dma_start3A_448, %dma_start3A_449] : memref<2x16x1025xf32, #tpu.memory_space<vmem>> -> memref<1x16x1024xf32, #tpu.memory_space<vmem>>
    %dma_start3A_451 = tpu.memref_squeeze %dma_start3A_450 : memref<1x16x1024xf32, #tpu.memory_space<vmem>> -> memref<16x1024xf32, #tpu.memory_space<vmem>>
    tpu.enqueue_dma source(%dma_start3A_451 : memref<16x1024xf32, #tpu.memory_space<vmem>>) target(%dma_start3A_447 : memref<16x1024xf32, #tpu.memory_space<hbm>>) target_semaphore(%dma_start3A_444 : memref<!tpu.dma_semaphore, #tpu.memory_space<semaphore_mem>>)
    %add3A_452 = arith.constant 24 : i32
    %add3A_453 = arith.addi %mul3A_18, %add3A_452 : i32
    %rem3A_454 = arith.constant 49 : i32
    %rem3A_455 = arith.constant 2 : i32
    %rem3A_456 = arith.remsi %rem3A_454, %rem3A_455 : i32
    %mul3A_457 = arith.constant 2048 : i32
    %mul3A_458 = arith.muli %rem3A_456, %mul3A_457 : i32
    %add3A_459 = arith.addi %mul3A_34, %mul3A_458 : i32
    %add3A_460 = arith.constant 0 : i32
    %add3A_461 = arith.addi %add3A_459, %add3A_460 : i32
    %dma_wait3A_462 = arith.constant 0 : i32
    %dma_wait3A_463 = arith.constant 0 : i32
    %dma_wait3A_464 = arith.constant 0 : i32
    %dma_wait3A_465 = arith.constant 0 : i32
    %dma_wait3A_466 = tpu.memref_slice %arg7[%dma_wait3A_462, %dma_wait3A_464, %dma_wait3A_465] : memref<2x16x1025xf32, #tpu.memory_space<vmem>> -> memref<1x16x1024xf32, #tpu.memory_space<vmem>>
    %dma_wait3A_467 = tpu.memref_squeeze %dma_wait3A_466 : memref<1x16x1024xf32, #tpu.memory_space<vmem>> -> memref<16x1024xf32, #tpu.memory_space<vmem>>
    %dma_wait3A_468 = arith.constant 0 : i32
    %dma_wait3A_469 = tpu.memref_slice %arg4[%add3A_453, %dma_wait3A_468, %add3A_461] : memref<200x16x16384xf32, #tpu.memory_space<hbm>> -> memref<1x16x1024xf32, #tpu.memory_space<hbm>>
    %dma_wait3A_470 = tpu.memref_squeeze %dma_wait3A_469 : memref<1x16x1024xf32, #tpu.memory_space<hbm>> -> memref<16x1024xf32, #tpu.memory_space<hbm>>
    %dma_wait3A_471 = tpu.memref_slice %arg10[%dma_wait3A_463] : memref<2x!tpu.dma_semaphore, #tpu.memory_space<semaphore_mem>> -> memref<1x!tpu.dma_semaphore, #tpu.memory_space<semaphore_mem>>
    %dma_wait3A_472 = tpu.memref_squeeze %dma_wait3A_471 : memref<1x!tpu.dma_semaphore, #tpu.memory_space<semaphore_mem>> -> memref<!tpu.dma_semaphore, #tpu.memory_space<semaphore_mem>>
    %dma_wait3A_473 = arith.constant 0 : i32
    %dma_wait3A_474 = tpu.memref_slice %arg4[%add3A_453, %dma_wait3A_473, %add3A_461] : memref<200x16x16384xf32, #tpu.memory_space<hbm>> -> memref<1x16x1024xf32, #tpu.memory_space<hbm>>
    %dma_wait3A_475 = tpu.memref_squeeze %dma_wait3A_474 : memref<1x16x1024xf32, #tpu.memory_space<hbm>> -> memref<16x1024xf32, #tpu.memory_space<hbm>>
    %dma_wait3A_476 = arith.constant 0 : i32
    %dma_wait3A_477 = arith.constant 0 : i32
    %dma_wait3A_478 = tpu.memref_slice %arg7[%dma_wait3A_462, %dma_wait3A_476, %dma_wait3A_477] : memref<2x16x1025xf32, #tpu.memory_space<vmem>> -> memref<1x16x1024xf32, #tpu.memory_space<vmem>>
    %dma_wait3A_479 = tpu.memref_squeeze %dma_wait3A_478 : memref<1x16x1024xf32, #tpu.memory_space<vmem>> -> memref<16x1024xf32, #tpu.memory_space<vmem>>
    tpu.wait_dma2 semaphore(%dma_wait3A_472 : memref<!tpu.dma_semaphore, #tpu.memory_space<semaphore_mem>>) src(%dma_wait3A_479 : memref<16x1024xf32, #tpu.memory_space<vmem>>) dst(%dma_wait3A_475 : memref<16x1024xf32, #tpu.memory_space<hbm>>)
    %add3A_480 = arith.constant 24 : i32
    %add3A_481 = arith.addi %mul3A_18, %add3A_480 : i32
    %rem3A_482 = arith.constant 49 : i32
    %rem3A_483 = arith.constant 2 : i32
    %rem3A_484 = arith.remsi %rem3A_482, %rem3A_483 : i32
    %mul3A_485 = arith.constant 2048 : i32
    %mul3A_486 = arith.muli %rem3A_484, %mul3A_485 : i32
    %add3A_487 = arith.addi %mul3A_34, %mul3A_486 : i32
    %add3A_488 = arith.constant 1024 : i32
    %add3A_489 = arith.addi %add3A_487, %add3A_488 : i32
    %dma_wait3A_490 = arith.constant 1 : i32
    %dma_wait3A_491 = arith.constant 1 : i32
    %dma_wait3A_492 = arith.constant 0 : i32
    %dma_wait3A_493 = arith.constant 0 : i32
    %dma_wait3A_494 = tpu.memref_slice %arg7[%dma_wait3A_490, %dma_wait3A_492, %dma_wait3A_493] : memref<2x16x1025xf32, #tpu.memory_space<vmem>> -> memref<1x16x1024xf32, #tpu.memory_space<vmem>>
    %dma_wait3A_495 = tpu.memref_squeeze %dma_wait3A_494 : memref<1x16x1024xf32, #tpu.memory_space<vmem>> -> memref<16x1024xf32, #tpu.memory_space<vmem>>
    %dma_wait3A_496 = arith.constant 0 : i32
    %dma_wait3A_497 = tpu.memref_slice %arg4[%add3A_481, %dma_wait3A_496, %add3A_489] : memref<200x16x16384xf32, #tpu.memory_space<hbm>> -> memref<1x16x1024xf32, #tpu.memory_space<hbm>>
    %dma_wait3A_498 = tpu.memref_squeeze %dma_wait3A_497 : memref<1x16x1024xf32, #tpu.memory_space<hbm>> -> memref<16x1024xf32, #tpu.memory_space<hbm>>
    %dma_wait3A_499 = tpu.memref_slice %arg10[%dma_wait3A_491] : memref<2x!tpu.dma_semaphore, #tpu.memory_space<semaphore_mem>> -> memref<1x!tpu.dma_semaphore, #tpu.memory_space<semaphore_mem>>
    %dma_wait3A_500 = tpu.memref_squeeze %dma_wait3A_499 : memref<1x!tpu.dma_semaphore, #tpu.memory_space<semaphore_mem>> -> memref<!tpu.dma_semaphore, #tpu.memory_space<semaphore_mem>>
    %dma_wait3A_501 = arith.constant 0 : i32
    %dma_wait3A_502 = tpu.memref_slice %arg4[%add3A_481, %dma_wait3A_501, %add3A_489] : memref<200x16x16384xf32, #tpu.memory_space<hbm>> -> memref<1x16x1024xf32, #tpu.memory_space<hbm>>
    %dma_wait3A_503 = tpu.memref_squeeze %dma_wait3A_502 : memref<1x16x1024xf32, #tpu.memory_space<hbm>> -> memref<16x1024xf32, #tpu.memory_space<hbm>>
    %dma_wait3A_504 = arith.constant 0 : i32
    %dma_wait3A_505 = arith.constant 0 : i32
    %dma_wait3A_506 = tpu.memref_slice %arg7[%dma_wait3A_490, %dma_wait3A_504, %dma_wait3A_505] : memref<2x16x1025xf32, #tpu.memory_space<vmem>> -> memref<1x16x1024xf32, #tpu.memory_space<vmem>>
    %dma_wait3A_507 = tpu.memref_squeeze %dma_wait3A_506 : memref<1x16x1024xf32, #tpu.memory_space<vmem>> -> memref<16x1024xf32, #tpu.memory_space<vmem>>
    tpu.wait_dma2 semaphore(%dma_wait3A_500 : memref<!tpu.dma_semaphore, #tpu.memory_space<semaphore_mem>>) src(%dma_wait3A_507 : memref<16x1024xf32, #tpu.memory_space<vmem>>) dst(%dma_wait3A_503 : memref<16x1024xf32, #tpu.memory_space<hbm>>)
    return
  }
}

</mosaic_0001>

<sc_bundles>
// kernel: _gather_t.3.cloned.1.call-start
scs
__scs_entry_jumppad:
0x0: {  	(pc) =	sbr.rel $0x88, $3  }
0x1: {  	(tag) =	ssettag $0x0;
	lr =	simm.s32 $0x1  }
0x2: {  	[smem:$0x3F9F] =	sst lr;
	_ =	strace $0xD0000000  }
0x3: {  	_ = 	snop  }
0x4: {  	_ = 	snop  }
0x5: {  	_ = 	snop  }
0x6: {  	_ = 	snop  }
0x7: {  	_ = 	snop  }
__scs_overlays_trampoline_lowered:
0x8: {  	[smem:$0x3FAE] =	sst s0  }
0x9: {  	[smem:$0x3FAF] =	sst s1  }
0xa: {  	[smem:$0x3FB0] =	sst s2  }
0xb: {  	[smem:$0x3FB1] =	sst s3  }
0xc: {  	[smem:$0x3FB2] =	sst s4  }
0xd: {  	[smem:$0x3FB3] =	sst s5  }
0xe: {  	[smem:$0x3FB4] =	sst s6  }
0xf: {  	[smem:$0x3FB5] =	sst s7  }
0x10: {  	[smem:$0x3FB6] =	sst s8  }
0x11: {  	[smem:$0x3FB7] =	sst s9;
	s0 =	simm.s32 @!p0 $0x0  }
0x12: {  	s1 =	sld [smem:$0x3F9D];
	s0 =	simm.s32 @p0 $0x1  }
0x13: {  	[smem:$0x3FB8] =	sst s0;
	s0 =	simm.s32 @!p1 $0x0  }
0x14: {  	s2 =	sld [smem:$0x3F9C];
	s0 =	simm.s32 @p1 $0x1  }
0x15: {  	[smem:$0x3FB9] =	sst s0;
	s0 =	simm.s32 @!p2 $0x0  }
0x16: {  	s3 =	sld [smem:$0x3FDB];
	s0 =	simm.s32 @p2 $0x1  }
0x17: {  	s4 =	simm.s32 $0x1BF5;
	[smem:$0x3FBB] =	sst s0  }
0x18: {  	s0 =	sld [smem:$0x3F9E];
	_ =	swait.ge [sflag:s4], $0x0  }
0x19: {  	s7 =	sld [smem:$0x3F9F]  }
0x1a: {  	s8 =	sadd.s32 $0xFFFFE003, lr  }
0x1b: {  	s9 =	sadd.s32 $0xFFFFFEF7, lr;
	s5 =	simm.s32 $0xFFFFFFFF;
	p2 =	slt.u32 s8, $0xFFFFF086  }
0x1c: {  	p1 =	slt.u32 s9, $0xF7A;
	s5 =	simm.s32 @!p2 $0x0  }
0x1d: {  	s5 =	simm.s32 @p1 $0x1;
	p0 =	seq.s32 s7, s2  }
0x1e: {  	s7 =	smul.u32 @!p0 $0xF7A, s2;
	p2 =	seq.s32 @!p0 s5, $0x0  }
0x1f: {  	s9 =	smul.u32 $0xF7A, s1;
	s8 =	simm.s32 @!p0 $0x1BF5;
	p2 =	por !p2, p0  }
0x20: {  	[sflag:s8] =	ssyncset.s32 @!p0 $0xFFFFF086;
	s6 =	sadd.s32 @!p0 s3, s7;
	s7 =	simm.s32 @!p0 $0x108  }
0x21: {  	s3 =	sadd.s32 s3, s9;
	s6 =	sadd.s32 @!p0 $0x88, s6;
	s7 =	simm.s32 @p2 $0x1082  }
0x22: {  	[simem:s7], [sflag:s8] =	dma.local @!p0 [hbm:s6], $0xF7A  }
0x23: {  	s9 =	sor.u32 $0xD0000000, s2;
	s6 =	simm.s32 $0x108;
	_ =	swait.ge @!p0 [sflag:s8], $0x0  }
0x24: {  	s3 =	sadd.s32 $0x88, s3;
	s6 =	simm.s32 @!p1 $0x1082;
	[sflag:s4] =	ssyncset.s32 $0xFFFFF086  }
0x25: {  	[simem:s6], [sflag:s4] =	dma.local [hbm:s3], $0xF7A  }
0x26: {  	[smem:$0x3F9F] =	sst s1;
	(tag) =	ssettag s2;
	_ =	strace s9  }
0x27: {  	s1 =	sld [smem:$0x3FAF]  }
0x28: {  	s2 =	sld [smem:$0x3FB0]  }
0x29: {  	s4 =	sld [smem:$0x3FB2]  }
0x2a: {  	p0 =	seq.s32 s5, $0x0;
	s5 =	sld [smem:$0x3FB3]  }
0x2b: {  	s6 =	sld [smem:$0x3FB4]  }
0x2c: {  	s7 =	sld [smem:$0x3FB5]  }
0x2d: {  	s3 =	simm.s32 $0x108;
	s8 =	sld [smem:$0x3FB6]  }
0x2e: {  	s3 =	simm.s32 @!p0 $0x1082;
	s9 =	sld [smem:$0x3FB7]  }
0x2f: {  	lr =	sadd.s32 s0, s3;
	s0 =	sld [smem:$0x3FAE]  }
0x30: {  	s3 =	sld [smem:$0x3FB1]  }
0x31: {  	[smem:$0x3FBA] =	sst s10  }
0x32: {  	s10 =	sld [smem:$0x3FB8];
	_ =	sdelay $0x3  }
0x33: {  	p0 =	seq.s32 s10, $0x1;
	s10 =	sld [smem:$0x3FBA];
	_ =	sdelay $0x3  }
0x34: {  	[smem:$0x3FBA] =	sst s10  }
0x35: {  	s10 =	sld [smem:$0x3FB9];
	_ =	sdelay $0x3  }
0x36: {  	p1 =	seq.s32 s10, $0x1;
	s10 =	sld [smem:$0x3FBA];
	_ =	sdelay $0x3  }
0x37: {  	[smem:$0x3FBA] =	sst s10  }
0x38: {  	s10 =	sld [smem:$0x3FBB]  }
0x39: {  	_ = 	snop;
	(pc) =	sbr.ind lr, $3  }
0x3a: {  	_ = 	snop  }
0x3b: {  	_ = 	snop  }
0x3c: {  	p2 =	seq.s32 s10, $0x1;
	s10 =	sld [smem:$0x3FBA]  }
0x3d: {  	_ =	shalt  }
0x3e: {  	_ =	shalt  }
0x3f: {  	_ =	shalt  }
0x40: {  	_ =	shalt  }
0x41: {  	_ =	shalt  }
0x42: {  	_ =	shalt  }
0x43: {  	_ =	shalt  }
0x44: {  	_ =	shalt  }
0x45: {  	_ =	shalt  }
0x46: {  	_ =	shalt  }
0x47: {  	_ =	shalt  }
0x48: {  	_ =	shalt  }
0x49: {  	_ =	shalt  }
0x4a: {  	_ =	shalt  }
0x4b: {  	_ =	shalt  }
0x4c: {  	_ =	shalt  }
0x4d: {  	_ =	shalt  }
0x4e: {  	_ =	shalt  }
0x4f: {  	_ =	shalt  }
0x50: {  	_ =	shalt  }
0x51: {  	_ =	shalt  }
0x52: {  	_ =	shalt  }
0x53: {  	_ =	shalt  }
0x54: {  	_ =	shalt  }
0x55: {  	_ =	shalt  }
0x56: {  	_ =	shalt  }
0x57: {  	_ =	shalt  }
0x58: {  	_ =	shalt  }
0x59: {  	_ =	shalt  }
0x5a: {  	_ =	shalt  }
0x5b: {  	_ =	shalt  }
0x5c: {  	_ =	shalt  }
0x5d: {  	_ =	shalt  }
0x5e: {  	_ =	shalt  }
0x5f: {  	_ =	shalt  }
0x60: {  	_ =	shalt  }
0x61: {  	_ =	shalt  }
0x62: {  	_ =	shalt  }
0x63: {  	_ =	shalt  }
0x64: {  	_ =	shalt  }
0x65: {  	_ =	shalt  }
0x66: {  	_ =	shalt  }
0x67: {  	_ =	shalt  }
0x68: {  	_ =	shalt  }
0x69: {  	_ =	shalt  }
0x6a: {  	_ =	shalt  }
0x6b: {  	_ =	shalt  }
0x6c: {  	_ =	shalt  }
0x6d: {  	_ =	shalt  }
0x6e: {  	_ =	shalt  }
0x6f: {  	_ =	shalt  }
0x70: {  	_ =	shalt  }
0x71: {  	_ =	shalt  }
0x72: {  	_ =	shalt  }
0x73: {  	_ =	shalt  }
0x74: {  	_ =	shalt  }
0x75: {  	_ =	shalt  }
0x76: {  	_ =	shalt  }
0x77: {  	_ =	shalt  }
0x78: {  	_ =	shalt  }
0x79: {  	_ =	shalt  }
0x7a: {  	_ =	shalt  }
0x7b: {  	_ =	shalt  }
0x7c: {  	_ =	shalt  }
0x7d: {  	_ =	shalt  }
0x7e: {  	_ =	shalt  }
0x7f: {  	_ =	shalt  }
0x80: {  	_ =	shalt  }
0x81: {  	_ =	shalt  }
0x82: {  	_ =	shalt  }
0x83: {  	_ =	shalt  }
0x84: {  	_ =	shalt  }
0x85: {  	_ =	shalt  }
0x86: {  	_ =	shalt  }
0x87: {  	_ =	shalt  }
.Lfunc_end0:
.L_simem_size_0:
called_computation_lowered:
.L_overlay_start_0:
0x88: {  	s2 =	sld [smem:$0x3FD9]  }
0x89: {  	s3 =	sld [smem:$0x3FFE];
	_ =	sdelay $0x1  }
0x8a: {  	s1 =	srdreg.scid  }
0x8b: {  	s0 =	sand.u32 $0x1, s1  }
0x8c: {  	s17 =	sshll.u32 s0, $0xA;
	s2 =	sadd.s32 s3, s2  }
0x8d: {  	s2 =	sadd.s32 s2, s17  }
0x8e: {  	[smem:$0x3FC6] =	sst s2  }
0x8f: {  	_ = 	snop  }
0x90: {  	s2 =	sld [smem:$0x3FC9]  }
0x91: {  	s18 =	sld [smem:$0x3FD0];
	(tm) =	ssettm $0x1  }
0x92: {  	s4 =	sld [smem:$0x3FFB];
	_ =	sdelay $0x3  }
0x93: {  	_ =	strace s4  }
0x94: {  	s4 =	sld [smem:$0x3FFC];
	_ =	sdelay $0x3  }
0x95: {  	_ =	strace s4  }
0x96: {  	s4 =	sld [smem:$0x3FFD];
	_ =	sdelay $0x3  }
0x97: {  	_ =	strace s4  }
0x98: {  	_ =	strace $0x8FFFFFFF  }
0x99: {  	s19 =	sld [smem:$0x3FDB];
	_ =	sdelay $0x1  }
0x9a: {  	s5 =	simm.s32 $_scs_section_size  }
0x9b: {  	s6 =	simm.s32 $_size__tile_overlayer_lowered;
	s7 =	simm.s32 $_tile_overlayer_lowered  }
0x9c: {  	s22 =	simm.s32 $0x1BFF;
	s21 =	sshll.u32 s7, $0x1;
	s4 =	sadd.s32 s5, s19  }
0x9d: {  	s8 =	simm.s32 $0x0;
	s20 =	sshll.u32 s6, $0x1;
	s6 =	sadd.s32 s21, s4  }
0x9e: {  	[timem:s8], [sflag:s22] =	dma.local [hbm:s6], s20  }
0x9f: {  	_ =	swait.ge [sflag:s22], s20  }
0xa0: {  	s5 =	ssub.s32 $0x0, s20;
	[sflag:s22] =	ssyncset.done $0x0  }
0xa1: {  	[sflag:s22] =	ssyncadd.s32 s5;
	_ =	sdelay $0x1  }
0xa2: {  	s23 =	simm.s32 $0x1B8B  }
0xa3: {  	_ =	swait.ge [sflag:s23], $0x1  }
0xa4: {  	[sflag:s23] =	ssyncset.done $0x0  }
0xa5: {  	s25 =	simm.s32 $0x1B8E;
	s24 =	sld [smem:$0x3FFE];
	[sflag:s23] =	ssyncadd.s32 $0xFFFFFFFF  }
0xa6: {  	s26 =	simm.s32 $execute0_lowered;
	[smem:$0x3FD2] =	sst s25  }
0xa7: {  	s6 =	sshll.u32 s26, $0x1;
	_ =	strace $0x80000046;
	[dreg:$0x1] =	wrdreg $0xFFFFFFFF  }
0xa8: {  	s28 =	simm.s32 $_size_execute0_lowered;
	s4 =	sadd.s32 s4, s6;
	[dreg:$0x0] =	wrdreg $0x0  }
0xa9: {  	s6 =	sshll.u32 s28, $0x1;
	[dreg:$0x2] =	wrdreg s4  }
0xaa: {  	[dreg:$0x3] =	wrdreg s6  }
0xab: {  	[dreg:$0x4] =	wrdreg $0xC0  }
0xac: {  	_ =	task [dreg:s8], $0x5FFFF  }
0xad: {  	[dreg:$0x1] =	wrdreg $0xFFFFFFFF  }
0xae: {  	[dreg:$0x0] =	wrdreg $0x60  }
0xaf: {  	[dreg:$0x2] =	wrdreg s2  }
0xb0: {  	[dreg:$0x3] =	wrdreg s18  }
0xb1: {  	[dreg:$0x4] =	wrdreg s24  }
0xb2: {  	[dreg:$0x5] =	wrdreg $0x9  }
0xb3: {  	_ =	task.clear_ibuf [dreg:s8], $0x6FFFF;
	_ =	strace $0x90000046  }
0xb4: {  	s29 =	simm.s32 $0x9;
	_ =	strace $0x80000048  }
0xb5: {  	_ =	swait.ge [sflag:s29], $0x1  }
0xb6: {  	[sflag:s29] =	ssyncadd.s32 $0xFFFFFFFF  }
0xb7: {  	_ =	strace $0x90000048  }
0xb8: {  	_ =	sfence  }
0xb9: {  	s30 =	sld [smem:$0x0];
	_ =	sdelay $0x2  }
0xba: {  	s31 =	sshll.u32 s1, $0xD;
	s1 =	sshrl.u32 s1, $0x2  }
0xbb: {  	s3 =	sand.u32 $0x4000, s31;
	s1 =	sadd.s32 s1, s30  }
0xbc: {  	s0 =	sor.u32 s3, s0;
	s1 =	sshll.u32 s1, $0x11  }
0xbd: {  	s0 =	sor.u32 s1, s0  }
0xbe: {  	s0 =	sadd.s32 $0x8F2B, s0  }
0xbf: {  	[sflag:s0] =	ssyncadd.remote.s32 $0x1  }
0xc0: {  	_ =	sfence.sel $0xFFFF  }
0xc1: {  	[dreg:$0x0] =	wrdreg $0xFFFFFFFF;
	(pc) =	sbr.abs _section_cstart, $3  }
0xc2: {  	[dreg:$0x1] =	wrdreg $0xFFFFFFFF  }
0xc3: {  	_ =	task.clear_ibuf [dreg:s8], $0x2FFFF;
	_ =	strace $0x9FFFFFFF  }
0xc4: {  	(tm) =	ssettm $0x7FFFFFFF  }
0xc5: {  	_ =	shalt  }
tec
execute0_lowered:
.L_overlay_start_1:
0x0: {  	(tag) =	ssettag $0x1  }
0x1: {  	s9 =	rddreg [dreg:$0x0]  }
0x2: {  	s0 =	rddreg [dreg:$0x2];
	s4 =	simm.s32 $0x0;
	s3 =	stileid.u32  }
0x3: {  	s1 =	srdreg.scid;
	s17 =	simm.s32 $0x800;
	s16 =	simm.s32 $0x15880  }
0x4: {  	s13 =	simm.s32 $0x16CA8;
	s11 =	simm.s32 $0x170B0;
	s14 =	simm.s32 $0x174B8  }
0x5: {  	s15 =	simm.s32 $0x178C0;
	s28 =	simm.s32 $0x188E0;
	s29 =	simm.s32 $0x18CE8  }
0x6: {  	s30 =	simm.s32 $0x190F0;
	s31 =	simm.s32 $0x194F8;
	[smem:$0x7FF] =	sst s4  }
0x7: {  	s2 =	sshll.u32 s3, $0x1;
	s1 =	sand.u32 $0x1, s1;
	s3 =	sshrl.u32 s3, $0x1  }
0x8: {  	s5 =	sadd.s32 $0x400, s0;
	s21 =	sadd.s32 $0x100, s9;
	s2 =	sand.u32 $0x2, s2  }
0x9: {  	s7 =	smul.u32 $0x64000, s3;
	s18 =	ssub.s32 $0x2, s1;
	s2 =	sor.u32 s1, s2  }
0xa: {  	s8 =	smul.u32 $0x640000, s3;
	s1 =	sshrl.u32 s18, $0x1;
	s6 =	sshll.u32 s2, $0xC  }
0xb: {  	_ =	strace $0x80000047;
	s0 =	ssub.s32 s18, s1;
	s2 =	sor.u32 s7, s6  }
0xc: {  	s7 =	smul.u32 $0x19, s3;
	s8 =	sor.u32 s8, s6;
	s0 =	smax.u32 s0, $0x1  }
0xd: {  	s3 =	simm.s32 $0x17CC8;
	s19 =	sshrl.u32 s2, $0x3;
	s22 =	sadd.s32 $0x4000, s2  }
0xe: {  	s23 =	sadd.s32 $0x600000, s8;
	[dreg:$0xc] =	wrdreg s0;
	s20 =	sadd.s32 s9, s19  }
0xf: {  	s8 =	sshrl.u32 s8, $0x3;
	s1 =	sadd.s32 s19, s21;
	[dreg:$0x4] =	wrdreg s20  }
0x10: {  	s0 =	simm.s32 $0x6;
	s8 =	sadd.s32 s5, s8;
	[dreg:$0x5] =	wrdreg s1  }
0x11: {  	s1 =	sshrl.u32 s22, $0x3;
	[dreg:$0x7] =	wrdreg s8;
	s24 =	sadd.s32 $0x80, s8  }
0x12: {  	v0 =	vlaneseq.u32;
	s2 =	sshrl.u32 s23, $0x3;
	s9 =	sadd.s32 s9, s1;
	[dreg:$0x9] =	wrdreg s24  }
0x13: {  	v0 =	vmul.u32 $0x408, v0;
	s2 =	sadd.s32 s2, s5;
	s1 =	sadd.s32 s1, s21;
	[dreg:$0x6] =	wrdreg s9  }
0x14: {  	v1 =	vimm.s32 $0x0;
	vm0 =	vcmask $0x300;
	s23 =	simm.s32 $0x16498;
	s25 =	sadd.s32 $0x100, s2;
	[dreg:$0x8] =	wrdreg s1  }
0x15: {  	v1 =	vsel vm0, $0x3, v1;
	v2 =	vor.u32 $0x1, v0;
	s26 =	sadd.s32 $0x180, s2;
	s24 =	simm.s32 $0x11800;
	[dreg:$0xa] =	wrdreg s25  }
0x16: {  	v3 =	vor.u32 $0x2, v0;
	v4 =	vor.u32 $0x3, v0;
	v5 =	vor.u32 $0x4, v0;
	s2 =	simm.s32 $0x7;
	[dreg:$0xb] =	wrdreg s26;
	s1 =	simm.s32 $0x168A0  }
0x17: {  	v6 =	vor.u32 $0x5, v0;
	v7 =	vor.u32 $0x6, v0;
	v8 =	vor.u32 $0x7, v0;
	s25 =	simm.s32 $0x180D0;
	s26 =	simm.s32 $0x184D8;
	s9 =	simm.s32 $0x0  }
.LBB2_1:
0x18: {  	[dreg:$0xd] =	wrdreg s9  }
0x19: {  	s8 =	rddreg [dreg:$0x4]  }
0x1a: {  	[tilespmem:s4], [sflag:$0x1] =	stream.linear.gather [hbm4b:s8+s4], $0x800, $0x38;
	[tilespmem:$0x19900] =	vst v63  }
0x1b: {  	s22 =	rddreg [dreg:$0x5]  }
0x1c: {  	[tilespmem:s17], [sflag:$0x2] =	stream.linear.gather [hbm4b:s22+s4], $0x800, $0x38;
	[tilespmem:$0x19900] =	vst v63  }
0x1d: {  	s9 =	rddreg [dreg:$0x6];
	s10 =	simm.s32 $0x1000;
	s12 =	simm.s32 $0x1  }
0x1e: {  	[tilespmem:s10], [sflag:$0x3] =	stream.linear.gather [hbm4b:s9+s4], $0x800, $0x38;
	[tilespmem:$0x19900] =	vst v63  }
0x1f: {  	_ =	swait.ge [sflag:s12], $0x800  }
0x20: {  	[sflag:s12] =	ssyncset.done $0x0  }
0x21: {  	[sflag:s12] =	ssyncadd.s32 $0xFFFFF800  }
0x22: {  	s18 =	simm.s32 $0x1800;
	s19 =	simm.s32 $0x2;
	s8 =	rddreg [dreg:$0x1]  }
0x23: {  	[tilespmem:s18], [sflag:$0x4] =	stream.indirect.gather [hbm4b:s8+s17], $0x10, s4, s17, $0xb8;
	[tilespmem:$0x19900] =	vst v63  }
0x24: {  	_ =	swait.ge [sflag:s19], $0x800  }
0x25: {  	s20 =	simm.s32 $0x9800;
	[sflag:s19] =	ssyncset.done $0x0  }
0x26: {  	s21 =	simm.s32 $0x0;
	s22 =	simm.s32 $0x4;
	[sflag:s19] =	ssyncadd.s32 $0xFFFFF800  }
0x27: {  	v9 =	vmov s21;
	[tilespmem:s20], [sflag:$0x5] =	stream.indirect.gather [hbm4b:s8+s17], $0x10, s17, s17, $0xb8;
	[tilespmem:$0x19900] =	vst v63  }
0x28: {  	v9 =	vshrl.u32 v9, $0x3;
	_ =	swait.ge [sflag:s22], $0x8000  }
0x29: {  	v9 =	vshll.u32 v9, v1;
	[sflag:s22] =	ssyncset.done $0x0  }
0x2a: {  	v9 =	vbroadcast v9, $0x0;
	s8 =	simm.s32 $0x1840;
	s10 =	rddreg [dreg:$0x8];
	[sflag:s22] =	ssyncadd.s32 $0xFFFF8000  }
0x2b: {  	[tilespmem:s4], [sflag:$0x1] =	stream.linear.gather [hbm4b:s10+s4], $0x800, $0x38;
	[tilespmem:$0x19900] =	vst v63  }
0x2c: {  	v9 =	vadd.s32 v0, v9;
	s12 =	simm.s32 $0x1;
	v10 =	vld [tilespmem:s8+$0xFFFFFFC0]  }
0x2d: {  	v11 =	vmov s12  }
0x2e: {  	v11 =	vshrl.u32 v11, $0x3  }
0x2f: {  	v11 =	vshll.u32 v11, v1  }
0x30: {  	v11 =	vbroadcast v11, $0x0  }
0x31: {  	[tilespmem:v9+s24+$0x0] =	vst.idx.msk $0xffff, v10  }
0x32: {  	s18 =	simm.s32 $0x2;
	v10 =	vadd.s32 v2, v11;
	v9 =	vld [tilespmem:s8+$0xFFFFFFD0]  }
0x33: {  	v11 =	vmov s18  }
0x34: {  	v11 =	vshrl.u32 v11, $0x3  }
0x35: {  	v11 =	vshll.u32 v11, v1  }
0x36: {  	v11 =	vbroadcast v11, $0x0  }
0x37: {  	[tilespmem:v10+s24+$0x0] =	vst.idx.msk $0xffff, v9  }
0x38: {  	s19 =	simm.s32 $0x3;
	v10 =	vadd.s32 v3, v11;
	v9 =	vld [tilespmem:s8+$0xFFFFFFE0]  }
0x39: {  	v11 =	vmov s19  }
0x3a: {  	v11 =	vshrl.u32 v11, $0x3  }
0x3b: {  	v11 =	vshll.u32 v11, v1  }
0x3c: {  	v11 =	vbroadcast v11, $0x0  }
0x3d: {  	[tilespmem:v10+s24+$0x0] =	vst.idx.msk $0xffff, v9  }
0x3e: {  	s20 =	simm.s32 $0x4;
	v10 =	vadd.s32 v4, v11;
	v9 =	vld [tilespmem:s8+$0xFFFFFFF0]  }
0x3f: {  	v11 =	vmov s20  }
0x40: {  	v11 =	vshrl.u32 v11, $0x3  }
0x41: {  	v11 =	vshll.u32 v11, v1  }
0x42: {  	v11 =	vbroadcast v11, $0x0  }
0x43: {  	[tilespmem:v10+s24+$0x0] =	vst.idx.msk $0xffff, v9  }
0x44: {  	s21 =	simm.s32 $0x5;
	v10 =	vadd.s32 v5, v11;
	v9 =	vld [tilespmem:s8+$0x0]  }
0x45: {  	v11 =	vmov s21  }
0x46: {  	v11 =	vshrl.u32 v11, $0x3  }
0x47: {  	v11 =	vshll.u32 v11, v1  }
0x48: {  	v11 =	vbroadcast v11, $0x0  }
0x49: {  	[tilespmem:v10+s24+$0x0] =	vst.idx.msk $0xffff, v9  }
0x4a: {  	s22 =	simm.s32 $0x6;
	v10 =	vadd.s32 v6, v11;
	v9 =	vld [tilespmem:s8+$0x10]  }
0x4b: {  	v11 =	vmov s22  }
0x4c: {  	v11 =	vshrl.u32 v11, $0x3  }
0x4d: {  	v11 =	vshll.u32 v11, v1  }
0x4e: {  	v11 =	vbroadcast v11, $0x0  }
0x4f: {  	[tilespmem:v10+s24+$0x0] =	vst.idx.msk $0xffff, v9  }
0x50: {  	v10 =	vadd.s32 v7, v11;
	v9 =	vld [tilespmem:s8+$0x20]  }
0x51: {  	v11 =	vmov s2  }
0x52: {  	v11 =	vshrl.u32 v11, $0x3  }
0x53: {  	v11 =	vshll.u32 v11, v1  }
0x54: {  	v11 =	vbroadcast v11, $0x0  }
0x55: {  	[tilespmem:v10+s24+$0x0] =	vst.idx.msk $0xffff, v9  }
0x56: {  	s9 =	simm.s32 $0xF;
	s12 =	simm.s32 $0x8;
	s10 =	simm.s32 $0x17;
	v10 =	vadd.s32 v8, v11;
	v9 =	vld [tilespmem:s8+$0x30]  }
.LBB2_2:
0x57: {  	p0 =	sne.s32 s10, $0x3FF;
	v11 =	vmov s12  }
0x58: {  	v11 =	vshrl.u32 v11, $0x3  }
0x59: {  	v11 =	vshll.u32 v11, v1  }
0x5a: {  	v11 =	vbroadcast v11, $0x0  }
0x5b: {  	s8 =	sadd.s32 $0x80, s8;
	[tilespmem:v10+s24+$0x0] =	vst.idx.msk $0xffff, v9  }
0x5c: {  	s12 =	sadd.s32 $0xFFFFFFFA, s9;
	v9 =	vld [tilespmem:s8+$0xFFFFFFC0];
	v10 =	vadd.s32 v0, v11  }
0x5d: {  	v11 =	vmov s12  }
0x5e: {  	v11 =	vshrl.u32 v11, $0x3  }
0x5f: {  	v11 =	vshll.u32 v11, v1  }
0x60: {  	v11 =	vbroadcast v11, $0x0  }
0x61: {  	[tilespmem:v10+s24+$0x0] =	vst.idx.msk $0xffff, v9  }
0x62: {  	s12 =	sadd.s32 $0xFFFFFFFB, s9;
	v10 =	vadd.s32 v2, v11;
	v9 =	vld [tilespmem:s8+$0xFFFFFFD0]  }
0x63: {  	v11 =	vmov s12  }
0x64: {  	v11 =	vshrl.u32 v11, $0x3  }
0x65: {  	v11 =	vshll.u32 v11, v1  }
0x66: {  	v11 =	vbroadcast v11, $0x0  }
0x67: {  	[tilespmem:v10+s24+$0x0] =	vst.idx.msk $0xffff, v9  }
0x68: {  	s12 =	sadd.s32 $0xFFFFFFFC, s9;
	v10 =	vadd.s32 v3, v11;
	v9 =	vld [tilespmem:s8+$0xFFFFFFE0]  }
0x69: {  	v11 =	vmov s12  }
0x6a: {  	v11 =	vshrl.u32 v11, $0x3  }
0x6b: {  	v11 =	vshll.u32 v11, v1  }
0x6c: {  	v11 =	vbroadcast v11, $0x0  }
0x6d: {  	[tilespmem:v10+s24+$0x0] =	vst.idx.msk $0xffff, v9  }
0x6e: {  	s12 =	sadd.s32 $0xFFFFFFFD, s9;
	v10 =	vadd.s32 v4, v11;
	v9 =	vld [tilespmem:s8+$0xFFFFFFF0]  }
0x6f: {  	v11 =	vmov s12  }
0x70: {  	v11 =	vshrl.u32 v11, $0x3  }
0x71: {  	v11 =	vshll.u32 v11, v1  }
0x72: {  	v11 =	vbroadcast v11, $0x0  }
0x73: {  	[tilespmem:v10+s24+$0x0] =	vst.idx.msk $0xffff, v9  }
0x74: {  	s12 =	sadd.s32 $0xFFFFFFFE, s9;
	v10 =	vadd.s32 v5, v11;
	v9 =	vld [tilespmem:s8+$0x0]  }
0x75: {  	v11 =	vmov s12  }
0x76: {  	v11 =	vshrl.u32 v11, $0x3  }
0x77: {  	v11 =	vshll.u32 v11, v1  }
0x78: {  	v11 =	vbroadcast v11, $0x0  }
0x79: {  	[tilespmem:v10+s24+$0x0] =	vst.idx.msk $0xffff, v9  }
0x7a: {  	s12 =	sadd.s32 $0xFFFFFFFF, s9;
	v10 =	vadd.s32 v6, v11;
	v9 =	vld [tilespmem:s8+$0x10]  }
0x7b: {  	v11 =	vmov s12  }
0x7c: {  	v11 =	vshrl.u32 v11, $0x3  }
0x7d: {  	v11 =	vshll.u32 v11, v1  }
0x7e: {  	v11 =	vbroadcast v11, $0x0  }
0x7f: {  	[tilespmem:v10+s24+$0x0] =	vst.idx.msk $0xffff, v9  }
0x80: {  	v10 =	vadd.s32 v7, v11;
	v9 =	vld [tilespmem:s8+$0x20]  }
0x81: {  	v11 =	vmov s9;
	s9 =	smov.u32 s10  }
.Ltmp0:
0x82: {  	v11 =	vshrl.u32 v11, $0x3;
	(pc) =	sbr.rel @p0 .LBB2_2-.Ltmp0, $4  }
0x83: {  	v11 =	vshll.u32 v11, v1  }
0x84: {  	v11 =	vbroadcast v11, $0x0  }
0x85: {  	[tilespmem:v10+s24+$0x0] =	vst.idx.msk $0xffff, v9  }
0x86: {  	s10 =	sadd.s32 $0x8, s10;
	s12 =	sadd.s32 $0xFFFFFFF9, s9;
	v10 =	vadd.s32 v8, v11;
	v9 =	vld [tilespmem:s8+$0x30]  }
0x87: {  	v11 =	vmov s12  }
0x88: {  	v11 =	vshrl.u32 v11, $0x3  }
0x89: {  	v11 =	vshll.u32 v11, v1  }
0x8a: {  	v11 =	vbroadcast v11, $0x0  }
0x8b: {  	s8 =	sadd.s32 $0x80, s8;
	[tilespmem:v10+s24+$0x0] =	vst.idx.msk $0xffff, v9  }
0x8c: {  	s10 =	sadd.s32 $0xFFFFFFFA, s9;
	v9 =	vld [tilespmem:s8+$0xFFFFFFC0];
	v10 =	vadd.s32 v0, v11  }
0x8d: {  	v11 =	vmov s10  }
0x8e: {  	v11 =	vshrl.u32 v11, $0x3  }
0x8f: {  	v11 =	vshll.u32 v11, v1  }
0x90: {  	v11 =	vbroadcast v11, $0x0  }
0x91: {  	[tilespmem:v10+s24+$0x0] =	vst.idx.msk $0xffff, v9  }
0x92: {  	s22 =	sadd.s32 $0xFFFFFFFB, s9;
	v10 =	vadd.s32 v2, v11;
	v9 =	vld [tilespmem:s8+$0xFFFFFFD0]  }
0x93: {  	v11 =	vmov s22  }
0x94: {  	v11 =	vshrl.u32 v11, $0x3  }
0x95: {  	v11 =	vshll.u32 v11, v1  }
0x96: {  	v11 =	vbroadcast v11, $0x0  }
0x97: {  	[tilespmem:v10+s24+$0x0] =	vst.idx.msk $0xffff, v9  }
0x98: {  	s12 =	sadd.s32 $0xFFFFFFFC, s9;
	v10 =	vadd.s32 v3, v11;
	v9 =	vld [tilespmem:s8+$0xFFFFFFE0]  }
0x99: {  	v11 =	vmov s12  }
0x9a: {  	v11 =	vshrl.u32 v11, $0x3  }
0x9b: {  	v11 =	vshll.u32 v11, v1  }
0x9c: {  	v11 =	vbroadcast v11, $0x0  }
0x9d: {  	[tilespmem:v10+s24+$0x0] =	vst.idx.msk $0xffff, v9  }
0x9e: {  	s18 =	sadd.s32 $0xFFFFFFFD, s9;
	v10 =	vadd.s32 v4, v11;
	v9 =	vld [tilespmem:s8+$0xFFFFFFF0]  }
0x9f: {  	v11 =	vmov s18  }
0xa0: {  	v11 =	vshrl.u32 v11, $0x3  }
0xa1: {  	v11 =	vshll.u32 v11, v1  }
0xa2: {  	v11 =	vbroadcast v11, $0x0  }
0xa3: {  	[tilespmem:v10+s24+$0x0] =	vst.idx.msk $0xffff, v9  }
0xa4: {  	s19 =	sadd.s32 $0xFFFFFFFE, s9;
	v10 =	vadd.s32 v5, v11;
	v9 =	vld [tilespmem:s8+$0x0]  }
0xa5: {  	v11 =	vmov s19  }
0xa6: {  	v11 =	vshrl.u32 v11, $0x3  }
0xa7: {  	v11 =	vshll.u32 v11, v1  }
0xa8: {  	v11 =	vbroadcast v11, $0x0  }
0xa9: {  	[tilespmem:v10+s24+$0x0] =	vst.idx.msk $0xffff, v9  }
0xaa: {  	s20 =	sadd.s32 $0xFFFFFFFF, s9;
	v10 =	vadd.s32 v6, v11;
	v9 =	vld [tilespmem:s8+$0x10]  }
0xab: {  	v11 =	vmov s20  }
0xac: {  	v11 =	vshrl.u32 v11, $0x3  }
0xad: {  	v11 =	vshll.u32 v11, v1  }
0xae: {  	v11 =	vbroadcast v11, $0x0  }
0xaf: {  	[tilespmem:v10+s24+$0x0] =	vst.idx.msk $0xffff, v9  }
0xb0: {  	v10 =	vadd.s32 v7, v11;
	v9 =	vld [tilespmem:s8+$0x20]  }
0xb1: {  	v11 =	vmov s9  }
0xb2: {  	v11 =	vshrl.u32 v11, $0x3  }
0xb3: {  	v11 =	vshll.u32 v11, v1  }
0xb4: {  	v11 =	vbroadcast v11, $0x0  }
0xb5: {  	[tilespmem:v10+s24+$0x0] =	vst.idx.msk $0xffff, v9  }
0xb6: {  	v10 =	vadd.s32 v8, v11;
	v9 =	vld [tilespmem:s8+$0x30];
	_ =	sdelay $0x4  }
0xb7: {  	s10 =	rddreg [dreg:$0x7];
	s8 =	simm.s32 $0x0;
	[tilespmem:v10+s24+$0x0] =	vst.idx.msk $0xffff, v9  }
0xb8: {  	[hbm4b:s10+s8] =	stream.linear.scatter [tilespmem:s24], [sflag:$0x6], $0x400, $0x38;
	[tilespmem:$0x19900] =	vst v63  }
0xb9: {  	s21 =	sadd.s32 $0x800, s10;
	s22 =	simm.s32 $0x11C08  }
0xba: {  	[hbm4b:s21+s8] =	stream.linear.scatter [tilespmem:s22], [sflag:$0x6], $0x400, $0x38;
	[tilespmem:$0x19900] =	vst v63  }
0xbb: {  	s12 =	sadd.s32 $0x1000, s10;
	s18 =	simm.s32 $0x12010  }
0xbc: {  	[hbm4b:s12+s8] =	stream.linear.scatter [tilespmem:s18], [sflag:$0x6], $0x400, $0x38;
	[tilespmem:$0x19900] =	vst v63  }
0xbd: {  	s19 =	sadd.s32 $0x1800, s10;
	s20 =	simm.s32 $0x12418  }
0xbe: {  	[hbm4b:s19+s8] =	stream.linear.scatter [tilespmem:s20], [sflag:$0x6], $0x400, $0x38;
	[tilespmem:$0x19900] =	vst v63  }
0xbf: {  	s21 =	sadd.s32 $0x2000, s10;
	s22 =	simm.s32 $0x12820  }
0xc0: {  	[hbm4b:s21+s8] =	stream.linear.scatter [tilespmem:s22], [sflag:$0x6], $0x400, $0x38;
	[tilespmem:$0x19900] =	vst v63  }
0xc1: {  	s12 =	sadd.s32 $0x2800, s10;
	s18 =	simm.s32 $0x12C28  }
0xc2: {  	[hbm4b:s12+s8] =	stream.linear.scatter [tilespmem:s18], [sflag:$0x6], $0x400, $0x38;
	[tilespmem:$0x19900] =	vst v63  }
0xc3: {  	s19 =	sadd.s32 $0x3000, s10;
	s20 =	simm.s32 $0x13030  }
0xc4: {  	[hbm4b:s19+s8] =	stream.linear.scatter [tilespmem:s20], [sflag:$0x6], $0x400, $0x38;
	[tilespmem:$0x19900] =	vst v63  }
0xc5: {  	s21 =	sadd.s32 $0x3800, s10;
	s22 =	simm.s32 $0x13438  }
0xc6: {  	[hbm4b:s21+s8] =	stream.linear.scatter [tilespmem:s22], [sflag:$0x6], $0x400, $0x38;
	[tilespmem:$0x19900] =	vst v63  }
0xc7: {  	s12 =	sadd.s32 $0x4000, s10;
	s18 =	simm.s32 $0x13840  }
0xc8: {  	[hbm4b:s12+s8] =	stream.linear.scatter [tilespmem:s18], [sflag:$0x6], $0x400, $0x38;
	[tilespmem:$0x19900] =	vst v63  }
0xc9: {  	s19 =	sadd.s32 $0x4800, s10;
	s20 =	simm.s32 $0x13C48  }
0xca: {  	[hbm4b:s19+s8] =	stream.linear.scatter [tilespmem:s20], [sflag:$0x6], $0x400, $0x38;
	[tilespmem:$0x19900] =	vst v63  }
0xcb: {  	s21 =	sadd.s32 $0x5000, s10;
	s22 =	simm.s32 $0x14050  }
0xcc: {  	[hbm4b:s21+s8] =	stream.linear.scatter [tilespmem:s22], [sflag:$0x6], $0x400, $0x38;
	[tilespmem:$0x19900] =	vst v63  }
0xcd: {  	s12 =	sadd.s32 $0x5800, s10;
	s18 =	simm.s32 $0x14458  }
0xce: {  	[hbm4b:s12+s8] =	stream.linear.scatter [tilespmem:s18], [sflag:$0x6], $0x400, $0x38;
	[tilespmem:$0x19900] =	vst v63  }
0xcf: {  	s19 =	sadd.s32 $0x6000, s10;
	s20 =	simm.s32 $0x14860  }
0xd0: {  	[hbm4b:s19+s8] =	stream.linear.scatter [tilespmem:s20], [sflag:$0x6], $0x400, $0x38;
	[tilespmem:$0x19900] =	vst v63  }
0xd1: {  	s21 =	sadd.s32 $0x6800, s10;
	s22 =	simm.s32 $0x14C68  }
0xd2: {  	v9 =	vmov s8;
	[hbm4b:s21+s8] =	stream.linear.scatter [tilespmem:s22], [sflag:$0x6], $0x400, $0x38;
	[tilespmem:$0x19900] =	vst v63  }
0xd3: {  	v9 =	vshrl.u32 v9, $0x3;
	s18 =	sadd.s32 $0x7000, s10;
	s19 =	simm.s32 $0x15070  }
0xd4: {  	v9 =	vshll.u32 v9, $0x3;
	[hbm4b:s18+s8] =	stream.linear.scatter [tilespmem:s19], [sflag:$0x6], $0x400, $0x38;
	[tilespmem:$0x19900] =	vst v63  }
0xd5: {  	v10 =	vbroadcast v9, $0x0;
	s20 =	sadd.s32 $0x7800, s10;
	s21 =	simm.s32 $0x15478;
	s22 =	simm.s32 $0x0  }
0xd6: {  	[hbm4b:s20+s8] =	stream.linear.scatter [tilespmem:s21], [sflag:$0x6], $0x400, $0x38;
	[tilespmem:$0x19900] =	vst v63  }
0xd7: {  	v11 =	vadd.s32 v0, v10;
	v9 =	vld [tilespmem:s22+$0x5800];
	_ =	sdelay $0x4  }
0xd8: {  	[tilespmem:v11+s16+$0x0] =	vst.idx.msk $0xffff, v9  }
0xd9: {  	v11 =	vadd.s32 v2, v10;
	v9 =	vld [tilespmem:s22+$0x5810];
	_ =	sdelay $0x4  }
0xda: {  	[tilespmem:v11+s16+$0x0] =	vst.idx.msk $0xffff, v9  }
0xdb: {  	v11 =	vadd.s32 v3, v10;
	v9 =	vld [tilespmem:s22+$0x5820];
	_ =	sdelay $0x4  }
0xdc: {  	[tilespmem:v11+s16+$0x0] =	vst.idx.msk $0xffff, v9  }
0xdd: {  	v11 =	vadd.s32 v4, v10;
	v9 =	vld [tilespmem:s22+$0x5830];
	_ =	sdelay $0x4  }
0xde: {  	[tilespmem:v11+s16+$0x0] =	vst.idx.msk $0xffff, v9  }
0xdf: {  	v11 =	vadd.s32 v5, v10;
	v9 =	vld [tilespmem:s22+$0x5840];
	_ =	sdelay $0x4  }
0xe0: {  	[tilespmem:v11+s16+$0x0] =	vst.idx.msk $0xffff, v9  }
0xe1: {  	v11 =	vadd.s32 v6, v10;
	v9 =	vld [tilespmem:s22+$0x5850];
	_ =	sdelay $0x4  }
0xe2: {  	[tilespmem:v11+s16+$0x0] =	vst.idx.msk $0xffff, v9  }
0xe3: {  	v11 =	vadd.s32 v7, v10;
	v9 =	vld [tilespmem:s22+$0x5860];
	_ =	sdelay $0x4  }
0xe4: {  	[tilespmem:v11+s16+$0x0] =	vst.idx.msk $0xffff, v9  }
0xe5: {  	s9 =	simm.s32 $0x8;
	v10 =	vadd.s32 v8, v10;
	v9 =	vld [tilespmem:s22+$0x5870]  }
0xe6: {  	s10 =	simm.s32 $0x400;
	s8 =	simm.s32 $0x200;
	v11 =	vmov s9  }
.LBB2_4:
0xe7: {  	p0 =	sne.s32 s10, $0xFE00;
	v11 =	vshrl.u32 v11, $0x3  }
0xe8: {  	v11 =	vshll.u32 v11, $0x3  }
0xe9: {  	v11 =	vbroadcast v11, $0x0  }
0xea: {  	s12 =	sshra.s32 s8, $0x2;
	s8 =	smov.u32 s10;
	[tilespmem:v10+s16+$0x0] =	vst.idx.msk $0xffff, v9  }
0xeb: {  	v9 =	vld [tilespmem:s12+$0x5800];
	v10 =	vadd.s32 v0, v11;
	_ =	sdelay $0x4  }
0xec: {  	[tilespmem:v10+s16+$0x0] =	vst.idx.msk $0xffff, v9  }
0xed: {  	v10 =	vadd.s32 v2, v11;
	v9 =	vld [tilespmem:s12+$0x5810];
	_ =	sdelay $0x4  }
0xee: {  	[tilespmem:v10+s16+$0x0] =	vst.idx.msk $0xffff, v9  }
0xef: {  	v10 =	vadd.s32 v3, v11;
	v9 =	vld [tilespmem:s12+$0x5820];
	_ =	sdelay $0x4  }
0xf0: {  	[tilespmem:v10+s16+$0x0] =	vst.idx.msk $0xffff, v9  }
0xf1: {  	v10 =	vadd.s32 v4, v11;
	v9 =	vld [tilespmem:s12+$0x5830];
	_ =	sdelay $0x4  }
0xf2: {  	[tilespmem:v10+s16+$0x0] =	vst.idx.msk $0xffff, v9  }
0xf3: {  	v10 =	vadd.s32 v5, v11;
	v9 =	vld [tilespmem:s12+$0x5840];
	_ =	sdelay $0x4  }
0xf4: {  	[tilespmem:v10+s16+$0x0] =	vst.idx.msk $0xffff, v9  }
0xf5: {  	v10 =	vadd.s32 v6, v11;
	v9 =	vld [tilespmem:s12+$0x5850];
	_ =	sdelay $0x4  }
0xf6: {  	[tilespmem:v10+s16+$0x0] =	vst.idx.msk $0xffff, v9  }
0xf7: {  	v10 =	vadd.s32 v7, v11;
	v9 =	vld [tilespmem:s12+$0x5860];
	_ =	sdelay $0x2  }
.Ltmp1:
0xf8: {  	(pc) =	sbr.rel @p0 .LBB2_4-.Ltmp1, $4  }
0xf9: {  	_ = 	snop  }
0xfa: {  	[tilespmem:v10+s16+$0x0] =	vst.idx.msk $0xffff, v9  }
0xfb: {  	s9 =	sadd.s32 $0x8, s9;
	v10 =	vadd.s32 v8, v11;
	v9 =	vld [tilespmem:s12+$0x5870]  }
0xfc: {  	s10 =	sadd.s32 $0x200, s10;
	v11 =	vmov s9  }
0xfd: {  	_ = 	snop  }
0xfe: {  	v11 =	vshrl.u32 v11, $0x3  }
0xff: {  	v11 =	vshll.u32 v11, $0x3  }
0x100: {  	v11 =	vbroadcast v11, $0x0  }
0x101: {  	s8 =	sshra.s32 s8, $0x2;
	[tilespmem:v10+s16+$0x0] =	vst.idx.msk $0xffff, v9  }
0x102: {  	v9 =	vld [tilespmem:s8+$0x5800];
	v10 =	vadd.s32 v0, v11;
	_ =	sdelay $0x4  }
0x103: {  	[tilespmem:v10+s16+$0x0] =	vst.idx.msk $0xffff, v9  }
0x104: {  	v10 =	vadd.s32 v2, v11;
	v9 =	vld [tilespmem:s8+$0x5810];
	_ =	sdelay $0x4  }
0x105: {  	[tilespmem:v10+s16+$0x0] =	vst.idx.msk $0xffff, v9  }
0x106: {  	v10 =	vadd.s32 v3, v11;
	v9 =	vld [tilespmem:s8+$0x5820];
	_ =	sdelay $0x4  }
0x107: {  	[tilespmem:v10+s16+$0x0] =	vst.idx.msk $0xffff, v9  }
0x108: {  	v10 =	vadd.s32 v4, v11;
	v9 =	vld [tilespmem:s8+$0x5830];
	_ =	sdelay $0x4  }
0x109: {  	[tilespmem:v10+s16+$0x0] =	vst.idx.msk $0xffff, v9  }
0x10a: {  	v10 =	vadd.s32 v5, v11;
	v9 =	vld [tilespmem:s8+$0x5840];
	_ =	sdelay $0x4  }
0x10b: {  	[tilespmem:v10+s16+$0x0] =	vst.idx.msk $0xffff, v9  }
0x10c: {  	v10 =	vadd.s32 v6, v11;
	v9 =	vld [tilespmem:s8+$0x5850];
	_ =	sdelay $0x4  }
0x10d: {  	[tilespmem:v10+s16+$0x0] =	vst.idx.msk $0xffff, v9  }
0x10e: {  	v10 =	vadd.s32 v7, v11;
	v9 =	vld [tilespmem:s8+$0x5860];
	_ =	sdelay $0x4  }
0x10f: {  	[tilespmem:v10+s16+$0x0] =	vst.idx.msk $0xffff, v9  }
0x110: {  	v10 =	vadd.s32 v8, v11;
	v9 =	vld [tilespmem:s8+$0x5870];
	_ =	sdelay $0x4  }
0x111: {  	s9 =	rddreg [dreg:$0x9];
	[tilespmem:v10+s16+$0x0] =	vst.idx.msk $0xffff, v9  }
0x112: {  	[hbm4b:s9+s4] =	stream.linear.scatter [tilespmem:s16], [sflag:$0x7], $0x400, $0x38;
	[tilespmem:$0x19900] =	vst v63  }
0x113: {  	s10 =	simm.s32 $0x15C88;
	s20 =	sadd.s32 $0x800, s9  }
0x114: {  	[hbm4b:s20+s4] =	stream.linear.scatter [tilespmem:s10], [sflag:$0x7], $0x400, $0x38;
	[tilespmem:$0x19900] =	vst v63  }
0x115: {  	s22 =	simm.s32 $0x16090;
	s21 =	sadd.s32 $0x1000, s9  }
0x116: {  	[hbm4b:s21+s4] =	stream.linear.scatter [tilespmem:s22], [sflag:$0x7], $0x400, $0x38;
	[tilespmem:$0x19900] =	vst v63  }
0x117: {  	s12 =	sadd.s32 $0x1800, s9  }
0x118: {  	[hbm4b:s12+s4] =	stream.linear.scatter [tilespmem:s23], [sflag:$0x7], $0x400, $0x38;
	[tilespmem:$0x19900] =	vst v63  }
0x119: {  	s18 =	sadd.s32 $0x2000, s9  }
0x11a: {  	[hbm4b:s18+s4] =	stream.linear.scatter [tilespmem:s1], [sflag:$0x7], $0x400, $0x38;
	[tilespmem:$0x19900] =	vst v63  }
0x11b: {  	s19 =	sadd.s32 $0x2800, s9  }
0x11c: {  	[hbm4b:s19+s4] =	stream.linear.scatter [tilespmem:s13], [sflag:$0x7], $0x400, $0x38;
	[tilespmem:$0x19900] =	vst v63  }
0x11d: {  	s20 =	sadd.s32 $0x3000, s9  }
0x11e: {  	[hbm4b:s20+s4] =	stream.linear.scatter [tilespmem:s11], [sflag:$0x7], $0x400, $0x38;
	[tilespmem:$0x19900] =	vst v63  }
0x11f: {  	s21 =	sadd.s32 $0x3800, s9  }
0x120: {  	[hbm4b:s21+s4] =	stream.linear.scatter [tilespmem:s14], [sflag:$0x7], $0x400, $0x38;
	[tilespmem:$0x19900] =	vst v63  }
0x121: {  	s22 =	sadd.s32 $0x4000, s9  }
0x122: {  	[hbm4b:s22+s4] =	stream.linear.scatter [tilespmem:s15], [sflag:$0x7], $0x400, $0x38;
	[tilespmem:$0x19900] =	vst v63  }
0x123: {  	s10 =	sadd.s32 $0x4800, s9  }
0x124: {  	[hbm4b:s10+s4] =	stream.linear.scatter [tilespmem:s3], [sflag:$0x7], $0x400, $0x38;
	[tilespmem:$0x19900] =	vst v63  }
0x125: {  	s12 =	sadd.s32 $0x5000, s9  }
0x126: {  	[hbm4b:s12+s4] =	stream.linear.scatter [tilespmem:s25], [sflag:$0x7], $0x400, $0x38;
	[tilespmem:$0x19900] =	vst v63  }
0x127: {  	s18 =	sadd.s32 $0x5800, s9  }
0x128: {  	[hbm4b:s18+s4] =	stream.linear.scatter [tilespmem:s26], [sflag:$0x7], $0x400, $0x38;
	[tilespmem:$0x19900] =	vst v63  }
0x129: {  	s19 =	sadd.s32 $0x6000, s9  }
0x12a: {  	[hbm4b:s19+s4] =	stream.linear.scatter [tilespmem:s28], [sflag:$0x7], $0x400, $0x38;
	[tilespmem:$0x19900] =	vst v63  }
0x12b: {  	s20 =	sadd.s32 $0x6800, s9  }
0x12c: {  	[hbm4b:s20+s4] =	stream.linear.scatter [tilespmem:s29], [sflag:$0x7], $0x400, $0x38;
	[tilespmem:$0x19900] =	vst v63  }
0x12d: {  	s21 =	sadd.s32 $0x7000, s9  }
0x12e: {  	[hbm4b:s21+s4] =	stream.linear.scatter [tilespmem:s30], [sflag:$0x7], $0x400, $0x38;
	[tilespmem:$0x19900] =	vst v63  }
0x12f: {  	p0 =	por $0x1, $0x1;
	s22 =	sadd.s32 $0x7800, s9;
	s18 =	simm.s32 $0x2  }
0x130: {  	[hbm4b:s22+s4] =	stream.linear.scatter [tilespmem:s31], [sflag:$0x7], $0x400, $0x38;
	[tilespmem:$0x19900] =	vst v63  }
.LBB2_6:
0x131: {  	s8 =	smul.u32 $0xAB, s18;
	_ =	sdelay $0x1  }
0x132: {  	s8 =	sshrl.u32 s8, $0x9  }
0x133: {  	s8 =	sand.u32 $0x7F, s8  }
0x134: {  	s8 =	smul.u32 $0x3, s8;
	_ =	sdelay $0x1  }
0x135: {  	s8 =	ssub.s32 s18, s8  }
0x136: {  	s8 =	sand.u32 $0xFF, s8  }
0x137: {  	s9 =	sadd.s32 $0x1, s8  }
0x138: {  	_ =	swait.ge [sflag:s9], $0x800  }
0x139: {  	s10 =	sand.u32 $0x1, s18;
	p1 =	sgt.u32 s18, $0x2F;
	[sflag:s9] =	ssyncset.done $0x0  }
0x13a: {  	s12 =	sshll.u32 s10, $0xF;
	s10 =	sor.u32 $0x4, s10;
	[sflag:s9] =	ssyncadd.s32 $0xFFFFF800  }
0x13b: {  	s19 =	sor.u32 $0x1800, s12;
	s8 =	sshll.u32 s8, $0xB;
	s20 =	rddreg [dreg:$0x1]  }
0x13c: {  	[tilespmem:s19], [sflag:s10] =	stream.indirect.gather [hbm4b:s20+s17], $0x10, s8, s17, $0xb8;
	[tilespmem:$0x19900] =	vst v63  }
0x13d: {  	s8 =	sadd.s32 @!p1 $0x2, s18  }
0x13e: {  	s9 =	smul.u32 @!p1 $0xAB, s8  }
0x13f: {  	s22 =	sadd.s32 $0xFFFFFFFF, s18;
	s21 =	sshll.u32 @!p1 s18, $0xB  }
0x140: {  	s21 =	sand.u32 @!p1 $0x800, s21;
	s20 =	sand.u32 $0x1, s22;
	s9 =	sshrl.u32 @!p1 s9, $0x9  }
0x141: {  	s12 =	sor.u32 $0x4, s20;
	s19 =	sshrl.u32 @!p1 s8, $0x1;
	s9 =	sand.u32 @!p1 $0x7F, s9  }
0x142: {  	s19 =	sadd.s32 @!p1 s7, s19;
	_ =	swait.ge [sflag:s12], $0x8000;
	s9 =	smul.u32 @!p1 $0x3, s9  }
0x143: {  	s10 =	simm.s32 $0x1;
	s19 =	sshll.u32 @!p1 s19, $0xE;
	[sflag:s12] =	ssyncset.done $0x0  }
0x144: {  	[sflag:s12] =	ssyncadd.s32 $0xFFFF8000;
	s8 =	ssub.s32 @!p1 s8, s9;
	s9 =	sor.u32 @!p1 s21, s19  }
0x145: {  	s19 =	simm.s32 $0x0;
	s8 =	sand.u32 @!p1 $0xFF, s8;
	s9 =	sor.u32 @!p1 s6, s9  }
0x146: {  	s21 =	rddreg [dreg:$0x0];
	s12 =	sshll.u32 @!p1 s8, $0xB;
	s9 =	sshrl.u32 @!p1 s9, $0x3  }
0x147: {  	v9 =	vmov s19;
	s8 =	sadd.s32 @!p1 $0x1, s8;
	s9 =	sadd.s32 @!p1 s21, s9;
	s21 =	simm.s32 @!p1 $0x0  }
0x148: {  	v9 =	vshrl.u32 v9, $0x3;
	[tilespmem:s12], [sflag:s8] =	stream.linear.gather @!p1 [hbm4b:s9+s21], $0x800, $0x38;
	[tilespmem:$0x19900] =	vst v63  }
0x149: {  	s10 =	simm.s32 @!p0 $0x0;
	v9 =	vshll.u32 v9, v1;
	_ =	swait.ge [sflag:s0], $0x4000  }
0x14a: {  	s8 =	sshll.u32 s10, $0xF;
	v9 =	vbroadcast v9, $0x0;
	[sflag:s0] =	ssyncset.done $0x0  }
0x14b: {  	s9 =	sor.u32 $0x1840, s8;
	[sflag:s0] =	ssyncadd.s32 $0xFFFFC000  }
0x14c: {  	s21 =	simm.s32 $0x1;
	v9 =	vadd.s32 v0, v9;
	v10 =	vld [tilespmem:s9+$0xFFFFFFC0]  }
0x14d: {  	v11 =	vmov s21  }
0x14e: {  	v11 =	vshrl.u32 v11, $0x3  }
0x14f: {  	v11 =	vshll.u32 v11, v1  }
0x150: {  	v11 =	vbroadcast v11, $0x0  }
0x151: {  	[tilespmem:v9+s24+$0x0] =	vst.idx.msk $0xffff, v10  }
0x152: {  	s12 =	simm.s32 $0x2;
	v10 =	vadd.s32 v2, v11;
	v9 =	vld [tilespmem:s9+$0xFFFFFFD0]  }
0x153: {  	v11 =	vmov s12  }
0x154: {  	v11 =	vshrl.u32 v11, $0x3  }
0x155: {  	v11 =	vshll.u32 v11, v1  }
0x156: {  	v11 =	vbroadcast v11, $0x0  }
0x157: {  	[tilespmem:v10+s24+$0x0] =	vst.idx.msk $0xffff, v9  }
0x158: {  	s19 =	simm.s32 $0x3;
	v10 =	vadd.s32 v3, v11;
	v9 =	vld [tilespmem:s9+$0xFFFFFFE0]  }
0x159: {  	v11 =	vmov s19  }
0x15a: {  	v11 =	vshrl.u32 v11, $0x3  }
0x15b: {  	v11 =	vshll.u32 v11, v1  }
0x15c: {  	v11 =	vbroadcast v11, $0x0  }
0x15d: {  	[tilespmem:v10+s24+$0x0] =	vst.idx.msk $0xffff, v9  }
0x15e: {  	s21 =	simm.s32 $0x4;
	v10 =	vadd.s32 v4, v11;
	v9 =	vld [tilespmem:s9+$0xFFFFFFF0]  }
0x15f: {  	v11 =	vmov s21  }
0x160: {  	v11 =	vshrl.u32 v11, $0x3  }
0x161: {  	v11 =	vshll.u32 v11, v1  }
0x162: {  	v11 =	vbroadcast v11, $0x0  }
0x163: {  	[tilespmem:v10+s24+$0x0] =	vst.idx.msk $0xffff, v9  }
0x164: {  	s12 =	simm.s32 $0x5;
	v10 =	vadd.s32 v5, v11;
	v9 =	vld [tilespmem:s9+$0x0]  }
0x165: {  	v11 =	vmov s12  }
0x166: {  	v11 =	vshrl.u32 v11, $0x3  }
0x167: {  	v11 =	vshll.u32 v11, v1  }
0x168: {  	v11 =	vbroadcast v11, $0x0  }
0x169: {  	[tilespmem:v10+s24+$0x0] =	vst.idx.msk $0xffff, v9  }
0x16a: {  	s19 =	simm.s32 $0x6;
	v10 =	vadd.s32 v6, v11;
	v9 =	vld [tilespmem:s9+$0x10]  }
0x16b: {  	v11 =	vmov s19  }
0x16c: {  	v11 =	vshrl.u32 v11, $0x3  }
0x16d: {  	v11 =	vshll.u32 v11, v1  }
0x16e: {  	v11 =	vbroadcast v11, $0x0  }
0x16f: {  	[tilespmem:v10+s24+$0x0] =	vst.idx.msk $0xffff, v9  }
0x170: {  	s21 =	simm.s32 $0x7;
	v10 =	vadd.s32 v7, v11;
	v9 =	vld [tilespmem:s9+$0x20]  }
0x171: {  	v11 =	vmov s21  }
0x172: {  	v11 =	vshrl.u32 v11, $0x3  }
0x173: {  	v11 =	vshll.u32 v11, v1  }
0x174: {  	v11 =	vbroadcast v11, $0x0  }
0x175: {  	s10 =	simm.s32 $0xF;
	[tilespmem:v10+s24+$0x0] =	vst.idx.msk $0xffff, v9  }
0x176: {  	s8 =	sor.u32 $0x1800, s8;
	s12 =	simm.s32 $0x17;
	s19 =	simm.s32 $0x8;
	v10 =	vadd.s32 v8, v11;
	v9 =	vld [tilespmem:s9+$0x30]  }
.LBB2_7:
0x177: {  	p1 =	sne.s32 s12, $0x3FF;
	v11 =	vmov s19  }
0x178: {  	v11 =	vshrl.u32 v11, $0x3  }
0x179: {  	v11 =	vshll.u32 v11, v1  }
0x17a: {  	v11 =	vbroadcast v11, $0x0  }
0x17b: {  	s9 =	sadd.s32 $0x80, s9;
	[tilespmem:v10+s24+$0x0] =	vst.idx.msk $0xffff, v9  }
0x17c: {  	s19 =	sadd.s32 $0xFFFFFFFA, s10;
	v9 =	vld [tilespmem:s9+$0xFFFFFFC0];
	v10 =	vadd.s32 v0, v11  }
0x17d: {  	v11 =	vmov s19  }
0x17e: {  	v11 =	vshrl.u32 v11, $0x3  }
0x17f: {  	v11 =	vshll.u32 v11, v1  }
0x180: {  	v11 =	vbroadcast v11, $0x0  }
0x181: {  	[tilespmem:v10+s24+$0x0] =	vst.idx.msk $0xffff, v9  }
0x182: {  	s19 =	sadd.s32 $0xFFFFFFFB, s10;
	v10 =	vadd.s32 v2, v11;
	v9 =	vld [tilespmem:s9+$0xFFFFFFD0]  }
0x183: {  	v11 =	vmov s19  }
0x184: {  	v11 =	vshrl.u32 v11, $0x3  }
0x185: {  	v11 =	vshll.u32 v11, v1  }
0x186: {  	v11 =	vbroadcast v11, $0x0  }
0x187: {  	[tilespmem:v10+s24+$0x0] =	vst.idx.msk $0xffff, v9  }
0x188: {  	s19 =	sadd.s32 $0xFFFFFFFC, s10;
	v10 =	vadd.s32 v3, v11;
	v9 =	vld [tilespmem:s9+$0xFFFFFFE0]  }
0x189: {  	v11 =	vmov s19  }
0x18a: {  	v11 =	vshrl.u32 v11, $0x3  }
0x18b: {  	v11 =	vshll.u32 v11, v1  }
0x18c: {  	v11 =	vbroadcast v11, $0x0  }
0x18d: {  	[tilespmem:v10+s24+$0x0] =	vst.idx.msk $0xffff, v9  }
0x18e: {  	s19 =	sadd.s32 $0xFFFFFFFD, s10;
	v10 =	vadd.s32 v4, v11;
	v9 =	vld [tilespmem:s9+$0xFFFFFFF0]  }
0x18f: {  	v11 =	vmov s19  }
0x190: {  	v11 =	vshrl.u32 v11, $0x3  }
0x191: {  	v11 =	vshll.u32 v11, v1  }
0x192: {  	v11 =	vbroadcast v11, $0x0  }
0x193: {  	[tilespmem:v10+s24+$0x0] =	vst.idx.msk $0xffff, v9  }
0x194: {  	s19 =	sadd.s32 $0xFFFFFFFE, s10;
	v10 =	vadd.s32 v5, v11;
	v9 =	vld [tilespmem:s9+$0x0]  }
0x195: {  	v11 =	vmov s19  }
0x196: {  	v11 =	vshrl.u32 v11, $0x3  }
0x197: {  	v11 =	vshll.u32 v11, v1  }
0x198: {  	v11 =	vbroadcast v11, $0x0  }
0x199: {  	[tilespmem:v10+s24+$0x0] =	vst.idx.msk $0xffff, v9  }
0x19a: {  	s19 =	sadd.s32 $0xFFFFFFFF, s10;
	v10 =	vadd.s32 v6, v11;
	v9 =	vld [tilespmem:s9+$0x10]  }
0x19b: {  	v11 =	vmov s19  }
0x19c: {  	v11 =	vshrl.u32 v11, $0x3  }
0x19d: {  	v11 =	vshll.u32 v11, v1  }
0x19e: {  	v11 =	vbroadcast v11, $0x0  }
0x19f: {  	[tilespmem:v10+s24+$0x0] =	vst.idx.msk $0xffff, v9  }
0x1a0: {  	v10 =	vadd.s32 v7, v11;
	v9 =	vld [tilespmem:s9+$0x20]  }
0x1a1: {  	v11 =	vmov s10;
	s10 =	smov.u32 s12  }
.Ltmp2:
0x1a2: {  	v11 =	vshrl.u32 v11, $0x3;
	(pc) =	sbr.rel @p1 .LBB2_7-.Ltmp2, $4  }
0x1a3: {  	v11 =	vshll.u32 v11, v1  }
0x1a4: {  	v11 =	vbroadcast v11, $0x0  }
0x1a5: {  	[tilespmem:v10+s24+$0x0] =	vst.idx.msk $0xffff, v9  }
0x1a6: {  	s12 =	sadd.s32 $0x8, s12;
	s19 =	sadd.s32 $0xFFFFFFF9, s10;
	v10 =	vadd.s32 v8, v11;
	v9 =	vld [tilespmem:s9+$0x30]  }
0x1a7: {  	v11 =	vmov s19  }
0x1a8: {  	v11 =	vshrl.u32 v11, $0x3  }
0x1a9: {  	v11 =	vshll.u32 v11, v1  }
0x1aa: {  	v11 =	vbroadcast v11, $0x0  }
0x1ab: {  	s9 =	sadd.s32 $0x80, s9;
	[tilespmem:v10+s24+$0x0] =	vst.idx.msk $0xffff, v9  }
0x1ac: {  	s12 =	sadd.s32 $0xFFFFFFFA, s10;
	v9 =	vld [tilespmem:s9+$0xFFFFFFC0];
	v10 =	vadd.s32 v0, v11  }
0x1ad: {  	v11 =	vmov s12  }
0x1ae: {  	v11 =	vshrl.u32 v11, $0x3  }
0x1af: {  	v11 =	vshll.u32 v11, v1  }
0x1b0: {  	v11 =	vbroadcast v11, $0x0  }
0x1b1: {  	[tilespmem:v10+s24+$0x0] =	vst.idx.msk $0xffff, v9  }
0x1b2: {  	s21 =	sadd.s32 $0xFFFFFFFB, s10;
	v10 =	vadd.s32 v2, v11;
	v9 =	vld [tilespmem:s9+$0xFFFFFFD0]  }
0x1b3: {  	v11 =	vmov s21  }
0x1b4: {  	v11 =	vshrl.u32 v11, $0x3  }
0x1b5: {  	v11 =	vshll.u32 v11, v1  }
0x1b6: {  	v11 =	vbroadcast v11, $0x0  }
0x1b7: {  	[tilespmem:v10+s24+$0x0] =	vst.idx.msk $0xffff, v9  }
0x1b8: {  	s19 =	sadd.s32 $0xFFFFFFFC, s10;
	v10 =	vadd.s32 v3, v11;
	v9 =	vld [tilespmem:s9+$0xFFFFFFE0]  }
0x1b9: {  	v11 =	vmov s19  }
0x1ba: {  	v11 =	vshrl.u32 v11, $0x3  }
0x1bb: {  	v11 =	vshll.u32 v11, v1  }
0x1bc: {  	v11 =	vbroadcast v11, $0x0  }
0x1bd: {  	[tilespmem:v10+s24+$0x0] =	vst.idx.msk $0xffff, v9  }
0x1be: {  	s21 =	sadd.s32 $0xFFFFFFFD, s10;
	v10 =	vadd.s32 v4, v11;
	v9 =	vld [tilespmem:s9+$0xFFFFFFF0]  }
0x1bf: {  	v11 =	vmov s21  }
0x1c0: {  	v11 =	vshrl.u32 v11, $0x3  }
0x1c1: {  	v11 =	vshll.u32 v11, v1  }
0x1c2: {  	v11 =	vbroadcast v11, $0x0  }
0x1c3: {  	[tilespmem:v10+s24+$0x0] =	vst.idx.msk $0xffff, v9  }
0x1c4: {  	s19 =	sadd.s32 $0xFFFFFFFE, s10;
	v10 =	vadd.s32 v5, v11;
	v9 =	vld [tilespmem:s9+$0x0]  }
0x1c5: {  	v11 =	vmov s19  }
0x1c6: {  	v11 =	vshrl.u32 v11, $0x3  }
0x1c7: {  	v11 =	vshll.u32 v11, v1  }
0x1c8: {  	v11 =	vbroadcast v11, $0x0  }
0x1c9: {  	[tilespmem:v10+s24+$0x0] =	vst.idx.msk $0xffff, v9  }
0x1ca: {  	s21 =	sadd.s32 $0xFFFFFFFF, s10;
	v10 =	vadd.s32 v6, v11;
	v9 =	vld [tilespmem:s9+$0x10]  }
0x1cb: {  	v11 =	vmov s21  }
0x1cc: {  	v11 =	vshrl.u32 v11, $0x3  }
0x1cd: {  	v11 =	vshll.u32 v11, v1  }
0x1ce: {  	v11 =	vbroadcast v11, $0x0  }
0x1cf: {  	[tilespmem:v10+s24+$0x0] =	vst.idx.msk $0xffff, v9  }
0x1d0: {  	v10 =	vadd.s32 v7, v11;
	v9 =	vld [tilespmem:s9+$0x20]  }
0x1d1: {  	v11 =	vmov s10  }
0x1d2: {  	v11 =	vshrl.u32 v11, $0x3  }
0x1d3: {  	v11 =	vshll.u32 v11, v1  }
0x1d4: {  	v11 =	vbroadcast v11, $0x0  }
0x1d5: {  	s12 =	sshrl.u32 s22, $0x1;
	[tilespmem:v10+s24+$0x0] =	vst.idx.msk $0xffff, v9  }
0x1d6: {  	s19 =	sadd.s32 s7, s12;
	v10 =	vadd.s32 v8, v11;
	v9 =	vld [tilespmem:s9+$0x30]  }
0x1d7: {  	s20 =	sshll.u32 s20, $0xB;
	s9 =	sshll.u32 s19, $0x12  }
0x1d8: {  	s9 =	sor.u32 s9, s20  }
0x1d9: {  	s9 =	sor.u32 s6, s9  }
0x1da: {  	s20 =	sshrl.u32 s9, $0x3  }
0x1db: {  	s10 =	simm.s32 $0x0;
	s9 =	sadd.s32 s5, s20;
	[tilespmem:v10+s24+$0x0] =	vst.idx.msk $0xffff, v9  }
0x1dc: {  	[hbm4b:s9+s10] =	stream.linear.scatter [tilespmem:s24], [sflag:$0x6], $0x400, $0x38;
	[tilespmem:$0x19900] =	vst v63  }
0x1dd: {  	s22 =	simm.s32 $0x11C08;
	s21 =	sadd.s32 $0x800, s9  }
0x1de: {  	[hbm4b:s21+s10] =	stream.linear.scatter [tilespmem:s22], [sflag:$0x6], $0x400, $0x38;
	[tilespmem:$0x19900] =	vst v63  }
0x1df: {  	s21 =	sadd.s32 $0x1000, s9;
	s22 =	simm.s32 $0x12010  }
0x1e0: {  	[hbm4b:s21+s10] =	stream.linear.scatter [tilespmem:s22], [sflag:$0x6], $0x400, $0x38;
	[tilespmem:$0x19900] =	vst v63  }
0x1e1: {  	s21 =	sadd.s32 $0x1800, s9;
	s22 =	simm.s32 $0x12418  }
0x1e2: {  	[hbm4b:s21+s10] =	stream.linear.scatter [tilespmem:s22], [sflag:$0x6], $0x400, $0x38;
	[tilespmem:$0x19900] =	vst v63  }
0x1e3: {  	s21 =	sadd.s32 $0x2000, s9;
	s22 =	simm.s32 $0x12820  }
0x1e4: {  	[hbm4b:s21+s10] =	stream.linear.scatter [tilespmem:s22], [sflag:$0x6], $0x400, $0x38;
	[tilespmem:$0x19900] =	vst v63  }
0x1e5: {  	s21 =	sadd.s32 $0x2800, s9;
	s22 =	simm.s32 $0x12C28  }
0x1e6: {  	[hbm4b:s21+s10] =	stream.linear.scatter [tilespmem:s22], [sflag:$0x6], $0x400, $0x38;
	[tilespmem:$0x19900] =	vst v63  }
0x1e7: {  	s21 =	sadd.s32 $0x3000, s9;
	s22 =	simm.s32 $0x13030  }
0x1e8: {  	[hbm4b:s21+s10] =	stream.linear.scatter [tilespmem:s22], [sflag:$0x6], $0x400, $0x38;
	[tilespmem:$0x19900] =	vst v63  }
0x1e9: {  	s21 =	sadd.s32 $0x3800, s9;
	s22 =	simm.s32 $0x13438  }
0x1ea: {  	[hbm4b:s21+s10] =	stream.linear.scatter [tilespmem:s22], [sflag:$0x6], $0x400, $0x38;
	[tilespmem:$0x19900] =	vst v63  }
0x1eb: {  	s21 =	sadd.s32 $0x4000, s9;
	s22 =	simm.s32 $0x13840  }
0x1ec: {  	[hbm4b:s21+s10] =	stream.linear.scatter [tilespmem:s22], [sflag:$0x6], $0x400, $0x38;
	[tilespmem:$0x19900] =	vst v63  }
0x1ed: {  	s21 =	sadd.s32 $0x4800, s9;
	s22 =	simm.s32 $0x13C48  }
0x1ee: {  	[hbm4b:s21+s10] =	stream.linear.scatter [tilespmem:s22], [sflag:$0x6], $0x400, $0x38;
	[tilespmem:$0x19900] =	vst v63  }
0x1ef: {  	s21 =	sadd.s32 $0x5000, s9;
	s22 =	simm.s32 $0x14050  }
0x1f0: {  	[hbm4b:s21+s10] =	stream.linear.scatter [tilespmem:s22], [sflag:$0x6], $0x400, $0x38;
	[tilespmem:$0x19900] =	vst v63  }
0x1f1: {  	s21 =	sadd.s32 $0x5800, s9;
	s22 =	simm.s32 $0x14458  }
0x1f2: {  	[hbm4b:s21+s10] =	stream.linear.scatter [tilespmem:s22], [sflag:$0x6], $0x400, $0x38;
	[tilespmem:$0x19900] =	vst v63  }
0x1f3: {  	s21 =	sadd.s32 $0x6000, s9;
	s22 =	simm.s32 $0x14860  }
0x1f4: {  	[hbm4b:s21+s10] =	stream.linear.scatter [tilespmem:s22], [sflag:$0x6], $0x400, $0x38;
	[tilespmem:$0x19900] =	vst v63  }
0x1f5: {  	s21 =	sadd.s32 $0x6800, s9;
	s22 =	simm.s32 $0x14C68  }
0x1f6: {  	[hbm4b:s21+s10] =	stream.linear.scatter [tilespmem:s22], [sflag:$0x6], $0x400, $0x38;
	[tilespmem:$0x19900] =	vst v63  }
0x1f7: {  	s21 =	sadd.s32 $0x7000, s9;
	s22 =	simm.s32 $0x15070  }
0x1f8: {  	[hbm4b:s21+s10] =	stream.linear.scatter [tilespmem:s22], [sflag:$0x6], $0x400, $0x38;
	[tilespmem:$0x19900] =	vst v63  }
0x1f9: {  	v9 =	vmov s8;
	v10 =	vmov s10;
	s9 =	sadd.s32 $0x7800, s9;
	s21 =	simm.s32 $0x15478  }
0x1fa: {  	v10 =	vshrl.u32 v10, $0x3;
	[hbm4b:s9+s10] =	stream.linear.scatter [tilespmem:s21], [sflag:$0x6], $0x400, $0x38;
	[tilespmem:$0x19900] =	vst v63  }
0x1fb: {  	v10 =	vshll.u32 v10, $0x3;
	_ =	swait.ge [sflag:s2], $0x4000  }
0x1fc: {  	v11 =	vbroadcast v10, $0x0;
	[sflag:s2] =	ssyncset.done $0x0  }
0x1fd: {  	s22 =	simm.s32 $0x0;
	[sflag:s2] =	ssyncadd.s32 $0xFFFFC000  }
0x1fe: {  	v12 =	vadd.s32 v0, v11;
	v10 =	vld.idx.msk [tilespmem:v9+s22+$0x4000 ss:$0x1], $0xffff;
	_ =	sdelay $0x4  }
0x1ff: {  	[tilespmem:v12+s16+$0x0] =	vst.idx.msk $0xffff, v10  }
0x200: {  	v12 =	vadd.s32 v2, v11;
	v10 =	vld.idx.msk [tilespmem:v9+s22+$0x4010 ss:$0x1], $0xffff;
	_ =	sdelay $0x4  }
0x201: {  	[tilespmem:v12+s16+$0x0] =	vst.idx.msk $0xffff, v10  }
0x202: {  	v12 =	vadd.s32 v3, v11;
	v10 =	vld.idx.msk [tilespmem:v9+s22+$0x4020 ss:$0x1], $0xffff;
	_ =	sdelay $0x4  }
0x203: {  	[tilespmem:v12+s16+$0x0] =	vst.idx.msk $0xffff, v10  }
0x204: {  	v12 =	vadd.s32 v4, v11;
	v10 =	vld.idx.msk [tilespmem:v9+s22+$0x4030 ss:$0x1], $0xffff;
	_ =	sdelay $0x4  }
0x205: {  	[tilespmem:v12+s16+$0x0] =	vst.idx.msk $0xffff, v10  }
0x206: {  	v12 =	vadd.s32 v5, v11;
	v10 =	vld.idx.msk [tilespmem:v9+s22+$0x4040 ss:$0x1], $0xffff;
	_ =	sdelay $0x4  }
0x207: {  	[tilespmem:v12+s16+$0x0] =	vst.idx.msk $0xffff, v10  }
0x208: {  	v12 =	vadd.s32 v6, v11;
	v10 =	vld.idx.msk [tilespmem:v9+s22+$0x4050 ss:$0x1], $0xffff;
	_ =	sdelay $0x4  }
0x209: {  	[tilespmem:v12+s16+$0x0] =	vst.idx.msk $0xffff, v10  }
0x20a: {  	v12 =	vadd.s32 v7, v11;
	v10 =	vld.idx.msk [tilespmem:v9+s22+$0x4060 ss:$0x1], $0xffff;
	_ =	sdelay $0x4  }
0x20b: {  	[tilespmem:v12+s16+$0x0] =	vst.idx.msk $0xffff, v10  }
0x20c: {  	v11 =	vadd.s32 v8, v11;
	v10 =	vld.idx.msk [tilespmem:v9+s22+$0x4070 ss:$0x1], $0xffff  }
0x20d: {  	s9 =	simm.s32 $0x8  }
0x20e: {  	s8 =	simm.s32 $0x200;
	s10 =	simm.s32 $0x400;
	v12 =	vmov s9  }
.LBB2_9:
0x20f: {  	p1 =	sne.s32 s10, $0xFE00;
	v12 =	vshrl.u32 v12, $0x3  }
0x210: {  	v12 =	vshll.u32 v12, $0x3  }
0x211: {  	s12 =	sshra.s32 s8, $0x2;
	s8 =	smov.u32 s10;
	v12 =	vbroadcast v12, $0x0;
	[tilespmem:v11+s16+$0x0] =	vst.idx.msk $0xffff, v10  }
0x212: {  	v10 =	vld.idx.msk [tilespmem:v9+s12+$0x4000 ss:$0x1], $0xffff  }
0x213: {  	v11 =	vadd.s32 v0, v12;
	_ =	sdelay $0x4  }
0x214: {  	[tilespmem:v11+s16+$0x0] =	vst.idx.msk $0xffff, v10  }
0x215: {  	v10 =	vld.idx.msk [tilespmem:v9+s12+$0x4010 ss:$0x1], $0xffff  }
0x216: {  	v11 =	vadd.s32 v2, v12;
	_ =	sdelay $0x4  }
0x217: {  	[tilespmem:v11+s16+$0x0] =	vst.idx.msk $0xffff, v10  }
0x218: {  	v10 =	vld.idx.msk [tilespmem:v9+s12+$0x4020 ss:$0x1], $0xffff  }
0x219: {  	v11 =	vadd.s32 v3, v12;
	_ =	sdelay $0x4  }
0x21a: {  	[tilespmem:v11+s16+$0x0] =	vst.idx.msk $0xffff, v10  }
0x21b: {  	v10 =	vld.idx.msk [tilespmem:v9+s12+$0x4030 ss:$0x1], $0xffff  }
0x21c: {  	v11 =	vadd.s32 v4, v12;
	_ =	sdelay $0x4  }
0x21d: {  	[tilespmem:v11+s16+$0x0] =	vst.idx.msk $0xffff, v10  }
0x21e: {  	v10 =	vld.idx.msk [tilespmem:v9+s12+$0x4040 ss:$0x1], $0xffff  }
0x21f: {  	v11 =	vadd.s32 v5, v12;
	_ =	sdelay $0x4  }
0x220: {  	[tilespmem:v11+s16+$0x0] =	vst.idx.msk $0xffff, v10  }
0x221: {  	v10 =	vld.idx.msk [tilespmem:v9+s12+$0x4050 ss:$0x1], $0xffff  }
0x222: {  	v11 =	vadd.s32 v6, v12;
	_ =	sdelay $0x4  }
0x223: {  	[tilespmem:v11+s16+$0x0] =	vst.idx.msk $0xffff, v10  }
0x224: {  	v10 =	vld.idx.msk [tilespmem:v9+s12+$0x4060 ss:$0x1], $0xffff  }
0x225: {  	v11 =	vadd.s32 v7, v12;
	_ =	sdelay $0x4  }
.Ltmp3:
0x226: {  	[tilespmem:v11+s16+$0x0] =	vst.idx.msk $0xffff, v10;
	(pc) =	sbr.rel @p1 .LBB2_9-.Ltmp3, $4  }
0x227: {  	v10 =	vld.idx.msk [tilespmem:v9+s12+$0x4070 ss:$0x1], $0xffff  }
0x228: {  	v11 =	vadd.s32 v8, v12  }
0x229: {  	s9 =	sadd.s32 $0x8, s9  }
0x22a: {  	s10 =	sadd.s32 $0x200, s10;
	v12 =	vmov s9  }
0x22b: {  	_ = 	snop  }
0x22c: {  	v12 =	vshrl.u32 v12, $0x3  }
0x22d: {  	v12 =	vshll.u32 v12, $0x3  }
0x22e: {  	v12 =	vbroadcast v12, $0x0  }
0x22f: {  	s8 =	sshra.s32 s8, $0x2;
	[tilespmem:v11+s16+$0x0] =	vst.idx.msk $0xffff, v10  }
0x230: {  	v10 =	vld.idx.msk [tilespmem:v9+s8+$0x4000 ss:$0x1], $0xffff;
	v11 =	vadd.s32 v0, v12;
	_ =	sdelay $0x4  }
0x231: {  	[tilespmem:v11+s16+$0x0] =	vst.idx.msk $0xffff, v10  }
0x232: {  	v11 =	vadd.s32 v2, v12;
	v10 =	vld.idx.msk [tilespmem:v9+s8+$0x4010 ss:$0x1], $0xffff;
	_ =	sdelay $0x4  }
0x233: {  	[tilespmem:v11+s16+$0x0] =	vst.idx.msk $0xffff, v10  }
0x234: {  	v11 =	vadd.s32 v3, v12;
	v10 =	vld.idx.msk [tilespmem:v9+s8+$0x4020 ss:$0x1], $0xffff;
	_ =	sdelay $0x4  }
0x235: {  	[tilespmem:v11+s16+$0x0] =	vst.idx.msk $0xffff, v10  }
0x236: {  	v11 =	vadd.s32 v4, v12;
	v10 =	vld.idx.msk [tilespmem:v9+s8+$0x4030 ss:$0x1], $0xffff;
	_ =	sdelay $0x4  }
0x237: {  	[tilespmem:v11+s16+$0x0] =	vst.idx.msk $0xffff, v10  }
0x238: {  	v11 =	vadd.s32 v5, v12;
	v10 =	vld.idx.msk [tilespmem:v9+s8+$0x4040 ss:$0x1], $0xffff;
	_ =	sdelay $0x4  }
0x239: {  	[tilespmem:v11+s16+$0x0] =	vst.idx.msk $0xffff, v10  }
0x23a: {  	v11 =	vadd.s32 v6, v12;
	v10 =	vld.idx.msk [tilespmem:v9+s8+$0x4050 ss:$0x1], $0xffff;
	_ =	sdelay $0x4  }
0x23b: {  	[tilespmem:v11+s16+$0x0] =	vst.idx.msk $0xffff, v10  }
0x23c: {  	v11 =	vadd.s32 v7, v12;
	v10 =	vld.idx.msk [tilespmem:v9+s8+$0x4060 ss:$0x1], $0xffff;
	_ =	sdelay $0x4  }
0x23d: {  	[tilespmem:v11+s16+$0x0] =	vst.idx.msk $0xffff, v10  }
0x23e: {  	v10 =	vadd.s32 v8, v12;
	v9 =	vld.idx.msk [tilespmem:v9+s8+$0x4070 ss:$0x1], $0xffff;
	_ =	sdelay $0x3  }
0x23f: {  	s8 =	sadd.s32 s20, s5  }
0x240: {  	s9 =	sadd.s32 $0x80, s8;
	[tilespmem:v10+s16+$0x0] =	vst.idx.msk $0xffff, v9  }
0x241: {  	[hbm4b:s9+s4] =	stream.linear.scatter [tilespmem:s16], [sflag:$0x7], $0x400, $0x38;
	[tilespmem:$0x19900] =	vst v63  }
0x242: {  	s10 =	simm.s32 $0x15C88;
	s20 =	sadd.s32 $0x880, s8  }
0x243: {  	[hbm4b:s20+s4] =	stream.linear.scatter [tilespmem:s10], [sflag:$0x7], $0x400, $0x38;
	[tilespmem:$0x19900] =	vst v63  }
0x244: {  	s22 =	simm.s32 $0x16090;
	s21 =	sadd.s32 $0x1080, s8  }
0x245: {  	[hbm4b:s21+s4] =	stream.linear.scatter [tilespmem:s22], [sflag:$0x7], $0x400, $0x38;
	[tilespmem:$0x19900] =	vst v63  }
0x246: {  	s10 =	sadd.s32 $0x1880, s8  }
0x247: {  	[hbm4b:s10+s4] =	stream.linear.scatter [tilespmem:s23], [sflag:$0x7], $0x400, $0x38;
	[tilespmem:$0x19900] =	vst v63  }
0x248: {  	s12 =	sadd.s32 $0x2080, s8  }
0x249: {  	[hbm4b:s12+s4] =	stream.linear.scatter [tilespmem:s1], [sflag:$0x7], $0x400, $0x38;
	[tilespmem:$0x19900] =	vst v63  }
0x24a: {  	s19 =	sadd.s32 $0x2880, s8  }
0x24b: {  	[hbm4b:s19+s4] =	stream.linear.scatter [tilespmem:s13], [sflag:$0x7], $0x400, $0x38;
	[tilespmem:$0x19900] =	vst v63  }
0x24c: {  	s20 =	sadd.s32 $0x3080, s8  }
0x24d: {  	[hbm4b:s20+s4] =	stream.linear.scatter [tilespmem:s11], [sflag:$0x7], $0x400, $0x38;
	[tilespmem:$0x19900] =	vst v63  }
0x24e: {  	s21 =	sadd.s32 $0x3880, s8  }
0x24f: {  	[hbm4b:s21+s4] =	stream.linear.scatter [tilespmem:s14], [sflag:$0x7], $0x400, $0x38;
	[tilespmem:$0x19900] =	vst v63  }
0x250: {  	s22 =	sadd.s32 $0x4080, s8  }
0x251: {  	[hbm4b:s22+s4] =	stream.linear.scatter [tilespmem:s15], [sflag:$0x7], $0x400, $0x38;
	[tilespmem:$0x19900] =	vst v63  }
0x252: {  	s10 =	sadd.s32 $0x4880, s8  }
0x253: {  	[hbm4b:s10+s4] =	stream.linear.scatter [tilespmem:s3], [sflag:$0x7], $0x400, $0x38;
	[tilespmem:$0x19900] =	vst v63  }
0x254: {  	s12 =	sadd.s32 $0x5080, s8  }
0x255: {  	[hbm4b:s12+s4] =	stream.linear.scatter [tilespmem:s25], [sflag:$0x7], $0x400, $0x38;
	[tilespmem:$0x19900] =	vst v63  }
0x256: {  	s19 =	sadd.s32 $0x5880, s8  }
0x257: {  	[hbm4b:s19+s4] =	stream.linear.scatter [tilespmem:s26], [sflag:$0x7], $0x400, $0x38;
	[tilespmem:$0x19900] =	vst v63  }
0x258: {  	s18 =	sadd.s32 $0x1, s18;
	s20 =	sadd.s32 $0x6080, s8  }
0x259: {  	[hbm4b:s20+s4] =	stream.linear.scatter [tilespmem:s28], [sflag:$0x7], $0x400, $0x38;
	[tilespmem:$0x19900] =	vst v63  }
0x25a: {  	p1 =	sne.s32 s18, $0x32;
	s21 =	sadd.s32 $0x6880, s8  }
0x25b: {  	[hbm4b:s21+s4] =	stream.linear.scatter [tilespmem:s29], [sflag:$0x7], $0x400, $0x38;
	[tilespmem:$0x19900] =	vst v63  }
.Ltmp4:
0x25c: {  	_ = 	snop;
	(pc) =	sbr.rel @p1 .LBB2_6-.Ltmp4, $4  }
0x25d: {  	s22 =	sadd.s32 $0x7080, s8  }
0x25e: {  	[hbm4b:s22+s4] =	stream.linear.scatter [tilespmem:s30], [sflag:$0x7], $0x400, $0x38;
	[tilespmem:$0x19900] =	vst v63  }
0x25f: {  	p0 =	por !p0, !p0;
	s8 =	sadd.s32 $0x7880, s8  }
0x260: {  	[hbm4b:s8+s4] =	stream.linear.scatter [tilespmem:s31], [sflag:$0x7], $0x400, $0x38;
	[tilespmem:$0x19900] =	vst v63  }
0x261: {  	s9 =	simm.s32 $0x5  }
0x262: {  	s8 =	simm.s32 $0x0;
	_ =	swait.ge [sflag:s9], $0x8000  }
0x263: {  	v9 =	vmov s8;
	[sflag:s9] =	ssyncset.done $0x0  }
0x264: {  	v9 =	vshrl.u32 v9, $0x3;
	[sflag:s9] =	ssyncadd.s32 $0xFFFF8000  }
0x265: {  	v9 =	vshll.u32 v9, v1;
	_ =	swait.ge [sflag:s0], $0x4000  }
0x266: {  	v9 =	vbroadcast v9, $0x0;
	[sflag:s0] =	ssyncset.done $0x0  }
0x267: {  	s8 =	simm.s32 $0x9800;
	[sflag:s0] =	ssyncadd.s32 $0xFFFFC000  }
0x268: {  	s10 =	simm.s32 $0x1;
	v9 =	vadd.s32 v0, v9;
	v10 =	vld [tilespmem:s8+$0x0]  }
0x269: {  	v11 =	vmov s10  }
0x26a: {  	v11 =	vshrl.u32 v11, $0x3  }
0x26b: {  	v11 =	vshll.u32 v11, v1  }
0x26c: {  	v11 =	vbroadcast v11, $0x0  }
0x26d: {  	[tilespmem:v9+s24+$0x0] =	vst.idx.msk $0xffff, v10  }
0x26e: {  	s12 =	simm.s32 $0x2;
	v10 =	vadd.s32 v2, v11;
	v9 =	vld [tilespmem:s8+$0x10]  }
0x26f: {  	v11 =	vmov s12  }
0x270: {  	v11 =	vshrl.u32 v11, $0x3  }
0x271: {  	v11 =	vshll.u32 v11, v1  }
0x272: {  	v11 =	vbroadcast v11, $0x0  }
0x273: {  	[tilespmem:v10+s24+$0x0] =	vst.idx.msk $0xffff, v9  }
0x274: {  	s18 =	simm.s32 $0x3;
	v10 =	vadd.s32 v3, v11;
	v9 =	vld [tilespmem:s8+$0x20]  }
0x275: {  	v11 =	vmov s18  }
0x276: {  	v11 =	vshrl.u32 v11, $0x3  }
0x277: {  	v11 =	vshll.u32 v11, v1  }
0x278: {  	v11 =	vbroadcast v11, $0x0  }
0x279: {  	[tilespmem:v10+s24+$0x0] =	vst.idx.msk $0xffff, v9  }
0x27a: {  	s19 =	simm.s32 $0x4;
	v10 =	vadd.s32 v4, v11;
	v9 =	vld [tilespmem:s8+$0x30]  }
0x27b: {  	v11 =	vmov s19  }
0x27c: {  	v11 =	vshrl.u32 v11, $0x3  }
0x27d: {  	v11 =	vshll.u32 v11, v1  }
0x27e: {  	v11 =	vbroadcast v11, $0x0  }
0x27f: {  	[tilespmem:v10+s24+$0x0] =	vst.idx.msk $0xffff, v9  }
0x280: {  	s20 =	simm.s32 $0x5;
	v10 =	vadd.s32 v5, v11;
	v9 =	vld [tilespmem:s8+$0x40]  }
0x281: {  	v11 =	vmov s20  }
0x282: {  	v11 =	vshrl.u32 v11, $0x3  }
0x283: {  	v11 =	vshll.u32 v11, v1  }
0x284: {  	v11 =	vbroadcast v11, $0x0  }
0x285: {  	[tilespmem:v10+s24+$0x0] =	vst.idx.msk $0xffff, v9  }
0x286: {  	s21 =	simm.s32 $0x6;
	v10 =	vadd.s32 v6, v11;
	v9 =	vld [tilespmem:s8+$0x50]  }
0x287: {  	v11 =	vmov s21  }
0x288: {  	v11 =	vshrl.u32 v11, $0x3  }
0x289: {  	v11 =	vshll.u32 v11, v1  }
0x28a: {  	v11 =	vbroadcast v11, $0x0  }
0x28b: {  	[tilespmem:v10+s24+$0x0] =	vst.idx.msk $0xffff, v9  }
0x28c: {  	s22 =	simm.s32 $0x7;
	v10 =	vadd.s32 v7, v11;
	v9 =	vld [tilespmem:s8+$0x60]  }
0x28d: {  	v11 =	vmov s22  }
0x28e: {  	v11 =	vshrl.u32 v11, $0x3  }
0x28f: {  	v11 =	vshll.u32 v11, v1  }
0x290: {  	v11 =	vbroadcast v11, $0x0  }
0x291: {  	[tilespmem:v10+s24+$0x0] =	vst.idx.msk $0xffff, v9  }
0x292: {  	s10 =	simm.s32 $0x17;
	s9 =	simm.s32 $0xF;
	s12 =	simm.s32 $0x8;
	v10 =	vadd.s32 v8, v11;
	v9 =	vld [tilespmem:s8+$0x70]  }
.LBB2_12:
0x293: {  	p0 =	sne.s32 s10, $0x3FF;
	v11 =	vmov s12  }
0x294: {  	v11 =	vshrl.u32 v11, $0x3  }
0x295: {  	v11 =	vshll.u32 v11, v1  }
0x296: {  	v11 =	vbroadcast v11, $0x0  }
0x297: {  	s8 =	sadd.s32 $0x80, s8;
	[tilespmem:v10+s24+$0x0] =	vst.idx.msk $0xffff, v9  }
0x298: {  	s12 =	sadd.s32 $0xFFFFFFFA, s9;
	v9 =	vld [tilespmem:s8+$0x0];
	v10 =	vadd.s32 v0, v11  }
0x299: {  	v11 =	vmov s12  }
0x29a: {  	v11 =	vshrl.u32 v11, $0x3  }
0x29b: {  	v11 =	vshll.u32 v11, v1  }
0x29c: {  	v11 =	vbroadcast v11, $0x0  }
0x29d: {  	[tilespmem:v10+s24+$0x0] =	vst.idx.msk $0xffff, v9  }
0x29e: {  	s12 =	sadd.s32 $0xFFFFFFFB, s9;
	v10 =	vadd.s32 v2, v11;
	v9 =	vld [tilespmem:s8+$0x10]  }
0x29f: {  	v11 =	vmov s12  }
0x2a0: {  	v11 =	vshrl.u32 v11, $0x3  }
0x2a1: {  	v11 =	vshll.u32 v11, v1  }
0x2a2: {  	v11 =	vbroadcast v11, $0x0  }
0x2a3: {  	[tilespmem:v10+s24+$0x0] =	vst.idx.msk $0xffff, v9  }
0x2a4: {  	s12 =	sadd.s32 $0xFFFFFFFC, s9;
	v10 =	vadd.s32 v3, v11;
	v9 =	vld [tilespmem:s8+$0x20]  }
0x2a5: {  	v11 =	vmov s12  }
0x2a6: {  	v11 =	vshrl.u32 v11, $0x3  }
0x2a7: {  	v11 =	vshll.u32 v11, v1  }
0x2a8: {  	v11 =	vbroadcast v11, $0x0  }
0x2a9: {  	[tilespmem:v10+s24+$0x0] =	vst.idx.msk $0xffff, v9  }
0x2aa: {  	s12 =	sadd.s32 $0xFFFFFFFD, s9;
	v10 =	vadd.s32 v4, v11;
	v9 =	vld [tilespmem:s8+$0x30]  }
0x2ab: {  	v11 =	vmov s12  }
0x2ac: {  	v11 =	vshrl.u32 v11, $0x3  }
0x2ad: {  	v11 =	vshll.u32 v11, v1  }
0x2ae: {  	v11 =	vbroadcast v11, $0x0  }
0x2af: {  	[tilespmem:v10+s24+$0x0] =	vst.idx.msk $0xffff, v9  }
0x2b0: {  	s12 =	sadd.s32 $0xFFFFFFFE, s9;
	v10 =	vadd.s32 v5, v11;
	v9 =	vld [tilespmem:s8+$0x40]  }
0x2b1: {  	v11 =	vmov s12  }
0x2b2: {  	v11 =	vshrl.u32 v11, $0x3  }
0x2b3: {  	v11 =	vshll.u32 v11, v1  }
0x2b4: {  	v11 =	vbroadcast v11, $0x0  }
0x2b5: {  	[tilespmem:v10+s24+$0x0] =	vst.idx.msk $0xffff, v9  }
0x2b6: {  	s12 =	sadd.s32 $0xFFFFFFFF, s9;
	v10 =	vadd.s32 v6, v11;
	v9 =	vld [tilespmem:s8+$0x50]  }
0x2b7: {  	v11 =	vmov s12  }
0x2b8: {  	v11 =	vshrl.u32 v11, $0x3  }
0x2b9: {  	v11 =	vshll.u32 v11, v1  }
0x2ba: {  	v11 =	vbroadcast v11, $0x0  }
0x2bb: {  	[tilespmem:v10+s24+$0x0] =	vst.idx.msk $0xffff, v9  }
0x2bc: {  	v10 =	vadd.s32 v7, v11;
	v9 =	vld [tilespmem:s8+$0x60]  }
0x2bd: {  	v11 =	vmov s9;
	s9 =	smov.u32 s10  }
.Ltmp5:
0x2be: {  	v11 =	vshrl.u32 v11, $0x3;
	(pc) =	sbr.rel @p0 .LBB2_12-.Ltmp5, $4  }
0x2bf: {  	v11 =	vshll.u32 v11, v1  }
0x2c0: {  	v11 =	vbroadcast v11, $0x0  }
0x2c1: {  	[tilespmem:v10+s24+$0x0] =	vst.idx.msk $0xffff, v9  }
0x2c2: {  	s10 =	sadd.s32 $0x8, s10;
	s12 =	sadd.s32 $0xFFFFFFF9, s9;
	v10 =	vadd.s32 v8, v11;
	v9 =	vld [tilespmem:s8+$0x70]  }
0x2c3: {  	v11 =	vmov s12  }
0x2c4: {  	v11 =	vshrl.u32 v11, $0x3  }
0x2c5: {  	v11 =	vshll.u32 v11, v1  }
0x2c6: {  	v11 =	vbroadcast v11, $0x0  }
0x2c7: {  	s8 =	sadd.s32 $0x80, s8;
	[tilespmem:v10+s24+$0x0] =	vst.idx.msk $0xffff, v9  }
0x2c8: {  	s10 =	sadd.s32 $0xFFFFFFFA, s9;
	v9 =	vld [tilespmem:s8+$0x0];
	v10 =	vadd.s32 v0, v11  }
0x2c9: {  	v11 =	vmov s10  }
0x2ca: {  	v11 =	vshrl.u32 v11, $0x3  }
0x2cb: {  	v11 =	vshll.u32 v11, v1  }
0x2cc: {  	v11 =	vbroadcast v11, $0x0  }
0x2cd: {  	[tilespmem:v10+s24+$0x0] =	vst.idx.msk $0xffff, v9  }
0x2ce: {  	s22 =	sadd.s32 $0xFFFFFFFB, s9;
	v10 =	vadd.s32 v2, v11;
	v9 =	vld [tilespmem:s8+$0x10]  }
0x2cf: {  	v11 =	vmov s22  }
0x2d0: {  	v11 =	vshrl.u32 v11, $0x3  }
0x2d1: {  	v11 =	vshll.u32 v11, v1  }
0x2d2: {  	v11 =	vbroadcast v11, $0x0  }
0x2d3: {  	[tilespmem:v10+s24+$0x0] =	vst.idx.msk $0xffff, v9  }
0x2d4: {  	s12 =	sadd.s32 $0xFFFFFFFC, s9;
	v10 =	vadd.s32 v3, v11;
	v9 =	vld [tilespmem:s8+$0x20]  }
0x2d5: {  	v11 =	vmov s12  }
0x2d6: {  	v11 =	vshrl.u32 v11, $0x3  }
0x2d7: {  	v11 =	vshll.u32 v11, v1  }
0x2d8: {  	v11 =	vbroadcast v11, $0x0  }
0x2d9: {  	[tilespmem:v10+s24+$0x0] =	vst.idx.msk $0xffff, v9  }
0x2da: {  	s18 =	sadd.s32 $0xFFFFFFFD, s9;
	v10 =	vadd.s32 v4, v11;
	v9 =	vld [tilespmem:s8+$0x30]  }
0x2db: {  	v11 =	vmov s18  }
0x2dc: {  	v11 =	vshrl.u32 v11, $0x3  }
0x2dd: {  	v11 =	vshll.u32 v11, v1  }
0x2de: {  	v11 =	vbroadcast v11, $0x0  }
0x2df: {  	[tilespmem:v10+s24+$0x0] =	vst.idx.msk $0xffff, v9  }
0x2e0: {  	s19 =	sadd.s32 $0xFFFFFFFE, s9;
	v10 =	vadd.s32 v5, v11;
	v9 =	vld [tilespmem:s8+$0x40]  }
0x2e1: {  	v11 =	vmov s19  }
0x2e2: {  	v11 =	vshrl.u32 v11, $0x3  }
0x2e3: {  	v11 =	vshll.u32 v11, v1  }
0x2e4: {  	v11 =	vbroadcast v11, $0x0  }
0x2e5: {  	[tilespmem:v10+s24+$0x0] =	vst.idx.msk $0xffff, v9  }
0x2e6: {  	s20 =	sadd.s32 $0xFFFFFFFF, s9;
	v10 =	vadd.s32 v6, v11;
	v9 =	vld [tilespmem:s8+$0x50]  }
0x2e7: {  	v11 =	vmov s20  }
0x2e8: {  	v11 =	vshrl.u32 v11, $0x3  }
0x2e9: {  	v11 =	vshll.u32 v11, v1  }
0x2ea: {  	v11 =	vbroadcast v11, $0x0  }
0x2eb: {  	[tilespmem:v10+s24+$0x0] =	vst.idx.msk $0xffff, v9  }
0x2ec: {  	v10 =	vadd.s32 v7, v11;
	v9 =	vld [tilespmem:s8+$0x60]  }
0x2ed: {  	v11 =	vmov s9  }
0x2ee: {  	v11 =	vshrl.u32 v11, $0x3  }
0x2ef: {  	v11 =	vshll.u32 v11, v1  }
0x2f0: {  	v11 =	vbroadcast v11, $0x0  }
0x2f1: {  	[tilespmem:v10+s24+$0x0] =	vst.idx.msk $0xffff, v9  }
0x2f2: {  	v10 =	vadd.s32 v8, v11;
	v9 =	vld [tilespmem:s8+$0x70];
	_ =	sdelay $0x4  }
0x2f3: {  	s10 =	rddreg [dreg:$0xa];
	s8 =	simm.s32 $0x0;
	[tilespmem:v10+s24+$0x0] =	vst.idx.msk $0xffff, v9  }
0x2f4: {  	[hbm4b:s10+s8] =	stream.linear.scatter [tilespmem:s24], [sflag:$0x6], $0x400, $0x38;
	[tilespmem:$0x19900] =	vst v63  }
0x2f5: {  	s21 =	sadd.s32 $0x800, s10;
	s22 =	simm.s32 $0x11C08  }
0x2f6: {  	[hbm4b:s21+s8] =	stream.linear.scatter [tilespmem:s22], [sflag:$0x6], $0x400, $0x38;
	[tilespmem:$0x19900] =	vst v63  }
0x2f7: {  	s12 =	sadd.s32 $0x1000, s10;
	s18 =	simm.s32 $0x12010  }
0x2f8: {  	[hbm4b:s12+s8] =	stream.linear.scatter [tilespmem:s18], [sflag:$0x6], $0x400, $0x38;
	[tilespmem:$0x19900] =	vst v63  }
0x2f9: {  	s19 =	sadd.s32 $0x1800, s10;
	s20 =	simm.s32 $0x12418  }
0x2fa: {  	[hbm4b:s19+s8] =	stream.linear.scatter [tilespmem:s20], [sflag:$0x6], $0x400, $0x38;
	[tilespmem:$0x19900] =	vst v63  }
0x2fb: {  	s21 =	sadd.s32 $0x2000, s10;
	s22 =	simm.s32 $0x12820  }
0x2fc: {  	[hbm4b:s21+s8] =	stream.linear.scatter [tilespmem:s22], [sflag:$0x6], $0x400, $0x38;
	[tilespmem:$0x19900] =	vst v63  }
0x2fd: {  	s12 =	sadd.s32 $0x2800, s10;
	s18 =	simm.s32 $0x12C28  }
0x2fe: {  	[hbm4b:s12+s8] =	stream.linear.scatter [tilespmem:s18], [sflag:$0x6], $0x400, $0x38;
	[tilespmem:$0x19900] =	vst v63  }
0x2ff: {  	s19 =	sadd.s32 $0x3000, s10;
	s20 =	simm.s32 $0x13030  }
0x300: {  	[hbm4b:s19+s8] =	stream.linear.scatter [tilespmem:s20], [sflag:$0x6], $0x400, $0x38;
	[tilespmem:$0x19900] =	vst v63  }
0x301: {  	s21 =	sadd.s32 $0x3800, s10;
	s22 =	simm.s32 $0x13438  }
0x302: {  	[hbm4b:s21+s8] =	stream.linear.scatter [tilespmem:s22], [sflag:$0x6], $0x400, $0x38;
	[tilespmem:$0x19900] =	vst v63  }
0x303: {  	s12 =	sadd.s32 $0x4000, s10;
	s18 =	simm.s32 $0x13840  }
0x304: {  	[hbm4b:s12+s8] =	stream.linear.scatter [tilespmem:s18], [sflag:$0x6], $0x400, $0x38;
	[tilespmem:$0x19900] =	vst v63  }
0x305: {  	s19 =	sadd.s32 $0x4800, s10;
	s20 =	simm.s32 $0x13C48  }
0x306: {  	[hbm4b:s19+s8] =	stream.linear.scatter [tilespmem:s20], [sflag:$0x6], $0x400, $0x38;
	[tilespmem:$0x19900] =	vst v63  }
0x307: {  	s21 =	sadd.s32 $0x5000, s10;
	s22 =	simm.s32 $0x14050  }
0x308: {  	[hbm4b:s21+s8] =	stream.linear.scatter [tilespmem:s22], [sflag:$0x6], $0x400, $0x38;
	[tilespmem:$0x19900] =	vst v63  }
0x309: {  	s12 =	sadd.s32 $0x5800, s10;
	s18 =	simm.s32 $0x14458  }
0x30a: {  	[hbm4b:s12+s8] =	stream.linear.scatter [tilespmem:s18], [sflag:$0x6], $0x400, $0x38;
	[tilespmem:$0x19900] =	vst v63  }
0x30b: {  	s19 =	sadd.s32 $0x6000, s10;
	s20 =	simm.s32 $0x14860  }
0x30c: {  	[hbm4b:s19+s8] =	stream.linear.scatter [tilespmem:s20], [sflag:$0x6], $0x400, $0x38;
	[tilespmem:$0x19900] =	vst v63  }
0x30d: {  	s21 =	sadd.s32 $0x6800, s10;
	s22 =	simm.s32 $0x14C68  }
0x30e: {  	[hbm4b:s21+s8] =	stream.linear.scatter [tilespmem:s22], [sflag:$0x6], $0x400, $0x38;
	[tilespmem:$0x19900] =	vst v63  }
0x30f: {  	s18 =	sadd.s32 $0x7000, s10;
	s19 =	simm.s32 $0x15070  }
0x310: {  	[hbm4b:s18+s8] =	stream.linear.scatter [tilespmem:s19], [sflag:$0x6], $0x400, $0x38;
	[tilespmem:$0x19900] =	vst v63  }
0x311: {  	v9 =	vmov s8;
	s20 =	sadd.s32 $0x7800, s10;
	s21 =	simm.s32 $0x15478  }
0x312: {  	v9 =	vshrl.u32 v9, $0x3;
	[hbm4b:s20+s8] =	stream.linear.scatter [tilespmem:s21], [sflag:$0x6], $0x400, $0x38;
	[tilespmem:$0x19900] =	vst v63  }
0x313: {  	v9 =	vshll.u32 v9, $0x3;
	_ =	swait.ge [sflag:s2], $0x4000  }
0x314: {  	v10 =	vbroadcast v9, $0x0;
	[sflag:s2] =	ssyncset.done $0x0  }
0x315: {  	s22 =	simm.s32 $0x0;
	[sflag:s2] =	ssyncadd.s32 $0xFFFFC000  }
0x316: {  	v11 =	vadd.s32 v0, v10;
	v9 =	vld [tilespmem:s22+$0xD800];
	_ =	sdelay $0x4  }
0x317: {  	[tilespmem:v11+s16+$0x0] =	vst.idx.msk $0xffff, v9  }
0x318: {  	v11 =	vadd.s32 v2, v10;
	v9 =	vld [tilespmem:s22+$0xD810];
	_ =	sdelay $0x4  }
0x319: {  	[tilespmem:v11+s16+$0x0] =	vst.idx.msk $0xffff, v9  }
0x31a: {  	v11 =	vadd.s32 v3, v10;
	v9 =	vld [tilespmem:s22+$0xD820];
	_ =	sdelay $0x4  }
0x31b: {  	[tilespmem:v11+s16+$0x0] =	vst.idx.msk $0xffff, v9  }
0x31c: {  	v11 =	vadd.s32 v4, v10;
	v9 =	vld [tilespmem:s22+$0xD830];
	_ =	sdelay $0x4  }
0x31d: {  	[tilespmem:v11+s16+$0x0] =	vst.idx.msk $0xffff, v9  }
0x31e: {  	v11 =	vadd.s32 v5, v10;
	v9 =	vld [tilespmem:s22+$0xD840];
	_ =	sdelay $0x4  }
0x31f: {  	[tilespmem:v11+s16+$0x0] =	vst.idx.msk $0xffff, v9  }
0x320: {  	v11 =	vadd.s32 v6, v10;
	v9 =	vld [tilespmem:s22+$0xD850];
	_ =	sdelay $0x4  }
0x321: {  	[tilespmem:v11+s16+$0x0] =	vst.idx.msk $0xffff, v9  }
0x322: {  	v11 =	vadd.s32 v7, v10;
	v9 =	vld [tilespmem:s22+$0xD860];
	_ =	sdelay $0x4  }
0x323: {  	[tilespmem:v11+s16+$0x0] =	vst.idx.msk $0xffff, v9  }
0x324: {  	s9 =	simm.s32 $0x8;
	v10 =	vadd.s32 v8, v10;
	v9 =	vld [tilespmem:s22+$0xD870]  }
0x325: {  	s10 =	simm.s32 $0x400;
	s8 =	simm.s32 $0x200;
	v11 =	vmov s9  }
.LBB2_14:
0x326: {  	p0 =	sne.s32 s10, $0xFE00;
	v11 =	vshrl.u32 v11, $0x3  }
0x327: {  	v11 =	vshll.u32 v11, $0x3  }
0x328: {  	v11 =	vbroadcast v11, $0x0  }
0x329: {  	s12 =	sshra.s32 s8, $0x2;
	s8 =	smov.u32 s10;
	[tilespmem:v10+s16+$0x0] =	vst.idx.msk $0xffff, v9  }
0x32a: {  	v9 =	vld [tilespmem:s12+$0xD800];
	v10 =	vadd.s32 v0, v11;
	_ =	sdelay $0x4  }
0x32b: {  	[tilespmem:v10+s16+$0x0] =	vst.idx.msk $0xffff, v9  }
0x32c: {  	v10 =	vadd.s32 v2, v11;
	v9 =	vld [tilespmem:s12+$0xD810];
	_ =	sdelay $0x4  }
0x32d: {  	[tilespmem:v10+s16+$0x0] =	vst.idx.msk $0xffff, v9  }
0x32e: {  	v10 =	vadd.s32 v3, v11;
	v9 =	vld [tilespmem:s12+$0xD820];
	_ =	sdelay $0x4  }
0x32f: {  	[tilespmem:v10+s16+$0x0] =	vst.idx.msk $0xffff, v9  }
0x330: {  	v10 =	vadd.s32 v4, v11;
	v9 =	vld [tilespmem:s12+$0xD830];
	_ =	sdelay $0x4  }
0x331: {  	[tilespmem:v10+s16+$0x0] =	vst.idx.msk $0xffff, v9  }
0x332: {  	v10 =	vadd.s32 v5, v11;
	v9 =	vld [tilespmem:s12+$0xD840];
	_ =	sdelay $0x4  }
0x333: {  	[tilespmem:v10+s16+$0x0] =	vst.idx.msk $0xffff, v9  }
0x334: {  	v10 =	vadd.s32 v6, v11;
	v9 =	vld [tilespmem:s12+$0xD850];
	_ =	sdelay $0x4  }
0x335: {  	[tilespmem:v10+s16+$0x0] =	vst.idx.msk $0xffff, v9  }
0x336: {  	v10 =	vadd.s32 v7, v11;
	v9 =	vld [tilespmem:s12+$0xD860];
	_ =	sdelay $0x2  }
.Ltmp6:
0x337: {  	(pc) =	sbr.rel @p0 .LBB2_14-.Ltmp6, $4  }
0x338: {  	_ = 	snop  }
0x339: {  	[tilespmem:v10+s16+$0x0] =	vst.idx.msk $0xffff, v9  }
0x33a: {  	s9 =	sadd.s32 $0x8, s9;
	v10 =	vadd.s32 v8, v11;
	v9 =	vld [tilespmem:s12+$0xD870]  }
0x33b: {  	s10 =	sadd.s32 $0x200, s10;
	v11 =	vmov s9  }
0x33c: {  	_ = 	snop  }
0x33d: {  	v11 =	vshrl.u32 v11, $0x3  }
0x33e: {  	v11 =	vshll.u32 v11, $0x3  }
0x33f: {  	v11 =	vbroadcast v11, $0x0  }
0x340: {  	s8 =	sshra.s32 s8, $0x2;
	[tilespmem:v10+s16+$0x0] =	vst.idx.msk $0xffff, v9  }
0x341: {  	v9 =	vld [tilespmem:s8+$0xD800];
	v10 =	vadd.s32 v0, v11;
	_ =	sdelay $0x4  }
0x342: {  	[tilespmem:v10+s16+$0x0] =	vst.idx.msk $0xffff, v9  }
0x343: {  	v10 =	vadd.s32 v2, v11;
	v9 =	vld [tilespmem:s8+$0xD810];
	_ =	sdelay $0x4  }
0x344: {  	[tilespmem:v10+s16+$0x0] =	vst.idx.msk $0xffff, v9  }
0x345: {  	v10 =	vadd.s32 v3, v11;
	v9 =	vld [tilespmem:s8+$0xD820];
	_ =	sdelay $0x4  }
0x346: {  	[tilespmem:v10+s16+$0x0] =	vst.idx.msk $0xffff, v9  }
0x347: {  	v10 =	vadd.s32 v4, v11;
	v9 =	vld [tilespmem:s8+$0xD830];
	_ =	sdelay $0x4  }
0x348: {  	[tilespmem:v10+s16+$0x0] =	vst.idx.msk $0xffff, v9  }
0x349: {  	v10 =	vadd.s32 v5, v11;
	v9 =	vld [tilespmem:s8+$0xD840];
	_ =	sdelay $0x4  }
0x34a: {  	[tilespmem:v10+s16+$0x0] =	vst.idx.msk $0xffff, v9  }
0x34b: {  	v10 =	vadd.s32 v6, v11;
	v9 =	vld [tilespmem:s8+$0xD850];
	_ =	sdelay $0x4  }
0x34c: {  	[tilespmem:v10+s16+$0x0] =	vst.idx.msk $0xffff, v9  }
0x34d: {  	v10 =	vadd.s32 v7, v11;
	v9 =	vld [tilespmem:s8+$0xD860];
	_ =	sdelay $0x4  }
0x34e: {  	[tilespmem:v10+s16+$0x0] =	vst.idx.msk $0xffff, v9  }
0x34f: {  	v10 =	vadd.s32 v8, v11;
	v9 =	vld [tilespmem:s8+$0xD870];
	_ =	sdelay $0x4  }
0x350: {  	s9 =	rddreg [dreg:$0xb];
	[tilespmem:v10+s16+$0x0] =	vst.idx.msk $0xffff, v9  }
0x351: {  	[hbm4b:s9+s4] =	stream.linear.scatter [tilespmem:s16], [sflag:$0x7], $0x400, $0x38;
	[tilespmem:$0x19900] =	vst v63  }
0x352: {  	s10 =	simm.s32 $0x15C88;
	s19 =	sadd.s32 $0x800, s9  }
0x353: {  	[hbm4b:s19+s4] =	stream.linear.scatter [tilespmem:s10], [sflag:$0x7], $0x400, $0x38;
	[tilespmem:$0x19900] =	vst v63  }
0x354: {  	s21 =	simm.s32 $0x16090;
	s20 =	sadd.s32 $0x1000, s9  }
0x355: {  	[hbm4b:s20+s4] =	stream.linear.scatter [tilespmem:s21], [sflag:$0x7], $0x400, $0x38;
	[tilespmem:$0x19900] =	vst v63  }
0x356: {  	s22 =	sadd.s32 $0x1800, s9  }
0x357: {  	[hbm4b:s22+s4] =	stream.linear.scatter [tilespmem:s23], [sflag:$0x7], $0x400, $0x38;
	[tilespmem:$0x19900] =	vst v63  }
0x358: {  	s10 =	sadd.s32 $0x2000, s9  }
0x359: {  	[hbm4b:s10+s4] =	stream.linear.scatter [tilespmem:s1], [sflag:$0x7], $0x400, $0x38;
	[tilespmem:$0x19900] =	vst v63  }
0x35a: {  	s12 =	sadd.s32 $0x2800, s9  }
0x35b: {  	[hbm4b:s12+s4] =	stream.linear.scatter [tilespmem:s13], [sflag:$0x7], $0x400, $0x38;
	[tilespmem:$0x19900] =	vst v63  }
0x35c: {  	s18 =	sadd.s32 $0x3000, s9  }
0x35d: {  	[hbm4b:s18+s4] =	stream.linear.scatter [tilespmem:s11], [sflag:$0x7], $0x400, $0x38;
	[tilespmem:$0x19900] =	vst v63  }
0x35e: {  	s19 =	sadd.s32 $0x3800, s9  }
0x35f: {  	[hbm4b:s19+s4] =	stream.linear.scatter [tilespmem:s14], [sflag:$0x7], $0x400, $0x38;
	[tilespmem:$0x19900] =	vst v63  }
0x360: {  	s20 =	sadd.s32 $0x4000, s9  }
0x361: {  	[hbm4b:s20+s4] =	stream.linear.scatter [tilespmem:s15], [sflag:$0x7], $0x400, $0x38;
	[tilespmem:$0x19900] =	vst v63  }
0x362: {  	s21 =	sadd.s32 $0x4800, s9  }
0x363: {  	[hbm4b:s21+s4] =	stream.linear.scatter [tilespmem:s3], [sflag:$0x7], $0x400, $0x38;
	[tilespmem:$0x19900] =	vst v63  }
0x364: {  	s22 =	sadd.s32 $0x5000, s9  }
0x365: {  	[hbm4b:s22+s4] =	stream.linear.scatter [tilespmem:s25], [sflag:$0x7], $0x400, $0x38;
	[tilespmem:$0x19900] =	vst v63  }
0x366: {  	s10 =	sadd.s32 $0x5800, s9  }
0x367: {  	[hbm4b:s10+s4] =	stream.linear.scatter [tilespmem:s26], [sflag:$0x7], $0x400, $0x38;
	[tilespmem:$0x19900] =	vst v63  }
0x368: {  	s12 =	sadd.s32 $0x6000, s9  }
0x369: {  	[hbm4b:s12+s4] =	stream.linear.scatter [tilespmem:s28], [sflag:$0x7], $0x400, $0x38;
	[tilespmem:$0x19900] =	vst v63  }
0x36a: {  	s18 =	sadd.s32 $0x6800, s9  }
0x36b: {  	[hbm4b:s18+s4] =	stream.linear.scatter [tilespmem:s29], [sflag:$0x7], $0x400, $0x38;
	[tilespmem:$0x19900] =	vst v63  }
0x36c: {  	s19 =	sadd.s32 $0x7000, s9  }
0x36d: {  	[hbm4b:s19+s4] =	stream.linear.scatter [tilespmem:s30], [sflag:$0x7], $0x400, $0x38;
	[tilespmem:$0x19900] =	vst v63  }
0x36e: {  	s20 =	sadd.s32 $0x7800, s9  }
0x36f: {  	[hbm4b:s20+s4] =	stream.linear.scatter [tilespmem:s31], [sflag:$0x7], $0x400, $0x38;
	[tilespmem:$0x19900] =	vst v63  }
0x370: {  	_ =	swait.ge [sflag:s0], $0x4000  }
0x371: {  	[sflag:s0] =	ssyncset.done $0x0  }
0x372: {  	[sflag:s0] =	ssyncadd.s32 $0xFFFFC000  }
0x373: {  	_ =	swait.ge [sflag:s2], $0x4000  }
0x374: {  	s21 =	rddreg [dreg:$0xd]  }
0x375: {  	s22 =	rddreg [dreg:$0xc];
	s9 =	sadd.s32 $0x1, s21  }
0x376: {  	p0 =	sne.s32 s9, s22  }
.Ltmp7:
0x377: {  	_ = 	snop;
	(pc) =	sbr.rel @p0 .LBB2_1-.Ltmp7, $3  }
0x378: {  	_ =	sdelay $0x1  }
0x379: {  	[sflag:s2] =	ssyncset.done $0x0  }
0x37a: {  	[sflag:s2] =	ssyncadd.s32 $0xFFFFC000  }
0x37b: {  	_ =	sfence.sel $0x180000  }
0x37c: {  	[bflag:$0x0] =	sbarrier.arrive $0xFFFF  }
0x37d: {  	_ =	strace $0x90000047  }
0x37e: {  	s0 =	stileid.u32;
	[bflag:$0x2] =	sbarrier.arrive $0xFFFF  }
0x37f: {  	p0 =	sne.s32 s0, $0x0;
	s0 =	rddreg [dreg:$0x3]  }
0x380: {  	s0 =	sadd.s32 @!p0 $0x100000, s0  }
0x381: {  	[sflag:s0] =	ssyncadd.tile.s32 @!p0 $0x1;
	_ =	shalt  }
.Lfunc_end2:
_tile_overlayer_lowered:
.L_overlay_start_2:
0x382: {  	(tag) =	ssettag $0x2  }
0x383: {  	s0 =	rddreg [dreg:$0x0];
	s2 =	stileid.u32  }
0x384: {  	s1 =	rddreg [dreg:$0x1];
	p0 =	sne.s32 s2, $0x0  }
0x385: {  	s3 =	rddreg [dreg:$0x2];
	[bflag:$0x3] =	sbarrier.arrive $0xFFFF;
	s2 =	simm.s32 @!p0 $0x1C08  }
0x386: {  	[timem:s3], [sflag:s2] =	dma.local @!p0 [hbm:s0], s1  }
0x387: {  	s0 =	simm.s32 @!p0 $0x8  }
0x388: {  	_ =	swait.ge @!p0 [sflag:s0], s1  }
0x389: {  	s1 =	ssub.s32 @!p0 $0x0, s1;
	[sflag:s0] =	ssyncset.done @!p0 $0x0  }
0x38a: {  	[sflag:s0] =	ssyncadd.s32 @!p0 s1  }
0x38b: {  	[bflag:$0x3] =	sbarrier.arrive $0xFFFF  }
0x38c: {  	_ =	shalt  }

</sc_bundles>
